<compile_context>
chip_gen: v7x
topology: tpu7x:2x2x1
jax: 0.10.2.dev20260603
libtpu: 0.0.44.dev20260713+nightly
codegen_flags: <defaults>
</compile_context>

<pallas_src>
import functools

import jax
import jax.numpy as jnp
import numpy as np
from jax import lax
from jax.experimental import pallas as pl
from jax.experimental.pallas import tpu as pltpu
from jax.experimental.pallas import tpu_sc as plsc

MAXF = 1024
D_EMB = 256
NFEAT = 10
D_OUT = D_EMB + 2 * NFEAT
D_PAD = 288
B = 16384
NDIFF = 2
NROWS = B * NDIFF

NC, NS = 2, 16
NW = NC * NS
RW = NROWS // NW
CHUNK = 64
NCHUNK = RW // CHUNK
CWORDS = CHUNK * D_OUT
GV = CWORDS // 16
MAGIC, SHIFT = 15197, 22


def _diff_body(t_ref, d_ref):
    t = t_ref[...]
    d_ref[...] = t[:, 1:3] - t[:, 0:2]


def _table_body(emb_ref, tab_ref):
    d = lax.broadcasted_iota(jnp.int32, (MAXF, NFEAT), 0).astype(jnp.float32)
    j = lax.broadcasted_iota(jnp.int32, (MAXF, NFEAT), 1).astype(jnp.float32)
    raw = d * jnp.exp2(j) * (np.pi / MAXF)
    pad = jnp.zeros((MAXF, D_PAD - D_OUT), jnp.float32)
    tab_ref[...] = jnp.concatenate(
        [emb_ref[...], jnp.sin(raw), jnp.cos(raw), pad], axis=1)


def _sc_body(tab_hbm, idx_hbm, out_hbm,
             idx_v, g0, g1, c0, c1, gs0, gs1, ss0, ss1):
    wid = lax.axis_index("s") * NC + lax.axis_index("c")
    pltpu.sync_copy(idx_hbm.at[pl.ds(wid * NCHUNK, NCHUNK)], idx_v)
    gbufs, cbufs = (g0, g1), (c0, c1)
    gsems, ssems = (gs0, gs1), (ss0, ss1)
    out_base = pl.multiple_of(wid * (RW * D_OUT), RW * D_OUT)

    def start_gather(c):
        return pltpu.async_copy(tab_hbm.at[idx_v.at[c]], gbufs[c % 2],
                                gsems[c % 2])

    g = {0: start_gather(0), 1: start_gather(1)}
    s = {}
    for c in range(NCHUNK):
        if c >= 2:
            s[c - 2].wait()
        g[c].wait()
        gbuf, cbuf = gbufs[c % 2], cbufs[c % 2]

        @plsc.parallel_loop(0, GV, 1, unroll=8)
        def _compact(v):
            w = v * 16 + lax.iota(jnp.int32, 16)
            r = (w * MAGIC) >> SHIFT
            col = w - r * D_OUT
            vals = plsc.load_gather(gbuf, [r, col])
            cbuf[pl.ds(pl.multiple_of(v * 16, 16), 16)] = vals

        s[c] = pltpu.async_copy(
            cbuf, out_hbm.at[pl.ds(out_base + c * CWORDS, CWORDS)],
            ssems[c % 2])
        if c + 2 < NCHUNK:
            g[c + 2] = start_gather(c + 2)
    s[NCHUNK - 2].wait()
    s[NCHUNK - 1].wait()


def kernel(t, embed_table):
    diffs = pl.pallas_call(
        _diff_body,
        grid=(16,),
        in_specs=[pl.BlockSpec((B // 16, 3), lambda i: (i, 0))],
        out_specs=pl.BlockSpec((B // 16, NDIFF), lambda i: (i, 0)),
        out_shape=jax.ShapeDtypeStruct((B, NDIFF), jnp.int32),
    )(t)

    fused_tab = pl.pallas_call(
        _table_body,
        out_shape=jax.ShapeDtypeStruct((MAXF, D_PAD), jnp.float32),
    )(embed_table)

    idx2d = diffs.reshape(NROWS // CHUNK, CHUNK)

    mesh = plsc.VectorSubcoreMesh(core_axis_name="c", subcore_axis_name="s")
    sc_gather = functools.partial(
        pl.kernel,
        mesh=mesh,
        compiler_params=pltpu.CompilerParams(
            use_tc_tiling_on_sc=False, needs_layout_passes=False),
        out_type=jax.ShapeDtypeStruct((NROWS * D_OUT,), jnp.float32),
        scratch_types=[
            pltpu.VMEM((NCHUNK, CHUNK), jnp.int32),
            pltpu.VMEM((CHUNK, D_PAD), jnp.float32),
            pltpu.VMEM((CHUNK, D_PAD), jnp.float32),
            pltpu.VMEM((CWORDS,), jnp.float32),
            pltpu.VMEM((CWORDS,), jnp.float32),
            pltpu.SemaphoreType.DMA,
            pltpu.SemaphoreType.DMA,
            pltpu.SemaphoreType.DMA,
            pltpu.SemaphoreType.DMA,
        ],
    )(_sc_body)

    out = sc_gather(fused_tab, idx2d)
    return out.reshape(B, NDIFF * D_OUT)

# --- scband reference (transcript-rebuilt; emitter-appended) ---
"""Pipeline reference for scband-temporal-difference-encoder-7370163879948 (READ-ONLY COPY).

The authoritative reference and input builder live on the scoring server;
editing this copy changes nothing except your own understanding.
"""

import jax, jax.numpy as jnp
import numpy as np

MAX_NUM_FRAMES = 1024
D = 256
BATCH = 16384
NUM_FRAMES = 3

def _fourier_coefs():
    time_resolution = 2 ** np.ceil(np.log2(MAX_NUM_FRAMES))
    num_feats = int(np.ceil(np.log2(time_resolution)))
    powers = (2.0 ** np.arange(num_feats)).astype(np.float32)
    return jnp.asarray(powers[None, :] * np.pi / time_resolution, dtype=jnp.float32)


def setup_inputs(seed: int = 0) -> dict:
    key = jax.random.key(seed)
    k1, k2 = jax.random.split(key)
    t = jnp.sort(jax.random.randint(k1, (BATCH, NUM_FRAMES), 0, MAX_NUM_FRAMES, dtype=jnp.int32), axis=1)
    embed_table = jax.random.normal(k2, (MAX_NUM_FRAMES, D), dtype=jnp.float32)
    return {"t": t, "embed_table": embed_table}


def reference(t, embed_table):
    # cfg.sampling.type != 'uniform' -> use all (num_frames-1) consecutive diffs
    B = t.shape[0]
    t_diffs = (t[:, 1:] - t[:, :-1]).reshape(-1)
    idx = jnp.round(t_diffs.astype(jnp.float32)).astype(jnp.int32)
    const_embs = jnp.take(embed_table, idx, axis=0)  # [B*(F-1), 256]
    coefs = _fourier_coefs()  # [1, 10]
    raw = coefs * t_diffs.astype(jnp.float32)[:, None]  # [B*(F-1), 10]
    fourier_embs = jnp.concatenate([jnp.sin(raw), jnp.cos(raw)], axis=1)  # [B*(F-1), 20]
    out = jnp.concatenate([const_embs, fourier_embs], axis=1)  # [B*(F-1), 276]
    out = out.reshape(B, -1)  # [B, (F-1)*276] = [16384, 552]
    return out

if __name__ == "__main__":
    import jax
    _d = setup_inputs()
    print(jax.jit(kernel)(*tuple(_d.values())))

</pallas_src>

<mosaic_0001>
#map = affine_map<(d0, d1) -> (0, 0)>
#map1 = affine_map<(d0, d1) -> (0)>
module attributes {stable_mosaic.version = 14 : i64} {
  func.func @_sc_body(%arg0: i32, %arg1: i32, %arg2: memref<1024x288xf32, #tpu.memory_space<hbm>>, %arg3: memref<512x64xi32, #tpu.memory_space<hbm>>, %arg4: memref<9043968xf32, #tpu.memory_space<hbm>>, %arg5: memref<16x64xi32, #tpu.memory_space<vmem>>, %arg6: memref<64x288xf32, #tpu.memory_space<vmem>>, %arg7: memref<64x288xf32, #tpu.memory_space<vmem>>, %arg8: memref<17664xf32, #tpu.memory_space<vmem>>, %arg9: memref<17664xf32, #tpu.memory_space<vmem>>, %arg10: memref<!tpu.dma_semaphore, #tpu.memory_space<semaphore_mem>>, %arg11: memref<!tpu.dma_semaphore, #tpu.memory_space<semaphore_mem>>, %arg12: memref<!tpu.dma_semaphore, #tpu.memory_space<semaphore_mem>>, %arg13: memref<!tpu.dma_semaphore, #tpu.memory_space<semaphore_mem>>) attributes {dimension_semantics = [#tpu.dimension_semantics<core_parallel>, #tpu.dimension_semantics<subcore_parallel>], iteration_bounds = array<i64: 2, 16>, scalar_prefetch = 0 : i64, scratch_operands = 9 : i64, tpu.core_type = #tpu.core_type<sc_vector_subcore>, window_params = [{transform_indices = #map}, {transform_indices = #map}, {transform_indices = #map1}]} {
    %mul3A = arith.constant 2 : i32
    %mul3A_0 = arith.muli %arg1, %mul3A : i32
    %add3A = arith.addi %mul3A_0, %arg0 : i32
    %mul3A_1 = arith.constant 16 : i32
    %mul3A_2 = arith.muli %add3A, %mul3A_1 : i32
    "tpu.region"() ({
      %run_scoped3A = tpu.sem_alloc : memref<!tpu.dma_semaphore, #tpu.memory_space<semaphore_mem>>
      %dma_start3A_370 = arith.constant 0 : i32
      %dma_start3A_371 = tpu.memref_slice %arg3[%mul3A_2, %dma_start3A_370] : memref<512x64xi32, #tpu.memory_space<hbm>> -> memref<16x64xi32, #tpu.memory_space<hbm>>
      %dma_start3A_372 = arith.constant 0 : i32
      %dma_start3A_373 = tpu.memref_slice %arg3[%mul3A_2, %dma_start3A_372] : memref<512x64xi32, #tpu.memory_space<hbm>> -> memref<16x64xi32, #tpu.memory_space<hbm>>
      tpu.enqueue_dma source(%dma_start3A_373 : memref<16x64xi32, #tpu.memory_space<hbm>>) target(%arg5 : memref<16x64xi32, #tpu.memory_space<vmem>>) target_semaphore(%run_scoped3A : memref<!tpu.dma_semaphore, #tpu.memory_space<semaphore_mem>>)
      %dma_wait3A_374 = arith.constant 0 : i32
      %dma_wait3A_375 = tpu.memref_slice %arg3[%mul3A_2, %dma_wait3A_374] : memref<512x64xi32, #tpu.memory_space<hbm>> -> memref<16x64xi32, #tpu.memory_space<hbm>>
      %dma_wait3A_376 = arith.constant 0 : i32
      %dma_wait3A_377 = tpu.memref_slice %arg3[%mul3A_2, %dma_wait3A_376] : memref<512x64xi32, #tpu.memory_space<hbm>> -> memref<16x64xi32, #tpu.memory_space<hbm>>
      tpu.wait_dma2 semaphore(%run_scoped3A : memref<!tpu.dma_semaphore, #tpu.memory_space<semaphore_mem>>) src(%dma_wait3A_377 : memref<16x64xi32, #tpu.memory_space<hbm>>) dst(%arg5 : memref<16x64xi32, #tpu.memory_space<vmem>>)
      tpu.yield
    }) : () -> ()
    %mul3A_3 = arith.constant 282624 : i32
    %mul3A_4 = arith.muli %add3A, %mul3A_3 : i32
    %multiple_of3A = tpu.assume_multiple %mul3A_4, 282624 : i32
    %dma_start3A = arith.constant 0 : i32
    %dma_start3A_5 = arith.constant 0 : i32
    %dma_start3A_6 = tpu.memref_slice %arg5[%dma_start3A, %dma_start3A_5] : memref<16x64xi32, #tpu.memory_space<vmem>> -> memref<1x64xi32, #tpu.memory_space<vmem>>
    %dma_start3A_7 = tpu.memref_squeeze %dma_start3A_6 : memref<1x64xi32, #tpu.memory_space<vmem>> -> memref<64xi32, #tpu.memory_space<vmem>>
    %dma_start3A_8 = arith.constant 0 : i32
    %dma_start3A_9 = arith.constant 0 : i32
    %dma_start3A_10 = tpu.memref_slice %arg2[%dma_start3A_8, %dma_start3A_9] : memref<1024x288xf32, #tpu.memory_space<hbm>> -> memref<1024x288xf32, #tpu.memory_space<hbm>>
    tpu.enqueue_indirect_dma source(%dma_start3A_10 : memref<1024x288xf32, #tpu.memory_space<hbm>>) target(%arg6 : memref<64x288xf32, #tpu.memory_space<vmem>>) offsets(%dma_start3A_7 : memref<64xi32, #tpu.memory_space<vmem>>) semaphore(%arg10 : memref<!tpu.dma_semaphore, #tpu.memory_space<semaphore_mem>>)
    %dma_start3A_11 = arith.constant 1 : i32
    %dma_start3A_12 = arith.constant 0 : i32
    %dma_start3A_13 = tpu.memref_slice %arg5[%dma_start3A_11, %dma_start3A_12] : memref<16x64xi32, #tpu.memory_space<vmem>> -> memref<1x64xi32, #tpu.memory_space<vmem>>
    %dma_start3A_14 = tpu.memref_squeeze %dma_start3A_13 : memref<1x64xi32, #tpu.memory_space<vmem>> -> memref<64xi32, #tpu.memory_space<vmem>>
    %dma_start3A_15 = arith.constant 0 : i32
    %dma_start3A_16 = arith.constant 0 : i32
    %dma_start3A_17 = tpu.memref_slice %arg2[%dma_start3A_15, %dma_start3A_16] : memref<1024x288xf32, #tpu.memory_space<hbm>> -> memref<1024x288xf32, #tpu.memory_space<hbm>>
    tpu.enqueue_indirect_dma source(%dma_start3A_17 : memref<1024x288xf32, #tpu.memory_space<hbm>>) target(%arg7 : memref<64x288xf32, #tpu.memory_space<vmem>>) offsets(%dma_start3A_14 : memref<64xi32, #tpu.memory_space<vmem>>) semaphore(%arg11 : memref<!tpu.dma_semaphore, #tpu.memory_space<semaphore_mem>>)
    %dma_wait3A = arith.constant 0 : i32
    %dma_wait3A_18 = arith.constant 0 : i32
    %dma_wait3A_19 = tpu.memref_slice %arg5[%dma_wait3A, %dma_wait3A_18] : memref<16x64xi32, #tpu.memory_space<vmem>> -> memref<1x64xi32, #tpu.memory_space<vmem>>
    %dma_wait3A_20 = tpu.memref_squeeze %dma_wait3A_19 : memref<1x64xi32, #tpu.memory_space<vmem>> -> memref<64xi32, #tpu.memory_space<vmem>>
    %dma_wait3A_21 = arith.constant 0 : i32
    %dma_wait3A_22 = arith.constant 0 : i32
    %dma_wait3A_23 = tpu.memref_slice %arg2[%dma_wait3A_21, %dma_wait3A_22] : memref<1024x288xf32, #tpu.memory_space<hbm>> -> memref<1024x288xf32, #tpu.memory_space<hbm>>
    tpu.wait_indirect_dma semaphore(%arg10 : memref<!tpu.dma_semaphore, #tpu.memory_space<semaphore_mem>>) src(%dma_wait3A_23 : memref<1024x288xf32, #tpu.memory_space<hbm>>) dst(%arg6 : memref<64x288xf32, #tpu.memory_space<vmem>>)
    %parallel_loop3A = arith.constant 0 : i32
    %parallel_loop3A_24 = arith.constant 1104 : i32
    %parallel_loop3A_25 = arith.constant 1 : i32
    scf.for %parallel_loop3A_370 = %parallel_loop3A to %parallel_loop3A_24 step %parallel_loop3A_25  : i32 {
      %parallel_loop3A_371 = arith.constant 16 : i32
      %parallel_loop3A_372 = arith.muli %parallel_loop3A_370, %parallel_loop3A_371 : i32
      %parallel_loop3A_373 = tpu.iota {dimensions = array<i32: 0>} : vector<16xi32>
      %parallel_loop3A_374 = vector.broadcast %parallel_loop3A_372 : i32 to vector<16xi32>
      %parallel_loop3A_375 = arith.addi %parallel_loop3A_374, %parallel_loop3A_373 : vector<16xi32>
      %parallel_loop3A_376 = arith.constant 15197 : i32
      %parallel_loop3A_377 = vector.broadcast %parallel_loop3A_376 : i32 to vector<16xi32>
      %parallel_loop3A_378 = arith.muli %parallel_loop3A_375, %parallel_loop3A_377 : vector<16xi32>
      %parallel_loop3A_379 = arith.constant 22 : i32
      %parallel_loop3A_380 = vector.broadcast %parallel_loop3A_379 : i32 to vector<16xi32>
      %parallel_loop3A_381 = arith.shrsi %parallel_loop3A_378, %parallel_loop3A_380 : vector<16xi32>
      %parallel_loop3A_382 = arith.constant 276 : i32
      %parallel_loop3A_383 = vector.broadcast %parallel_loop3A_382 : i32 to vector<16xi32>
      %parallel_loop3A_384 = arith.muli %parallel_loop3A_381, %parallel_loop3A_383 : vector<16xi32>
      %parallel_loop3A_385 = arith.subi %parallel_loop3A_375, %parallel_loop3A_384 : vector<16xi32>
      %parallel_loop3A_386 = tpu.vector_load_idx %arg6[%parallel_loop3A_381, %parallel_loop3A_385] : memref<64x288xf32, #tpu.memory_space<vmem>>[vector<16xi32>, vector<16xi32>], vector<16xf32>,
      %parallel_loop3A_387 = arith.constant 16 : i32
      %parallel_loop3A_388 = arith.muli %parallel_loop3A_370, %parallel_loop3A_387 : i32
      %parallel_loop3A_389 = tpu.assume_multiple %parallel_loop3A_388, 16 : i32
      %parallel_loop3A_390 = arith.index_cast %parallel_loop3A_389 : i32 to index
      %parallel_loop3A_391 = tpu.vector_load %arg8[%parallel_loop3A_390] {strides = array<i32>} : memref<17664xf32, #tpu.memory_space<vmem>>, vector<16xf32>,
      tpu.vector_store %arg8[%parallel_loop3A_390], %parallel_loop3A_386 {strides = array<i32>} : memref<17664xf32, #tpu.memory_space<vmem>>, vector<16xf32>,
    } {sc.loop_unroll_factor = 8 : i64, sc.parallel_access}
    %add3A_26 = arith.constant 0 : i32
    %add3A_27 = arith.addi %multiple_of3A, %add3A_26 : i32
    %dma_start3A_28 = tpu.memref_slice %arg4[%add3A_27] : memref<9043968xf32, #tpu.memory_space<hbm>> -> memref<17664xf32, #tpu.memory_space<hbm>>
    %dma_start3A_29 = tpu.memref_slice %arg4[%add3A_27] : memref<9043968xf32, #tpu.memory_space<hbm>> -> memref<17664xf32, #tpu.memory_space<hbm>>
    tpu.enqueue_dma source(%arg8 : memref<17664xf32, #tpu.memory_space<vmem>>) target(%dma_start3A_29 : memref<17664xf32, #tpu.memory_space<hbm>>) target_semaphore(%arg12 : memref<!tpu.dma_semaphore, #tpu.memory_space<semaphore_mem>>)
    %dma_start3A_30 = arith.constant 2 : i32
    %dma_start3A_31 = arith.constant 0 : i32
    %dma_start3A_32 = tpu.memref_slice %arg5[%dma_start3A_30, %dma_start3A_31] : memref<16x64xi32, #tpu.memory_space<vmem>> -> memref<1x64xi32, #tpu.memory_space<vmem>>
    %dma_start3A_33 = tpu.memref_squeeze %dma_start3A_32 : memref<1x64xi32, #tpu.memory_space<vmem>> -> memref<64xi32, #tpu.memory_space<vmem>>
    %dma_start3A_34 = arith.constant 0 : i32
    %dma_start3A_35 = arith.constant 0 : i32
    %dma_start3A_36 = tpu.memref_slice %arg2[%dma_start3A_34, %dma_start3A_35] : memref<1024x288xf32, #tpu.memory_space<hbm>> -> memref<1024x288xf32, #tpu.memory_space<hbm>>
    tpu.enqueue_indirect_dma source(%dma_start3A_36 : memref<1024x288xf32, #tpu.memory_space<hbm>>) target(%arg6 : memref<64x288xf32, #tpu.memory_space<vmem>>) offsets(%dma_start3A_33 : memref<64xi32, #tpu.memory_space<vmem>>) semaphore(%arg10 : memref<!tpu.dma_semaphore, #tpu.memory_space<semaphore_mem>>)
    %dma_wait3A_37 = arith.constant 1 : i32
    %dma_wait3A_38 = arith.constant 0 : i32
    %dma_wait3A_39 = tpu.memref_slice %arg5[%dma_wait3A_37, %dma_wait3A_38] : memref<16x64xi32, #tpu.memory_space<vmem>> -> memref<1x64xi32, #tpu.memory_space<vmem>>
    %dma_wait3A_40 = tpu.memref_squeeze %dma_wait3A_39 : memref<1x64xi32, #tpu.memory_space<vmem>> -> memref<64xi32, #tpu.memory_space<vmem>>
    %dma_wait3A_41 = arith.constant 0 : i32
    %dma_wait3A_42 = arith.constant 0 : i32
    %dma_wait3A_43 = tpu.memref_slice %arg2[%dma_wait3A_41, %dma_wait3A_42] : memref<1024x288xf32, #tpu.memory_space<hbm>> -> memref<1024x288xf32, #tpu.memory_space<hbm>>
    tpu.wait_indirect_dma semaphore(%arg11 : memref<!tpu.dma_semaphore, #tpu.memory_space<semaphore_mem>>) src(%dma_wait3A_43 : memref<1024x288xf32, #tpu.memory_space<hbm>>) dst(%arg7 : memref<64x288xf32, #tpu.memory_space<vmem>>)
    %parallel_loop3A_44 = arith.constant 0 : i32
    %parallel_loop3A_45 = arith.constant 1104 : i32
    %parallel_loop3A_46 = arith.constant 1 : i32
    scf.for %parallel_loop3A_370 = %parallel_loop3A_44 to %parallel_loop3A_45 step %parallel_loop3A_46  : i32 {
      %parallel_loop3A_371 = arith.constant 16 : i32
      %parallel_loop3A_372 = arith.muli %parallel_loop3A_370, %parallel_loop3A_371 : i32
      %parallel_loop3A_373 = tpu.iota {dimensions = array<i32: 0>} : vector<16xi32>
      %parallel_loop3A_374 = vector.broadcast %parallel_loop3A_372 : i32 to vector<16xi32>
      %parallel_loop3A_375 = arith.addi %parallel_loop3A_374, %parallel_loop3A_373 : vector<16xi32>
      %parallel_loop3A_376 = arith.constant 15197 : i32
      %parallel_loop3A_377 = vector.broadcast %parallel_loop3A_376 : i32 to vector<16xi32>
      %parallel_loop3A_378 = arith.muli %parallel_loop3A_375, %parallel_loop3A_377 : vector<16xi32>
      %parallel_loop3A_379 = arith.constant 22 : i32
      %parallel_loop3A_380 = vector.broadcast %parallel_loop3A_379 : i32 to vector<16xi32>
      %parallel_loop3A_381 = arith.shrsi %parallel_loop3A_378, %parallel_loop3A_380 : vector<16xi32>
      %parallel_loop3A_382 = arith.constant 276 : i32
      %parallel_loop3A_383 = vector.broadcast %parallel_loop3A_382 : i32 to vector<16xi32>
      %parallel_loop3A_384 = arith.muli %parallel_loop3A_381, %parallel_loop3A_383 : vector<16xi32>
      %parallel_loop3A_385 = arith.subi %parallel_loop3A_375, %parallel_loop3A_384 : vector<16xi32>
      %parallel_loop3A_386 = tpu.vector_load_idx %arg7[%parallel_loop3A_381, %parallel_loop3A_385] : memref<64x288xf32, #tpu.memory_space<vmem>>[vector<16xi32>, vector<16xi32>], vector<16xf32>,
      %parallel_loop3A_387 = arith.constant 16 : i32
      %parallel_loop3A_388 = arith.muli %parallel_loop3A_370, %parallel_loop3A_387 : i32
      %parallel_loop3A_389 = tpu.assume_multiple %parallel_loop3A_388, 16 : i32
      %parallel_loop3A_390 = arith.index_cast %parallel_loop3A_389 : i32 to index
      %parallel_loop3A_391 = tpu.vector_load %arg9[%parallel_loop3A_390] {strides = array<i32>} : memref<17664xf32, #tpu.memory_space<vmem>>, vector<16xf32>,
      tpu.vector_store %arg9[%parallel_loop3A_390], %parallel_loop3A_386 {strides = array<i32>} : memref<17664xf32, #tpu.memory_space<vmem>>, vector<16xf32>,
    } {sc.loop_unroll_factor = 8 : i64, sc.parallel_access}
    %add3A_47 = arith.constant 17664 : i32
    %add3A_48 = arith.addi %multiple_of3A, %add3A_47 : i32
    %dma_start3A_49 = tpu.memref_slice %arg4[%add3A_48] : memref<9043968xf32, #tpu.memory_space<hbm>> -> memref<17664xf32, #tpu.memory_space<hbm>>
    %dma_start3A_50 = tpu.memref_slice %arg4[%add3A_48] : memref<9043968xf32, #tpu.memory_space<hbm>> -> memref<17664xf32, #tpu.memory_space<hbm>>
    tpu.enqueue_dma source(%arg9 : memref<17664xf32, #tpu.memory_space<vmem>>) target(%dma_start3A_50 : memref<17664xf32, #tpu.memory_space<hbm>>) target_semaphore(%arg13 : memref<!tpu.dma_semaphore, #tpu.memory_space<semaphore_mem>>)
    %dma_start3A_51 = arith.constant 3 : i32
    %dma_start3A_52 = arith.constant 0 : i32
    %dma_start3A_53 = tpu.memref_slice %arg5[%dma_start3A_51, %dma_start3A_52] : memref<16x64xi32, #tpu.memory_space<vmem>> -> memref<1x64xi32, #tpu.memory_space<vmem>>
    %dma_start3A_54 = tpu.memref_squeeze %dma_start3A_53 : memref<1x64xi32, #tpu.memory_space<vmem>> -> memref<64xi32, #tpu.memory_space<vmem>>
    %dma_start3A_55 = arith.constant 0 : i32
    %dma_start3A_56 = arith.constant 0 : i32
    %dma_start3A_57 = tpu.memref_slice %arg2[%dma_start3A_55, %dma_start3A_56] : memref<1024x288xf32, #tpu.memory_space<hbm>> -> memref<1024x288xf32, #tpu.memory_space<hbm>>
    tpu.enqueue_indirect_dma source(%dma_start3A_57 : memref<1024x288xf32, #tpu.memory_space<hbm>>) target(%arg7 : memref<64x288xf32, #tpu.memory_space<vmem>>) offsets(%dma_start3A_54 : memref<64xi32, #tpu.memory_space<vmem>>) semaphore(%arg11 : memref<!tpu.dma_semaphore, #tpu.memory_space<semaphore_mem>>)
    %dma_wait3A_58 = tpu.memref_slice %arg4[%add3A_27] : memref<9043968xf32, #tpu.memory_space<hbm>> -> memref<17664xf32, #tpu.memory_space<hbm>>
    %dma_wait3A_59 = tpu.memref_slice %arg4[%add3A_27] : memref<9043968xf32, #tpu.memory_space<hbm>> -> memref<17664xf32, #tpu.memory_space<hbm>>
    tpu.wait_dma2 semaphore(%arg12 : memref<!tpu.dma_semaphore, #tpu.memory_space<semaphore_mem>>) src(%arg8 : memref<17664xf32, #tpu.memory_space<vmem>>) dst(%dma_wait3A_59 : memref<17664xf32, #tpu.memory_space<hbm>>)
    %dma_wait3A_60 = arith.constant 2 : i32
    %dma_wait3A_61 = arith.constant 0 : i32
    %dma_wait3A_62 = tpu.memref_slice %arg5[%dma_wait3A_60, %dma_wait3A_61] : memref<16x64xi32, #tpu.memory_space<vmem>> -> memref<1x64xi32, #tpu.memory_space<vmem>>
    %dma_wait3A_63 = tpu.memref_squeeze %dma_wait3A_62 : memref<1x64xi32, #tpu.memory_space<vmem>> -> memref<64xi32, #tpu.memory_space<vmem>>
    %dma_wait3A_64 = arith.constant 0 : i32
    %dma_wait3A_65 = arith.constant 0 : i32
    %dma_wait3A_66 = tpu.memref_slice %arg2[%dma_wait3A_64, %dma_wait3A_65] : memref<1024x288xf32, #tpu.memory_space<hbm>> -> memref<1024x288xf32, #tpu.memory_space<hbm>>
    tpu.wait_indirect_dma semaphore(%arg10 : memref<!tpu.dma_semaphore, #tpu.memory_space<semaphore_mem>>) src(%dma_wait3A_66 : memref<1024x288xf32, #tpu.memory_space<hbm>>) dst(%arg6 : memref<64x288xf32, #tpu.memory_space<vmem>>)
    %parallel_loop3A_67 = arith.constant 0 : i32
    %parallel_loop3A_68 = arith.constant 1104 : i32
    %parallel_loop3A_69 = arith.constant 1 : i32
    scf.for %parallel_loop3A_370 = %parallel_loop3A_67 to %parallel_loop3A_68 step %parallel_loop3A_69  : i32 {
      %parallel_loop3A_371 = arith.constant 16 : i32
      %parallel_loop3A_372 = arith.muli %parallel_loop3A_370, %parallel_loop3A_371 : i32
      %parallel_loop3A_373 = tpu.iota {dimensions = array<i32: 0>} : vector<16xi32>
      %parallel_loop3A_374 = vector.broadcast %parallel_loop3A_372 : i32 to vector<16xi32>
      %parallel_loop3A_375 = arith.addi %parallel_loop3A_374, %parallel_loop3A_373 : vector<16xi32>
      %parallel_loop3A_376 = arith.constant 15197 : i32
      %parallel_loop3A_377 = vector.broadcast %parallel_loop3A_376 : i32 to vector<16xi32>
      %parallel_loop3A_378 = arith.muli %parallel_loop3A_375, %parallel_loop3A_377 : vector<16xi32>
      %parallel_loop3A_379 = arith.constant 22 : i32
      %parallel_loop3A_380 = vector.broadcast %parallel_loop3A_379 : i32 to vector<16xi32>
      %parallel_loop3A_381 = arith.shrsi %parallel_loop3A_378, %parallel_loop3A_380 : vector<16xi32>
      %parallel_loop3A_382 = arith.constant 276 : i32
      %parallel_loop3A_383 = vector.broadcast %parallel_loop3A_382 : i32 to vector<16xi32>
      %parallel_loop3A_384 = arith.muli %parallel_loop3A_381, %parallel_loop3A_383 : vector<16xi32>
      %parallel_loop3A_385 = arith.subi %parallel_loop3A_375, %parallel_loop3A_384 : vector<16xi32>
      %parallel_loop3A_386 = tpu.vector_load_idx %arg6[%parallel_loop3A_381, %parallel_loop3A_385] : memref<64x288xf32, #tpu.memory_space<vmem>>[vector<16xi32>, vector<16xi32>], vector<16xf32>,
      %parallel_loop3A_387 = arith.constant 16 : i32
      %parallel_loop3A_388 = arith.muli %parallel_loop3A_370, %parallel_loop3A_387 : i32
      %parallel_loop3A_389 = tpu.assume_multiple %parallel_loop3A_388, 16 : i32
      %parallel_loop3A_390 = arith.index_cast %parallel_loop3A_389 : i32 to index
      %parallel_loop3A_391 = tpu.vector_load %arg8[%parallel_loop3A_390] {strides = array<i32>} : memref<17664xf32, #tpu.memory_space<vmem>>, vector<16xf32>,
      tpu.vector_store %arg8[%parallel_loop3A_390], %parallel_loop3A_386 {strides = array<i32>} : memref<17664xf32, #tpu.memory_space<vmem>>, vector<16xf32>,
    } {sc.loop_unroll_factor = 8 : i64, sc.parallel_access}
    %add3A_70 = arith.constant 35328 : i32
    %add3A_71 = arith.addi %multiple_of3A, %add3A_70 : i32
    %dma_start3A_72 = tpu.memref_slice %arg4[%add3A_71] : memref<9043968xf32, #tpu.memory_space<hbm>> -> memref<17664xf32, #tpu.memory_space<hbm>>
    %dma_start3A_73 = tpu.memref_slice %arg4[%add3A_71] : memref<9043968xf32, #tpu.memory_space<hbm>> -> memref<17664xf32, #tpu.memory_space<hbm>>
    tpu.enqueue_dma source(%arg8 : memref<17664xf32, #tpu.memory_space<vmem>>) target(%dma_start3A_73 : memref<17664xf32, #tpu.memory_space<hbm>>) target_semaphore(%arg12 : memref<!tpu.dma_semaphore, #tpu.memory_space<semaphore_mem>>)
    %dma_start3A_74 = arith.constant 4 : i32
    %dma_start3A_75 = arith.constant 0 : i32
    %dma_start3A_76 = tpu.memref_slice %arg5[%dma_start3A_74, %dma_start3A_75] : memref<16x64xi32, #tpu.memory_space<vmem>> -> memref<1x64xi32, #tpu.memory_space<vmem>>
    %dma_start3A_77 = tpu.memref_squeeze %dma_start3A_76 : memref<1x64xi32, #tpu.memory_space<vmem>> -> memref<64xi32, #tpu.memory_space<vmem>>
    %dma_start3A_78 = arith.constant 0 : i32
    %dma_start3A_79 = arith.constant 0 : i32
    %dma_start3A_80 = tpu.memref_slice %arg2[%dma_start3A_78, %dma_start3A_79] : memref<1024x288xf32, #tpu.memory_space<hbm>> -> memref<1024x288xf32, #tpu.memory_space<hbm>>
    tpu.enqueue_indirect_dma source(%dma_start3A_80 : memref<1024x288xf32, #tpu.memory_space<hbm>>) target(%arg6 : memref<64x288xf32, #tpu.memory_space<vmem>>) offsets(%dma_start3A_77 : memref<64xi32, #tpu.memory_space<vmem>>) semaphore(%arg10 : memref<!tpu.dma_semaphore, #tpu.memory_space<semaphore_mem>>)
    %dma_wait3A_81 = tpu.memref_slice %arg4[%add3A_48] : memref<9043968xf32, #tpu.memory_space<hbm>> -> memref<17664xf32, #tpu.memory_space<hbm>>
    %dma_wait3A_82 = tpu.memref_slice %arg4[%add3A_48] : memref<9043968xf32, #tpu.memory_space<hbm>> -> memref<17664xf32, #tpu.memory_space<hbm>>
    tpu.wait_dma2 semaphore(%arg13 : memref<!tpu.dma_semaphore, #tpu.memory_space<semaphore_mem>>) src(%arg9 : memref<17664xf32, #tpu.memory_space<vmem>>) dst(%dma_wait3A_82 : memref<17664xf32, #tpu.memory_space<hbm>>)
    %dma_wait3A_83 = arith.constant 3 : i32
    %dma_wait3A_84 = arith.constant 0 : i32
    %dma_wait3A_85 = tpu.memref_slice %arg5[%dma_wait3A_83, %dma_wait3A_84] : memref<16x64xi32, #tpu.memory_space<vmem>> -> memref<1x64xi32, #tpu.memory_space<vmem>>
    %dma_wait3A_86 = tpu.memref_squeeze %dma_wait3A_85 : memref<1x64xi32, #tpu.memory_space<vmem>> -> memref<64xi32, #tpu.memory_space<vmem>>
    %dma_wait3A_87 = arith.constant 0 : i32
    %dma_wait3A_88 = arith.constant 0 : i32
    %dma_wait3A_89 = tpu.memref_slice %arg2[%dma_wait3A_87, %dma_wait3A_88] : memref<1024x288xf32, #tpu.memory_space<hbm>> -> memref<1024x288xf32, #tpu.memory_space<hbm>>
    tpu.wait_indirect_dma semaphore(%arg11 : memref<!tpu.dma_semaphore, #tpu.memory_space<semaphore_mem>>) src(%dma_wait3A_89 : memref<1024x288xf32, #tpu.memory_space<hbm>>) dst(%arg7 : memref<64x288xf32, #tpu.memory_space<vmem>>)
    %parallel_loop3A_90 = arith.constant 0 : i32
    %parallel_loop3A_91 = arith.constant 1104 : i32
    %parallel_loop3A_92 = arith.constant 1 : i32
    scf.for %parallel_loop3A_370 = %parallel_loop3A_90 to %parallel_loop3A_91 step %parallel_loop3A_92  : i32 {
      %parallel_loop3A_371 = arith.constant 16 : i32
      %parallel_loop3A_372 = arith.muli %parallel_loop3A_370, %parallel_loop3A_371 : i32
      %parallel_loop3A_373 = tpu.iota {dimensions = array<i32: 0>} : vector<16xi32>
      %parallel_loop3A_374 = vector.broadcast %parallel_loop3A_372 : i32 to vector<16xi32>
      %parallel_loop3A_375 = arith.addi %parallel_loop3A_374, %parallel_loop3A_373 : vector<16xi32>
      %parallel_loop3A_376 = arith.constant 15197 : i32
      %parallel_loop3A_377 = vector.broadcast %parallel_loop3A_376 : i32 to vector<16xi32>
      %parallel_loop3A_378 = arith.muli %parallel_loop3A_375, %parallel_loop3A_377 : vector<16xi32>
      %parallel_loop3A_379 = arith.constant 22 : i32
      %parallel_loop3A_380 = vector.broadcast %parallel_loop3A_379 : i32 to vector<16xi32>
      %parallel_loop3A_381 = arith.shrsi %parallel_loop3A_378, %parallel_loop3A_380 : vector<16xi32>
      %parallel_loop3A_382 = arith.constant 276 : i32
      %parallel_loop3A_383 = vector.broadcast %parallel_loop3A_382 : i32 to vector<16xi32>
      %parallel_loop3A_384 = arith.muli %parallel_loop3A_381, %parallel_loop3A_383 : vector<16xi32>
      %parallel_loop3A_385 = arith.subi %parallel_loop3A_375, %parallel_loop3A_384 : vector<16xi32>
      %parallel_loop3A_386 = tpu.vector_load_idx %arg7[%parallel_loop3A_381, %parallel_loop3A_385] : memref<64x288xf32, #tpu.memory_space<vmem>>[vector<16xi32>, vector<16xi32>], vector<16xf32>,
      %parallel_loop3A_387 = arith.constant 16 : i32
      %parallel_loop3A_388 = arith.muli %parallel_loop3A_370, %parallel_loop3A_387 : i32
      %parallel_loop3A_389 = tpu.assume_multiple %parallel_loop3A_388, 16 : i32
      %parallel_loop3A_390 = arith.index_cast %parallel_loop3A_389 : i32 to index
      %parallel_loop3A_391 = tpu.vector_load %arg9[%parallel_loop3A_390] {strides = array<i32>} : memref<17664xf32, #tpu.memory_space<vmem>>, vector<16xf32>,
      tpu.vector_store %arg9[%parallel_loop3A_390], %parallel_loop3A_386 {strides = array<i32>} : memref<17664xf32, #tpu.memory_space<vmem>>, vector<16xf32>,
    } {sc.loop_unroll_factor = 8 : i64, sc.parallel_access}
    %add3A_93 = arith.constant 52992 : i32
    %add3A_94 = arith.addi %multiple_of3A, %add3A_93 : i32
    %dma_start3A_95 = tpu.memref_slice %arg4[%add3A_94] : memref<9043968xf32, #tpu.memory_space<hbm>> -> memref<17664xf32, #tpu.memory_space<hbm>>
    %dma_start3A_96 = tpu.memref_slice %arg4[%add3A_94] : memref<9043968xf32, #tpu.memory_space<hbm>> -> memref<17664xf32, #tpu.memory_space<hbm>>
    tpu.enqueue_dma source(%arg9 : memref<17664xf32, #tpu.memory_space<vmem>>) target(%dma_start3A_96 : memref<17664xf32, #tpu.memory_space<hbm>>) target_semaphore(%arg13 : memref<!tpu.dma_semaphore, #tpu.memory_space<semaphore_mem>>)
    %dma_start3A_97 = arith.constant 5 : i32
    %dma_start3A_98 = arith.constant 0 : i32
    %dma_start3A_99 = tpu.memref_slice %arg5[%dma_start3A_97, %dma_start3A_98] : memref<16x64xi32, #tpu.memory_space<vmem>> -> memref<1x64xi32, #tpu.memory_space<vmem>>
    %dma_start3A_100 = tpu.memref_squeeze %dma_start3A_99 : memref<1x64xi32, #tpu.memory_space<vmem>> -> memref<64xi32, #tpu.memory_space<vmem>>
    %dma_start3A_101 = arith.constant 0 : i32
    %dma_start3A_102 = arith.constant 0 : i32
    %dma_start3A_103 = tpu.memref_slice %arg2[%dma_start3A_101, %dma_start3A_102] : memref<1024x288xf32, #tpu.memory_space<hbm>> -> memref<1024x288xf32, #tpu.memory_space<hbm>>
    tpu.enqueue_indirect_dma source(%dma_start3A_103 : memref<1024x288xf32, #tpu.memory_space<hbm>>) target(%arg7 : memref<64x288xf32, #tpu.memory_space<vmem>>) offsets(%dma_start3A_100 : memref<64xi32, #tpu.memory_space<vmem>>) semaphore(%arg11 : memref<!tpu.dma_semaphore, #tpu.memory_space<semaphore_mem>>)
    %dma_wait3A_104 = tpu.memref_slice %arg4[%add3A_71] : memref<9043968xf32, #tpu.memory_space<hbm>> -> memref<17664xf32, #tpu.memory_space<hbm>>
    %dma_wait3A_105 = tpu.memref_slice %arg4[%add3A_71] : memref<9043968xf32, #tpu.memory_space<hbm>> -> memref<17664xf32, #tpu.memory_space<hbm>>
    tpu.wait_dma2 semaphore(%arg12 : memref<!tpu.dma_semaphore, #tpu.memory_space<semaphore_mem>>) src(%arg8 : memref<17664xf32, #tpu.memory_space<vmem>>) dst(%dma_wait3A_105 : memref<17664xf32, #tpu.memory_space<hbm>>)
    %dma_wait3A_106 = arith.constant 4 : i32
    %dma_wait3A_107 = arith.constant 0 : i32
    %dma_wait3A_108 = tpu.memref_slice %arg5[%dma_wait3A_106, %dma_wait3A_107] : memref<16x64xi32, #tpu.memory_space<vmem>> -> memref<1x64xi32, #tpu.memory_space<vmem>>
    %dma_wait3A_109 = tpu.memref_squeeze %dma_wait3A_108 : memref<1x64xi32, #tpu.memory_space<vmem>> -> memref<64xi32, #tpu.memory_space<vmem>>
    %dma_wait3A_110 = arith.constant 0 : i32
    %dma_wait3A_111 = arith.constant 0 : i32
    %dma_wait3A_112 = tpu.memref_slice %arg2[%dma_wait3A_110, %dma_wait3A_111] : memref<1024x288xf32, #tpu.memory_space<hbm>> -> memref<1024x288xf32, #tpu.memory_space<hbm>>
    tpu.wait_indirect_dma semaphore(%arg10 : memref<!tpu.dma_semaphore, #tpu.memory_space<semaphore_mem>>) src(%dma_wait3A_112 : memref<1024x288xf32, #tpu.memory_space<hbm>>) dst(%arg6 : memref<64x288xf32, #tpu.memory_space<vmem>>)
    %parallel_loop3A_113 = arith.constant 0 : i32
    %parallel_loop3A_114 = arith.constant 1104 : i32
    %parallel_loop3A_115 = arith.constant 1 : i32
    scf.for %parallel_loop3A_370 = %parallel_loop3A_113 to %parallel_loop3A_114 step %parallel_loop3A_115  : i32 {
      %parallel_loop3A_371 = arith.constant 16 : i32
      %parallel_loop3A_372 = arith.muli %parallel_loop3A_370, %parallel_loop3A_371 : i32
      %parallel_loop3A_373 = tpu.iota {dimensions = array<i32: 0>} : vector<16xi32>
      %parallel_loop3A_374 = vector.broadcast %parallel_loop3A_372 : i32 to vector<16xi32>
      %parallel_loop3A_375 = arith.addi %parallel_loop3A_374, %parallel_loop3A_373 : vector<16xi32>
      %parallel_loop3A_376 = arith.constant 15197 : i32
      %parallel_loop3A_377 = vector.broadcast %parallel_loop3A_376 : i32 to vector<16xi32>
      %parallel_loop3A_378 = arith.muli %parallel_loop3A_375, %parallel_loop3A_377 : vector<16xi32>
      %parallel_loop3A_379 = arith.constant 22 : i32
      %parallel_loop3A_380 = vector.broadcast %parallel_loop3A_379 : i32 to vector<16xi32>
      %parallel_loop3A_381 = arith.shrsi %parallel_loop3A_378, %parallel_loop3A_380 : vector<16xi32>
      %parallel_loop3A_382 = arith.constant 276 : i32
      %parallel_loop3A_383 = vector.broadcast %parallel_loop3A_382 : i32 to vector<16xi32>
      %parallel_loop3A_384 = arith.muli %parallel_loop3A_381, %parallel_loop3A_383 : vector<16xi32>
      %parallel_loop3A_385 = arith.subi %parallel_loop3A_375, %parallel_loop3A_384 : vector<16xi32>
      %parallel_loop3A_386 = tpu.vector_load_idx %arg6[%parallel_loop3A_381, %parallel_loop3A_385] : memref<64x288xf32, #tpu.memory_space<vmem>>[vector<16xi32>, vector<16xi32>], vector<16xf32>,
      %parallel_loop3A_387 = arith.constant 16 : i32
      %parallel_loop3A_388 = arith.muli %parallel_loop3A_370, %parallel_loop3A_387 : i32
      %parallel_loop3A_389 = tpu.assume_multiple %parallel_loop3A_388, 16 : i32
      %parallel_loop3A_390 = arith.index_cast %parallel_loop3A_389 : i32 to index
      %parallel_loop3A_391 = tpu.vector_load %arg8[%parallel_loop3A_390] {strides = array<i32>} : memref<17664xf32, #tpu.memory_space<vmem>>, vector<16xf32>,
      tpu.vector_store %arg8[%parallel_loop3A_390], %parallel_loop3A_386 {strides = array<i32>} : memref<17664xf32, #tpu.memory_space<vmem>>, vector<16xf32>,
    } {sc.loop_unroll_factor = 8 : i64, sc.parallel_access}
    %add3A_116 = arith.constant 70656 : i32
    %add3A_117 = arith.addi %multiple_of3A, %add3A_116 : i32
    %dma_start3A_118 = tpu.memref_slice %arg4[%add3A_117] : memref<9043968xf32, #tpu.memory_space<hbm>> -> memref<17664xf32, #tpu.memory_space<hbm>>
    %dma_start3A_119 = tpu.memref_slice %arg4[%add3A_117] : memref<9043968xf32, #tpu.memory_space<hbm>> -> memref<17664xf32, #tpu.memory_space<hbm>>
    tpu.enqueue_dma source(%arg8 : memref<17664xf32, #tpu.memory_space<vmem>>) target(%dma_start3A_119 : memref<17664xf32, #tpu.memory_space<hbm>>) target_semaphore(%arg12 : memref<!tpu.dma_semaphore, #tpu.memory_space<semaphore_mem>>)
    %dma_start3A_120 = arith.constant 6 : i32
    %dma_start3A_121 = arith.constant 0 : i32
    %dma_start3A_122 = tpu.memref_slice %arg5[%dma_start3A_120, %dma_start3A_121] : memref<16x64xi32, #tpu.memory_space<vmem>> -> memref<1x64xi32, #tpu.memory_space<vmem>>
    %dma_start3A_123 = tpu.memref_squeeze %dma_start3A_122 : memref<1x64xi32, #tpu.memory_space<vmem>> -> memref<64xi32, #tpu.memory_space<vmem>>
    %dma_start3A_124 = arith.constant 0 : i32
    %dma_start3A_125 = arith.constant 0 : i32
    %dma_start3A_126 = tpu.memref_slice %arg2[%dma_start3A_124, %dma_start3A_125] : memref<1024x288xf32, #tpu.memory_space<hbm>> -> memref<1024x288xf32, #tpu.memory_space<hbm>>
    tpu.enqueue_indirect_dma source(%dma_start3A_126 : memref<1024x288xf32, #tpu.memory_space<hbm>>) target(%arg6 : memref<64x288xf32, #tpu.memory_space<vmem>>) offsets(%dma_start3A_123 : memref<64xi32, #tpu.memory_space<vmem>>) semaphore(%arg10 : memref<!tpu.dma_semaphore, #tpu.memory_space<semaphore_mem>>)
    %dma_wait3A_127 = tpu.memref_slice %arg4[%add3A_94] : memref<9043968xf32, #tpu.memory_space<hbm>> -> memref<17664xf32, #tpu.memory_space<hbm>>
    %dma_wait3A_128 = tpu.memref_slice %arg4[%add3A_94] : memref<9043968xf32, #tpu.memory_space<hbm>> -> memref<17664xf32, #tpu.memory_space<hbm>>
    tpu.wait_dma2 semaphore(%arg13 : memref<!tpu.dma_semaphore, #tpu.memory_space<semaphore_mem>>) src(%arg9 : memref<17664xf32, #tpu.memory_space<vmem>>) dst(%dma_wait3A_128 : memref<17664xf32, #tpu.memory_space<hbm>>)
    %dma_wait3A_129 = arith.constant 5 : i32
    %dma_wait3A_130 = arith.constant 0 : i32
    %dma_wait3A_131 = tpu.memref_slice %arg5[%dma_wait3A_129, %dma_wait3A_130] : memref<16x64xi32, #tpu.memory_space<vmem>> -> memref<1x64xi32, #tpu.memory_space<vmem>>
    %dma_wait3A_132 = tpu.memref_squeeze %dma_wait3A_131 : memref<1x64xi32, #tpu.memory_space<vmem>> -> memref<64xi32, #tpu.memory_space<vmem>>
    %dma_wait3A_133 = arith.constant 0 : i32
    %dma_wait3A_134 = arith.constant 0 : i32
    %dma_wait3A_135 = tpu.memref_slice %arg2[%dma_wait3A_133, %dma_wait3A_134] : memref<1024x288xf32, #tpu.memory_space<hbm>> -> memref<1024x288xf32, #tpu.memory_space<hbm>>
    tpu.wait_indirect_dma semaphore(%arg11 : memref<!tpu.dma_semaphore, #tpu.memory_space<semaphore_mem>>) src(%dma_wait3A_135 : memref<1024x288xf32, #tpu.memory_space<hbm>>) dst(%arg7 : memref<64x288xf32, #tpu.memory_space<vmem>>)
    %parallel_loop3A_136 = arith.constant 0 : i32
    %parallel_loop3A_137 = arith.constant 1104 : i32
    %parallel_loop3A_138 = arith.constant 1 : i32
    scf.for %parallel_loop3A_370 = %parallel_loop3A_136 to %parallel_loop3A_137 step %parallel_loop3A_138  : i32 {
      %parallel_loop3A_371 = arith.constant 16 : i32
      %parallel_loop3A_372 = arith.muli %parallel_loop3A_370, %parallel_loop3A_371 : i32
      %parallel_loop3A_373 = tpu.iota {dimensions = array<i32: 0>} : vector<16xi32>
      %parallel_loop3A_374 = vector.broadcast %parallel_loop3A_372 : i32 to vector<16xi32>
      %parallel_loop3A_375 = arith.addi %parallel_loop3A_374, %parallel_loop3A_373 : vector<16xi32>
      %parallel_loop3A_376 = arith.constant 15197 : i32
      %parallel_loop3A_377 = vector.broadcast %parallel_loop3A_376 : i32 to vector<16xi32>
      %parallel_loop3A_378 = arith.muli %parallel_loop3A_375, %parallel_loop3A_377 : vector<16xi32>
      %parallel_loop3A_379 = arith.constant 22 : i32
      %parallel_loop3A_380 = vector.broadcast %parallel_loop3A_379 : i32 to vector<16xi32>
      %parallel_loop3A_381 = arith.shrsi %parallel_loop3A_378, %parallel_loop3A_380 : vector<16xi32>
      %parallel_loop3A_382 = arith.constant 276 : i32
      %parallel_loop3A_383 = vector.broadcast %parallel_loop3A_382 : i32 to vector<16xi32>
      %parallel_loop3A_384 = arith.muli %parallel_loop3A_381, %parallel_loop3A_383 : vector<16xi32>
      %parallel_loop3A_385 = arith.subi %parallel_loop3A_375, %parallel_loop3A_384 : vector<16xi32>
      %parallel_loop3A_386 = tpu.vector_load_idx %arg7[%parallel_loop3A_381, %parallel_loop3A_385] : memref<64x288xf32, #tpu.memory_space<vmem>>[vector<16xi32>, vector<16xi32>], vector<16xf32>,
      %parallel_loop3A_387 = arith.constant 16 : i32
      %parallel_loop3A_388 = arith.muli %parallel_loop3A_370, %parallel_loop3A_387 : i32
      %parallel_loop3A_389 = tpu.assume_multiple %parallel_loop3A_388, 16 : i32
      %parallel_loop3A_390 = arith.index_cast %parallel_loop3A_389 : i32 to index
      %parallel_loop3A_391 = tpu.vector_load %arg9[%parallel_loop3A_390] {strides = array<i32>} : memref<17664xf32, #tpu.memory_space<vmem>>, vector<16xf32>,
      tpu.vector_store %arg9[%parallel_loop3A_390], %parallel_loop3A_386 {strides = array<i32>} : memref<17664xf32, #tpu.memory_space<vmem>>, vector<16xf32>,
    } {sc.loop_unroll_factor = 8 : i64, sc.parallel_access}
    %add3A_139 = arith.constant 88320 : i32
    %add3A_140 = arith.addi %multiple_of3A, %add3A_139 : i32
    %dma_start3A_141 = tpu.memref_slice %arg4[%add3A_140] : memref<9043968xf32, #tpu.memory_space<hbm>> -> memref<17664xf32, #tpu.memory_space<hbm>>
    %dma_start3A_142 = tpu.memref_slice %arg4[%add3A_140] : memref<9043968xf32, #tpu.memory_space<hbm>> -> memref<17664xf32, #tpu.memory_space<hbm>>
    tpu.enqueue_dma source(%arg9 : memref<17664xf32, #tpu.memory_space<vmem>>) target(%dma_start3A_142 : memref<17664xf32, #tpu.memory_space<hbm>>) target_semaphore(%arg13 : memref<!tpu.dma_semaphore, #tpu.memory_space<semaphore_mem>>)
    %dma_start3A_143 = arith.constant 7 : i32
    %dma_start3A_144 = arith.constant 0 : i32
    %dma_start3A_145 = tpu.memref_slice %arg5[%dma_start3A_143, %dma_start3A_144] : memref<16x64xi32, #tpu.memory_space<vmem>> -> memref<1x64xi32, #tpu.memory_space<vmem>>
    %dma_start3A_146 = tpu.memref_squeeze %dma_start3A_145 : memref<1x64xi32, #tpu.memory_space<vmem>> -> memref<64xi32, #tpu.memory_space<vmem>>
    %dma_start3A_147 = arith.constant 0 : i32
    %dma_start3A_148 = arith.constant 0 : i32
    %dma_start3A_149 = tpu.memref_slice %arg2[%dma_start3A_147, %dma_start3A_148] : memref<1024x288xf32, #tpu.memory_space<hbm>> -> memref<1024x288xf32, #tpu.memory_space<hbm>>
    tpu.enqueue_indirect_dma source(%dma_start3A_149 : memref<1024x288xf32, #tpu.memory_space<hbm>>) target(%arg7 : memref<64x288xf32, #tpu.memory_space<vmem>>) offsets(%dma_start3A_146 : memref<64xi32, #tpu.memory_space<vmem>>) semaphore(%arg11 : memref<!tpu.dma_semaphore, #tpu.memory_space<semaphore_mem>>)
    %dma_wait3A_150 = tpu.memref_slice %arg4[%add3A_117] : memref<9043968xf32, #tpu.memory_space<hbm>> -> memref<17664xf32, #tpu.memory_space<hbm>>
    %dma_wait3A_151 = tpu.memref_slice %arg4[%add3A_117] : memref<9043968xf32, #tpu.memory_space<hbm>> -> memref<17664xf32, #tpu.memory_space<hbm>>
    tpu.wait_dma2 semaphore(%arg12 : memref<!tpu.dma_semaphore, #tpu.memory_space<semaphore_mem>>) src(%arg8 : memref<17664xf32, #tpu.memory_space<vmem>>) dst(%dma_wait3A_151 : memref<17664xf32, #tpu.memory_space<hbm>>)
    %dma_wait3A_152 = arith.constant 6 : i32
    %dma_wait3A_153 = arith.constant 0 : i32
    %dma_wait3A_154 = tpu.memref_slice %arg5[%dma_wait3A_152, %dma_wait3A_153] : memref<16x64xi32, #tpu.memory_space<vmem>> -> memref<1x64xi32, #tpu.memory_space<vmem>>
    %dma_wait3A_155 = tpu.memref_squeeze %dma_wait3A_154 : memref<1x64xi32, #tpu.memory_space<vmem>> -> memref<64xi32, #tpu.memory_space<vmem>>
    %dma_wait3A_156 = arith.constant 0 : i32
    %dma_wait3A_157 = arith.constant 0 : i32
    %dma_wait3A_158 = tpu.memref_slice %arg2[%dma_wait3A_156, %dma_wait3A_157] : memref<1024x288xf32, #tpu.memory_space<hbm>> -> memref<1024x288xf32, #tpu.memory_space<hbm>>
    tpu.wait_indirect_dma semaphore(%arg10 : memref<!tpu.dma_semaphore, #tpu.memory_space<semaphore_mem>>) src(%dma_wait3A_158 : memref<1024x288xf32, #tpu.memory_space<hbm>>) dst(%arg6 : memref<64x288xf32, #tpu.memory_space<vmem>>)
    %parallel_loop3A_159 = arith.constant 0 : i32
    %parallel_loop3A_160 = arith.constant 1104 : i32
    %parallel_loop3A_161 = arith.constant 1 : i32
    scf.for %parallel_loop3A_370 = %parallel_loop3A_159 to %parallel_loop3A_160 step %parallel_loop3A_161  : i32 {
      %parallel_loop3A_371 = arith.constant 16 : i32
      %parallel_loop3A_372 = arith.muli %parallel_loop3A_370, %parallel_loop3A_371 : i32
      %parallel_loop3A_373 = tpu.iota {dimensions = array<i32: 0>} : vector<16xi32>
      %parallel_loop3A_374 = vector.broadcast %parallel_loop3A_372 : i32 to vector<16xi32>
      %parallel_loop3A_375 = arith.addi %parallel_loop3A_374, %parallel_loop3A_373 : vector<16xi32>
      %parallel_loop3A_376 = arith.constant 15197 : i32
      %parallel_loop3A_377 = vector.broadcast %parallel_loop3A_376 : i32 to vector<16xi32>
      %parallel_loop3A_378 = arith.muli %parallel_loop3A_375, %parallel_loop3A_377 : vector<16xi32>
      %parallel_loop3A_379 = arith.constant 22 : i32
      %parallel_loop3A_380 = vector.broadcast %parallel_loop3A_379 : i32 to vector<16xi32>
      %parallel_loop3A_381 = arith.shrsi %parallel_loop3A_378, %parallel_loop3A_380 : vector<16xi32>
      %parallel_loop3A_382 = arith.constant 276 : i32
      %parallel_loop3A_383 = vector.broadcast %parallel_loop3A_382 : i32 to vector<16xi32>
      %parallel_loop3A_384 = arith.muli %parallel_loop3A_381, %parallel_loop3A_383 : vector<16xi32>
      %parallel_loop3A_385 = arith.subi %parallel_loop3A_375, %parallel_loop3A_384 : vector<16xi32>
      %parallel_loop3A_386 = tpu.vector_load_idx %arg6[%parallel_loop3A_381, %parallel_loop3A_385] : memref<64x288xf32, #tpu.memory_space<vmem>>[vector<16xi32>, vector<16xi32>], vector<16xf32>,
      %parallel_loop3A_387 = arith.constant 16 : i32
      %parallel_loop3A_388 = arith.muli %parallel_loop3A_370, %parallel_loop3A_387 : i32
      %parallel_loop3A_389 = tpu.assume_multiple %parallel_loop3A_388, 16 : i32
      %parallel_loop3A_390 = arith.index_cast %parallel_loop3A_389 : i32 to index
      %parallel_loop3A_391 = tpu.vector_load %arg8[%parallel_loop3A_390] {strides = array<i32>} : memref<17664xf32, #tpu.memory_space<vmem>>, vector<16xf32>,
      tpu.vector_store %arg8[%parallel_loop3A_390], %parallel_loop3A_386 {strides = array<i32>} : memref<17664xf32, #tpu.memory_space<vmem>>, vector<16xf32>,
    } {sc.loop_unroll_factor = 8 : i64, sc.parallel_access}
    %add3A_162 = arith.constant 105984 : i32
    %add3A_163 = arith.addi %multiple_of3A, %add3A_162 : i32
    %dma_start3A_164 = tpu.memref_slice %arg4[%add3A_163] : memref<9043968xf32, #tpu.memory_space<hbm>> -> memref<17664xf32, #tpu.memory_space<hbm>>
    %dma_start3A_165 = tpu.memref_slice %arg4[%add3A_163] : memref<9043968xf32, #tpu.memory_space<hbm>> -> memref<17664xf32, #tpu.memory_space<hbm>>
    tpu.enqueue_dma source(%arg8 : memref<17664xf32, #tpu.memory_space<vmem>>) target(%dma_start3A_165 : memref<17664xf32, #tpu.memory_space<hbm>>) target_semaphore(%arg12 : memref<!tpu.dma_semaphore, #tpu.memory_space<semaphore_mem>>)
    %dma_start3A_166 = arith.constant 8 : i32
    %dma_start3A_167 = arith.constant 0 : i32
    %dma_start3A_168 = tpu.memref_slice %arg5[%dma_start3A_166, %dma_start3A_167] : memref<16x64xi32, #tpu.memory_space<vmem>> -> memref<1x64xi32, #tpu.memory_space<vmem>>
    %dma_start3A_169 = tpu.memref_squeeze %dma_start3A_168 : memref<1x64xi32, #tpu.memory_space<vmem>> -> memref<64xi32, #tpu.memory_space<vmem>>
    %dma_start3A_170 = arith.constant 0 : i32
    %dma_start3A_171 = arith.constant 0 : i32
    %dma_start3A_172 = tpu.memref_slice %arg2[%dma_start3A_170, %dma_start3A_171] : memref<1024x288xf32, #tpu.memory_space<hbm>> -> memref<1024x288xf32, #tpu.memory_space<hbm>>
    tpu.enqueue_indirect_dma source(%dma_start3A_172 : memref<1024x288xf32, #tpu.memory_space<hbm>>) target(%arg6 : memref<64x288xf32, #tpu.memory_space<vmem>>) offsets(%dma_start3A_169 : memref<64xi32, #tpu.memory_space<vmem>>) semaphore(%arg10 : memref<!tpu.dma_semaphore, #tpu.memory_space<semaphore_mem>>)
    %dma_wait3A_173 = tpu.memref_slice %arg4[%add3A_140] : memref<9043968xf32, #tpu.memory_space<hbm>> -> memref<17664xf32, #tpu.memory_space<hbm>>
    %dma_wait3A_174 = tpu.memref_slice %arg4[%add3A_140] : memref<9043968xf32, #tpu.memory_space<hbm>> -> memref<17664xf32, #tpu.memory_space<hbm>>
    tpu.wait_dma2 semaphore(%arg13 : memref<!tpu.dma_semaphore, #tpu.memory_space<semaphore_mem>>) src(%arg9 : memref<17664xf32, #tpu.memory_space<vmem>>) dst(%dma_wait3A_174 : memref<17664xf32, #tpu.memory_space<hbm>>)
    %dma_wait3A_175 = arith.constant 7 : i32
    %dma_wait3A_176 = arith.constant 0 : i32
    %dma_wait3A_177 = tpu.memref_slice %arg5[%dma_wait3A_175, %dma_wait3A_176] : memref<16x64xi32, #tpu.memory_space<vmem>> -> memref<1x64xi32, #tpu.memory_space<vmem>>
    %dma_wait3A_178 = tpu.memref_squeeze %dma_wait3A_177 : memref<1x64xi32, #tpu.memory_space<vmem>> -> memref<64xi32, #tpu.memory_space<vmem>>
    %dma_wait3A_179 = arith.constant 0 : i32
    %dma_wait3A_180 = arith.constant 0 : i32
    %dma_wait3A_181 = tpu.memref_slice %arg2[%dma_wait3A_179, %dma_wait3A_180] : memref<1024x288xf32, #tpu.memory_space<hbm>> -> memref<1024x288xf32, #tpu.memory_space<hbm>>
    tpu.wait_indirect_dma semaphore(%arg11 : memref<!tpu.dma_semaphore, #tpu.memory_space<semaphore_mem>>) src(%dma_wait3A_181 : memref<1024x288xf32, #tpu.memory_space<hbm>>) dst(%arg7 : memref<64x288xf32, #tpu.memory_space<vmem>>)
    %parallel_loop3A_182 = arith.constant 0 : i32
    %parallel_loop3A_183 = arith.constant 1104 : i32
    %parallel_loop3A_184 = arith.constant 1 : i32
    scf.for %parallel_loop3A_370 = %parallel_loop3A_182 to %parallel_loop3A_183 step %parallel_loop3A_184  : i32 {
      %parallel_loop3A_371 = arith.constant 16 : i32
      %parallel_loop3A_372 = arith.muli %parallel_loop3A_370, %parallel_loop3A_371 : i32
      %parallel_loop3A_373 = tpu.iota {dimensions = array<i32: 0>} : vector<16xi32>
      %parallel_loop3A_374 = vector.broadcast %parallel_loop3A_372 : i32 to vector<16xi32>
      %parallel_loop3A_375 = arith.addi %parallel_loop3A_374, %parallel_loop3A_373 : vector<16xi32>
      %parallel_loop3A_376 = arith.constant 15197 : i32
      %parallel_loop3A_377 = vector.broadcast %parallel_loop3A_376 : i32 to vector<16xi32>
      %parallel_loop3A_378 = arith.muli %parallel_loop3A_375, %parallel_loop3A_377 : vector<16xi32>
      %parallel_loop3A_379 = arith.constant 22 : i32
      %parallel_loop3A_380 = vector.broadcast %parallel_loop3A_379 : i32 to vector<16xi32>
      %parallel_loop3A_381 = arith.shrsi %parallel_loop3A_378, %parallel_loop3A_380 : vector<16xi32>
      %parallel_loop3A_382 = arith.constant 276 : i32
      %parallel_loop3A_383 = vector.broadcast %parallel_loop3A_382 : i32 to vector<16xi32>
      %parallel_loop3A_384 = arith.muli %parallel_loop3A_381, %parallel_loop3A_383 : vector<16xi32>
      %parallel_loop3A_385 = arith.subi %parallel_loop3A_375, %parallel_loop3A_384 : vector<16xi32>
      %parallel_loop3A_386 = tpu.vector_load_idx %arg7[%parallel_loop3A_381, %parallel_loop3A_385] : memref<64x288xf32, #tpu.memory_space<vmem>>[vector<16xi32>, vector<16xi32>], vector<16xf32>,
      %parallel_loop3A_387 = arith.constant 16 : i32
      %parallel_loop3A_388 = arith.muli %parallel_loop3A_370, %parallel_loop3A_387 : i32
      %parallel_loop3A_389 = tpu.assume_multiple %parallel_loop3A_388, 16 : i32
      %parallel_loop3A_390 = arith.index_cast %parallel_loop3A_389 : i32 to index
      %parallel_loop3A_391 = tpu.vector_load %arg9[%parallel_loop3A_390] {strides = array<i32>} : memref<17664xf32, #tpu.memory_space<vmem>>, vector<16xf32>,
      tpu.vector_store %arg9[%parallel_loop3A_390], %parallel_loop3A_386 {strides = array<i32>} : memref<17664xf32, #tpu.memory_space<vmem>>, vector<16xf32>,
    } {sc.loop_unroll_factor = 8 : i64, sc.parallel_access}
    %add3A_185 = arith.constant 123648 : i32
    %add3A_186 = arith.addi %multiple_of3A, %add3A_185 : i32
    %dma_start3A_187 = tpu.memref_slice %arg4[%add3A_186] : memref<9043968xf32, #tpu.memory_space<hbm>> -> memref<17664xf32, #tpu.memory_space<hbm>>
    %dma_start3A_188 = tpu.memref_slice %arg4[%add3A_186] : memref<9043968xf32, #tpu.memory_space<hbm>> -> memref<17664xf32, #tpu.memory_space<hbm>>
    tpu.enqueue_dma source(%arg9 : memref<17664xf32, #tpu.memory_space<vmem>>) target(%dma_start3A_188 : memref<17664xf32, #tpu.memory_space<hbm>>) target_semaphore(%arg13 : memref<!tpu.dma_semaphore, #tpu.memory_space<semaphore_mem>>)
    %dma_start3A_189 = arith.constant 9 : i32
    %dma_start3A_190 = arith.constant 0 : i32
    %dma_start3A_191 = tpu.memref_slice %arg5[%dma_start3A_189, %dma_start3A_190] : memref<16x64xi32, #tpu.memory_space<vmem>> -> memref<1x64xi32, #tpu.memory_space<vmem>>
    %dma_start3A_192 = tpu.memref_squeeze %dma_start3A_191 : memref<1x64xi32, #tpu.memory_space<vmem>> -> memref<64xi32, #tpu.memory_space<vmem>>
    %dma_start3A_193 = arith.constant 0 : i32
    %dma_start3A_194 = arith.constant 0 : i32
    %dma_start3A_195 = tpu.memref_slice %arg2[%dma_start3A_193, %dma_start3A_194] : memref<1024x288xf32, #tpu.memory_space<hbm>> -> memref<1024x288xf32, #tpu.memory_space<hbm>>
    tpu.enqueue_indirect_dma source(%dma_start3A_195 : memref<1024x288xf32, #tpu.memory_space<hbm>>) target(%arg7 : memref<64x288xf32, #tpu.memory_space<vmem>>) offsets(%dma_start3A_192 : memref<64xi32, #tpu.memory_space<vmem>>) semaphore(%arg11 : memref<!tpu.dma_semaphore, #tpu.memory_space<semaphore_mem>>)
    %dma_wait3A_196 = tpu.memref_slice %arg4[%add3A_163] : memref<9043968xf32, #tpu.memory_space<hbm>> -> memref<17664xf32, #tpu.memory_space<hbm>>
    %dma_wait3A_197 = tpu.memref_slice %arg4[%add3A_163] : memref<9043968xf32, #tpu.memory_space<hbm>> -> memref<17664xf32, #tpu.memory_space<hbm>>
    tpu.wait_dma2 semaphore(%arg12 : memref<!tpu.dma_semaphore, #tpu.memory_space<semaphore_mem>>) src(%arg8 : memref<17664xf32, #tpu.memory_space<vmem>>) dst(%dma_wait3A_197 : memref<17664xf32, #tpu.memory_space<hbm>>)
    %dma_wait3A_198 = arith.constant 8 : i32
    %dma_wait3A_199 = arith.constant 0 : i32
    %dma_wait3A_200 = tpu.memref_slice %arg5[%dma_wait3A_198, %dma_wait3A_199] : memref<16x64xi32, #tpu.memory_space<vmem>> -> memref<1x64xi32, #tpu.memory_space<vmem>>
    %dma_wait3A_201 = tpu.memref_squeeze %dma_wait3A_200 : memref<1x64xi32, #tpu.memory_space<vmem>> -> memref<64xi32, #tpu.memory_space<vmem>>
    %dma_wait3A_202 = arith.constant 0 : i32
    %dma_wait3A_203 = arith.constant 0 : i32
    %dma_wait3A_204 = tpu.memref_slice %arg2[%dma_wait3A_202, %dma_wait3A_203] : memref<1024x288xf32, #tpu.memory_space<hbm>> -> memref<1024x288xf32, #tpu.memory_space<hbm>>
    tpu.wait_indirect_dma semaphore(%arg10 : memref<!tpu.dma_semaphore, #tpu.memory_space<semaphore_mem>>) src(%dma_wait3A_204 : memref<1024x288xf32, #tpu.memory_space<hbm>>) dst(%arg6 : memref<64x288xf32, #tpu.memory_space<vmem>>)
    %parallel_loop3A_205 = arith.constant 0 : i32
    %parallel_loop3A_206 = arith.constant 1104 : i32
    %parallel_loop3A_207 = arith.constant 1 : i32
    scf.for %parallel_loop3A_370 = %parallel_loop3A_205 to %parallel_loop3A_206 step %parallel_loop3A_207  : i32 {
      %parallel_loop3A_371 = arith.constant 16 : i32
      %parallel_loop3A_372 = arith.muli %parallel_loop3A_370, %parallel_loop3A_371 : i32
      %parallel_loop3A_373 = tpu.iota {dimensions = array<i32: 0>} : vector<16xi32>
      %parallel_loop3A_374 = vector.broadcast %parallel_loop3A_372 : i32 to vector<16xi32>
      %parallel_loop3A_375 = arith.addi %parallel_loop3A_374, %parallel_loop3A_373 : vector<16xi32>
      %parallel_loop3A_376 = arith.constant 15197 : i32
      %parallel_loop3A_377 = vector.broadcast %parallel_loop3A_376 : i32 to vector<16xi32>
      %parallel_loop3A_378 = arith.muli %parallel_loop3A_375, %parallel_loop3A_377 : vector<16xi32>
      %parallel_loop3A_379 = arith.constant 22 : i32
      %parallel_loop3A_380 = vector.broadcast %parallel_loop3A_379 : i32 to vector<16xi32>
      %parallel_loop3A_381 = arith.shrsi %parallel_loop3A_378, %parallel_loop3A_380 : vector<16xi32>
      %parallel_loop3A_382 = arith.constant 276 : i32
      %parallel_loop3A_383 = vector.broadcast %parallel_loop3A_382 : i32 to vector<16xi32>
      %parallel_loop3A_384 = arith.muli %parallel_loop3A_381, %parallel_loop3A_383 : vector<16xi32>
      %parallel_loop3A_385 = arith.subi %parallel_loop3A_375, %parallel_loop3A_384 : vector<16xi32>
      %parallel_loop3A_386 = tpu.vector_load_idx %arg6[%parallel_loop3A_381, %parallel_loop3A_385] : memref<64x288xf32, #tpu.memory_space<vmem>>[vector<16xi32>, vector<16xi32>], vector<16xf32>,
      %parallel_loop3A_387 = arith.constant 16 : i32
      %parallel_loop3A_388 = arith.muli %parallel_loop3A_370, %parallel_loop3A_387 : i32
      %parallel_loop3A_389 = tpu.assume_multiple %parallel_loop3A_388, 16 : i32
      %parallel_loop3A_390 = arith.index_cast %parallel_loop3A_389 : i32 to index
      %parallel_loop3A_391 = tpu.vector_load %arg8[%parallel_loop3A_390] {strides = array<i32>} : memref<17664xf32, #tpu.memory_space<vmem>>, vector<16xf32>,
      tpu.vector_store %arg8[%parallel_loop3A_390], %parallel_loop3A_386 {strides = array<i32>} : memref<17664xf32, #tpu.memory_space<vmem>>, vector<16xf32>,
    } {sc.loop_unroll_factor = 8 : i64, sc.parallel_access}
    %add3A_208 = arith.constant 141312 : i32
    %add3A_209 = arith.addi %multiple_of3A, %add3A_208 : i32
    %dma_start3A_210 = tpu.memref_slice %arg4[%add3A_209] : memref<9043968xf32, #tpu.memory_space<hbm>> -> memref<17664xf32, #tpu.memory_space<hbm>>
    %dma_start3A_211 = tpu.memref_slice %arg4[%add3A_209] : memref<9043968xf32, #tpu.memory_space<hbm>> -> memref<17664xf32, #tpu.memory_space<hbm>>
    tpu.enqueue_dma source(%arg8 : memref<17664xf32, #tpu.memory_space<vmem>>) target(%dma_start3A_211 : memref<17664xf32, #tpu.memory_space<hbm>>) target_semaphore(%arg12 : memref<!tpu.dma_semaphore, #tpu.memory_space<semaphore_mem>>)
    %dma_start3A_212 = arith.constant 10 : i32
    %dma_start3A_213 = arith.constant 0 : i32
    %dma_start3A_214 = tpu.memref_slice %arg5[%dma_start3A_212, %dma_start3A_213] : memref<16x64xi32, #tpu.memory_space<vmem>> -> memref<1x64xi32, #tpu.memory_space<vmem>>
    %dma_start3A_215 = tpu.memref_squeeze %dma_start3A_214 : memref<1x64xi32, #tpu.memory_space<vmem>> -> memref<64xi32, #tpu.memory_space<vmem>>
    %dma_start3A_216 = arith.constant 0 : i32
    %dma_start3A_217 = arith.constant 0 : i32
    %dma_start3A_218 = tpu.memref_slice %arg2[%dma_start3A_216, %dma_start3A_217] : memref<1024x288xf32, #tpu.memory_space<hbm>> -> memref<1024x288xf32, #tpu.memory_space<hbm>>
    tpu.enqueue_indirect_dma source(%dma_start3A_218 : memref<1024x288xf32, #tpu.memory_space<hbm>>) target(%arg6 : memref<64x288xf32, #tpu.memory_space<vmem>>) offsets(%dma_start3A_215 : memref<64xi32, #tpu.memory_space<vmem>>) semaphore(%arg10 : memref<!tpu.dma_semaphore, #tpu.memory_space<semaphore_mem>>)
    %dma_wait3A_219 = tpu.memref_slice %arg4[%add3A_186] : memref<9043968xf32, #tpu.memory_space<hbm>> -> memref<17664xf32, #tpu.memory_space<hbm>>
    %dma_wait3A_220 = tpu.memref_slice %arg4[%add3A_186] : memref<9043968xf32, #tpu.memory_space<hbm>> -> memref<17664xf32, #tpu.memory_space<hbm>>
    tpu.wait_dma2 semaphore(%arg13 : memref<!tpu.dma_semaphore, #tpu.memory_space<semaphore_mem>>) src(%arg9 : memref<17664xf32, #tpu.memory_space<vmem>>) dst(%dma_wait3A_220 : memref<17664xf32, #tpu.memory_space<hbm>>)
    %dma_wait3A_221 = arith.constant 9 : i32
    %dma_wait3A_222 = arith.constant 0 : i32
    %dma_wait3A_223 = tpu.memref_slice %arg5[%dma_wait3A_221, %dma_wait3A_222] : memref<16x64xi32, #tpu.memory_space<vmem>> -> memref<1x64xi32, #tpu.memory_space<vmem>>
    %dma_wait3A_224 = tpu.memref_squeeze %dma_wait3A_223 : memref<1x64xi32, #tpu.memory_space<vmem>> -> memref<64xi32, #tpu.memory_space<vmem>>
    %dma_wait3A_225 = arith.constant 0 : i32
    %dma_wait3A_226 = arith.constant 0 : i32
    %dma_wait3A_227 = tpu.memref_slice %arg2[%dma_wait3A_225, %dma_wait3A_226] : memref<1024x288xf32, #tpu.memory_space<hbm>> -> memref<1024x288xf32, #tpu.memory_space<hbm>>
    tpu.wait_indirect_dma semaphore(%arg11 : memref<!tpu.dma_semaphore, #tpu.memory_space<semaphore_mem>>) src(%dma_wait3A_227 : memref<1024x288xf32, #tpu.memory_space<hbm>>) dst(%arg7 : memref<64x288xf32, #tpu.memory_space<vmem>>)
    %parallel_loop3A_228 = arith.constant 0 : i32
    %parallel_loop3A_229 = arith.constant 1104 : i32
    %parallel_loop3A_230 = arith.constant 1 : i32
    scf.for %parallel_loop3A_370 = %parallel_loop3A_228 to %parallel_loop3A_229 step %parallel_loop3A_230  : i32 {
      %parallel_loop3A_371 = arith.constant 16 : i32
      %parallel_loop3A_372 = arith.muli %parallel_loop3A_370, %parallel_loop3A_371 : i32
      %parallel_loop3A_373 = tpu.iota {dimensions = array<i32: 0>} : vector<16xi32>
      %parallel_loop3A_374 = vector.broadcast %parallel_loop3A_372 : i32 to vector<16xi32>
      %parallel_loop3A_375 = arith.addi %parallel_loop3A_374, %parallel_loop3A_373 : vector<16xi32>
      %parallel_loop3A_376 = arith.constant 15197 : i32
      %parallel_loop3A_377 = vector.broadcast %parallel_loop3A_376 : i32 to vector<16xi32>
      %parallel_loop3A_378 = arith.muli %parallel_loop3A_375, %parallel_loop3A_377 : vector<16xi32>
      %parallel_loop3A_379 = arith.constant 22 : i32
      %parallel_loop3A_380 = vector.broadcast %parallel_loop3A_379 : i32 to vector<16xi32>
      %parallel_loop3A_381 = arith.shrsi %parallel_loop3A_378, %parallel_loop3A_380 : vector<16xi32>
      %parallel_loop3A_382 = arith.constant 276 : i32
      %parallel_loop3A_383 = vector.broadcast %parallel_loop3A_382 : i32 to vector<16xi32>
      %parallel_loop3A_384 = arith.muli %parallel_loop3A_381, %parallel_loop3A_383 : vector<16xi32>
      %parallel_loop3A_385 = arith.subi %parallel_loop3A_375, %parallel_loop3A_384 : vector<16xi32>
      %parallel_loop3A_386 = tpu.vector_load_idx %arg7[%parallel_loop3A_381, %parallel_loop3A_385] : memref<64x288xf32, #tpu.memory_space<vmem>>[vector<16xi32>, vector<16xi32>], vector<16xf32>,
      %parallel_loop3A_387 = arith.constant 16 : i32
      %parallel_loop3A_388 = arith.muli %parallel_loop3A_370, %parallel_loop3A_387 : i32
      %parallel_loop3A_389 = tpu.assume_multiple %parallel_loop3A_388, 16 : i32
      %parallel_loop3A_390 = arith.index_cast %parallel_loop3A_389 : i32 to index
      %parallel_loop3A_391 = tpu.vector_load %arg9[%parallel_loop3A_390] {strides = array<i32>} : memref<17664xf32, #tpu.memory_space<vmem>>, vector<16xf32>,
      tpu.vector_store %arg9[%parallel_loop3A_390], %parallel_loop3A_386 {strides = array<i32>} : memref<17664xf32, #tpu.memory_space<vmem>>, vector<16xf32>,
    } {sc.loop_unroll_factor = 8 : i64, sc.parallel_access}
    %add3A_231 = arith.constant 158976 : i32
    %add3A_232 = arith.addi %multiple_of3A, %add3A_231 : i32
    %dma_start3A_233 = tpu.memref_slice %arg4[%add3A_232] : memref<9043968xf32, #tpu.memory_space<hbm>> -> memref<17664xf32, #tpu.memory_space<hbm>>
    %dma_start3A_234 = tpu.memref_slice %arg4[%add3A_232] : memref<9043968xf32, #tpu.memory_space<hbm>> -> memref<17664xf32, #tpu.memory_space<hbm>>
    tpu.enqueue_dma source(%arg9 : memref<17664xf32, #tpu.memory_space<vmem>>) target(%dma_start3A_234 : memref<17664xf32, #tpu.memory_space<hbm>>) target_semaphore(%arg13 : memref<!tpu.dma_semaphore, #tpu.memory_space<semaphore_mem>>)
    %dma_start3A_235 = arith.constant 11 : i32
    %dma_start3A_236 = arith.constant 0 : i32
    %dma_start3A_237 = tpu.memref_slice %arg5[%dma_start3A_235, %dma_start3A_236] : memref<16x64xi32, #tpu.memory_space<vmem>> -> memref<1x64xi32, #tpu.memory_space<vmem>>
    %dma_start3A_238 = tpu.memref_squeeze %dma_start3A_237 : memref<1x64xi32, #tpu.memory_space<vmem>> -> memref<64xi32, #tpu.memory_space<vmem>>
    %dma_start3A_239 = arith.constant 0 : i32
    %dma_start3A_240 = arith.constant 0 : i32
    %dma_start3A_241 = tpu.memref_slice %arg2[%dma_start3A_239, %dma_start3A_240] : memref<1024x288xf32, #tpu.memory_space<hbm>> -> memref<1024x288xf32, #tpu.memory_space<hbm>>
    tpu.enqueue_indirect_dma source(%dma_start3A_241 : memref<1024x288xf32, #tpu.memory_space<hbm>>) target(%arg7 : memref<64x288xf32, #tpu.memory_space<vmem>>) offsets(%dma_start3A_238 : memref<64xi32, #tpu.memory_space<vmem>>) semaphore(%arg11 : memref<!tpu.dma_semaphore, #tpu.memory_space<semaphore_mem>>)
    %dma_wait3A_242 = tpu.memref_slice %arg4[%add3A_209] : memref<9043968xf32, #tpu.memory_space<hbm>> -> memref<17664xf32, #tpu.memory_space<hbm>>
    %dma_wait3A_243 = tpu.memref_slice %arg4[%add3A_209] : memref<9043968xf32, #tpu.memory_space<hbm>> -> memref<17664xf32, #tpu.memory_space<hbm>>
    tpu.wait_dma2 semaphore(%arg12 : memref<!tpu.dma_semaphore, #tpu.memory_space<semaphore_mem>>) src(%arg8 : memref<17664xf32, #tpu.memory_space<vmem>>) dst(%dma_wait3A_243 : memref<17664xf32, #tpu.memory_space<hbm>>)
    %dma_wait3A_244 = arith.constant 10 : i32
    %dma_wait3A_245 = arith.constant 0 : i32
    %dma_wait3A_246 = tpu.memref_slice %arg5[%dma_wait3A_244, %dma_wait3A_245] : memref<16x64xi32, #tpu.memory_space<vmem>> -> memref<1x64xi32, #tpu.memory_space<vmem>>
    %dma_wait3A_247 = tpu.memref_squeeze %dma_wait3A_246 : memref<1x64xi32, #tpu.memory_space<vmem>> -> memref<64xi32, #tpu.memory_space<vmem>>
    %dma_wait3A_248 = arith.constant 0 : i32
    %dma_wait3A_249 = arith.constant 0 : i32
    %dma_wait3A_250 = tpu.memref_slice %arg2[%dma_wait3A_248, %dma_wait3A_249] : memref<1024x288xf32, #tpu.memory_space<hbm>> -> memref<1024x288xf32, #tpu.memory_space<hbm>>
    tpu.wait_indirect_dma semaphore(%arg10 : memref<!tpu.dma_semaphore, #tpu.memory_space<semaphore_mem>>) src(%dma_wait3A_250 : memref<1024x288xf32, #tpu.memory_space<hbm>>) dst(%arg6 : memref<64x288xf32, #tpu.memory_space<vmem>>)
    %parallel_loop3A_251 = arith.constant 0 : i32
    %parallel_loop3A_252 = arith.constant 1104 : i32
    %parallel_loop3A_253 = arith.constant 1 : i32
    scf.for %parallel_loop3A_370 = %parallel_loop3A_251 to %parallel_loop3A_252 step %parallel_loop3A_253  : i32 {
      %parallel_loop3A_371 = arith.constant 16 : i32
      %parallel_loop3A_372 = arith.muli %parallel_loop3A_370, %parallel_loop3A_371 : i32
      %parallel_loop3A_373 = tpu.iota {dimensions = array<i32: 0>} : vector<16xi32>
      %parallel_loop3A_374 = vector.broadcast %parallel_loop3A_372 : i32 to vector<16xi32>
      %parallel_loop3A_375 = arith.addi %parallel_loop3A_374, %parallel_loop3A_373 : vector<16xi32>
      %parallel_loop3A_376 = arith.constant 15197 : i32
      %parallel_loop3A_377 = vector.broadcast %parallel_loop3A_376 : i32 to vector<16xi32>
      %parallel_loop3A_378 = arith.muli %parallel_loop3A_375, %parallel_loop3A_377 : vector<16xi32>
      %parallel_loop3A_379 = arith.constant 22 : i32
      %parallel_loop3A_380 = vector.broadcast %parallel_loop3A_379 : i32 to vector<16xi32>
      %parallel_loop3A_381 = arith.shrsi %parallel_loop3A_378, %parallel_loop3A_380 : vector<16xi32>
      %parallel_loop3A_382 = arith.constant 276 : i32
      %parallel_loop3A_383 = vector.broadcast %parallel_loop3A_382 : i32 to vector<16xi32>
      %parallel_loop3A_384 = arith.muli %parallel_loop3A_381, %parallel_loop3A_383 : vector<16xi32>
      %parallel_loop3A_385 = arith.subi %parallel_loop3A_375, %parallel_loop3A_384 : vector<16xi32>
      %parallel_loop3A_386 = tpu.vector_load_idx %arg6[%parallel_loop3A_381, %parallel_loop3A_385] : memref<64x288xf32, #tpu.memory_space<vmem>>[vector<16xi32>, vector<16xi32>], vector<16xf32>,
      %parallel_loop3A_387 = arith.constant 16 : i32
      %parallel_loop3A_388 = arith.muli %parallel_loop3A_370, %parallel_loop3A_387 : i32
      %parallel_loop3A_389 = tpu.assume_multiple %parallel_loop3A_388, 16 : i32
      %parallel_loop3A_390 = arith.index_cast %parallel_loop3A_389 : i32 to index
      %parallel_loop3A_391 = tpu.vector_load %arg8[%parallel_loop3A_390] {strides = array<i32>} : memref<17664xf32, #tpu.memory_space<vmem>>, vector<16xf32>,
      tpu.vector_store %arg8[%parallel_loop3A_390], %parallel_loop3A_386 {strides = array<i32>} : memref<17664xf32, #tpu.memory_space<vmem>>, vector<16xf32>,
    } {sc.loop_unroll_factor = 8 : i64, sc.parallel_access}
    %add3A_254 = arith.constant 176640 : i32
    %add3A_255 = arith.addi %multiple_of3A, %add3A_254 : i32
    %dma_start3A_256 = tpu.memref_slice %arg4[%add3A_255] : memref<9043968xf32, #tpu.memory_space<hbm>> -> memref<17664xf32, #tpu.memory_space<hbm>>
    %dma_start3A_257 = tpu.memref_slice %arg4[%add3A_255] : memref<9043968xf32, #tpu.memory_space<hbm>> -> memref<17664xf32, #tpu.memory_space<hbm>>
    tpu.enqueue_dma source(%arg8 : memref<17664xf32, #tpu.memory_space<vmem>>) target(%dma_start3A_257 : memref<17664xf32, #tpu.memory_space<hbm>>) target_semaphore(%arg12 : memref<!tpu.dma_semaphore, #tpu.memory_space<semaphore_mem>>)
    %dma_start3A_258 = arith.constant 12 : i32
    %dma_start3A_259 = arith.constant 0 : i32
    %dma_start3A_260 = tpu.memref_slice %arg5[%dma_start3A_258, %dma_start3A_259] : memref<16x64xi32, #tpu.memory_space<vmem>> -> memref<1x64xi32, #tpu.memory_space<vmem>>
    %dma_start3A_261 = tpu.memref_squeeze %dma_start3A_260 : memref<1x64xi32, #tpu.memory_space<vmem>> -> memref<64xi32, #tpu.memory_space<vmem>>
    %dma_start3A_262 = arith.constant 0 : i32
    %dma_start3A_263 = arith.constant 0 : i32
    %dma_start3A_264 = tpu.memref_slice %arg2[%dma_start3A_262, %dma_start3A_263] : memref<1024x288xf32, #tpu.memory_space<hbm>> -> memref<1024x288xf32, #tpu.memory_space<hbm>>
    tpu.enqueue_indirect_dma source(%dma_start3A_264 : memref<1024x288xf32, #tpu.memory_space<hbm>>) target(%arg6 : memref<64x288xf32, #tpu.memory_space<vmem>>) offsets(%dma_start3A_261 : memref<64xi32, #tpu.memory_space<vmem>>) semaphore(%arg10 : memref<!tpu.dma_semaphore, #tpu.memory_space<semaphore_mem>>)
    %dma_wait3A_265 = tpu.memref_slice %arg4[%add3A_232] : memref<9043968xf32, #tpu.memory_space<hbm>> -> memref<17664xf32, #tpu.memory_space<hbm>>
    %dma_wait3A_266 = tpu.memref_slice %arg4[%add3A_232] : memref<9043968xf32, #tpu.memory_space<hbm>> -> memref<17664xf32, #tpu.memory_space<hbm>>
    tpu.wait_dma2 semaphore(%arg13 : memref<!tpu.dma_semaphore, #tpu.memory_space<semaphore_mem>>) src(%arg9 : memref<17664xf32, #tpu.memory_space<vmem>>) dst(%dma_wait3A_266 : memref<17664xf32, #tpu.memory_space<hbm>>)
    %dma_wait3A_267 = arith.constant 11 : i32
    %dma_wait3A_268 = arith.constant 0 : i32
    %dma_wait3A_269 = tpu.memref_slice %arg5[%dma_wait3A_267, %dma_wait3A_268] : memref<16x64xi32, #tpu.memory_space<vmem>> -> memref<1x64xi32, #tpu.memory_space<vmem>>
    %dma_wait3A_270 = tpu.memref_squeeze %dma_wait3A_269 : memref<1x64xi32, #tpu.memory_space<vmem>> -> memref<64xi32, #tpu.memory_space<vmem>>
    %dma_wait3A_271 = arith.constant 0 : i32
    %dma_wait3A_272 = arith.constant 0 : i32
    %dma_wait3A_273 = tpu.memref_slice %arg2[%dma_wait3A_271, %dma_wait3A_272] : memref<1024x288xf32, #tpu.memory_space<hbm>> -> memref<1024x288xf32, #tpu.memory_space<hbm>>
    tpu.wait_indirect_dma semaphore(%arg11 : memref<!tpu.dma_semaphore, #tpu.memory_space<semaphore_mem>>) src(%dma_wait3A_273 : memref<1024x288xf32, #tpu.memory_space<hbm>>) dst(%arg7 : memref<64x288xf32, #tpu.memory_space<vmem>>)
    %parallel_loop3A_274 = arith.constant 0 : i32
    %parallel_loop3A_275 = arith.constant 1104 : i32
    %parallel_loop3A_276 = arith.constant 1 : i32
    scf.for %parallel_loop3A_370 = %parallel_loop3A_274 to %parallel_loop3A_275 step %parallel_loop3A_276  : i32 {
      %parallel_loop3A_371 = arith.constant 16 : i32
      %parallel_loop3A_372 = arith.muli %parallel_loop3A_370, %parallel_loop3A_371 : i32
      %parallel_loop3A_373 = tpu.iota {dimensions = array<i32: 0>} : vector<16xi32>
      %parallel_loop3A_374 = vector.broadcast %parallel_loop3A_372 : i32 to vector<16xi32>
      %parallel_loop3A_375 = arith.addi %parallel_loop3A_374, %parallel_loop3A_373 : vector<16xi32>
      %parallel_loop3A_376 = arith.constant 15197 : i32
      %parallel_loop3A_377 = vector.broadcast %parallel_loop3A_376 : i32 to vector<16xi32>
      %parallel_loop3A_378 = arith.muli %parallel_loop3A_375, %parallel_loop3A_377 : vector<16xi32>
      %parallel_loop3A_379 = arith.constant 22 : i32
      %parallel_loop3A_380 = vector.broadcast %parallel_loop3A_379 : i32 to vector<16xi32>
      %parallel_loop3A_381 = arith.shrsi %parallel_loop3A_378, %parallel_loop3A_380 : vector<16xi32>
      %parallel_loop3A_382 = arith.constant 276 : i32
      %parallel_loop3A_383 = vector.broadcast %parallel_loop3A_382 : i32 to vector<16xi32>
      %parallel_loop3A_384 = arith.muli %parallel_loop3A_381, %parallel_loop3A_383 : vector<16xi32>
      %parallel_loop3A_385 = arith.subi %parallel_loop3A_375, %parallel_loop3A_384 : vector<16xi32>
      %parallel_loop3A_386 = tpu.vector_load_idx %arg7[%parallel_loop3A_381, %parallel_loop3A_385] : memref<64x288xf32, #tpu.memory_space<vmem>>[vector<16xi32>, vector<16xi32>], vector<16xf32>,
      %parallel_loop3A_387 = arith.constant 16 : i32
      %parallel_loop3A_388 = arith.muli %parallel_loop3A_370, %parallel_loop3A_387 : i32
      %parallel_loop3A_389 = tpu.assume_multiple %parallel_loop3A_388, 16 : i32
      %parallel_loop3A_390 = arith.index_cast %parallel_loop3A_389 : i32 to index
      %parallel_loop3A_391 = tpu.vector_load %arg9[%parallel_loop3A_390] {strides = array<i32>} : memref<17664xf32, #tpu.memory_space<vmem>>, vector<16xf32>,
      tpu.vector_store %arg9[%parallel_loop3A_390], %parallel_loop3A_386 {strides = array<i32>} : memref<17664xf32, #tpu.memory_space<vmem>>, vector<16xf32>,
    } {sc.loop_unroll_factor = 8 : i64, sc.parallel_access}
    %add3A_277 = arith.constant 194304 : i32
    %add3A_278 = arith.addi %multiple_of3A, %add3A_277 : i32
    %dma_start3A_279 = tpu.memref_slice %arg4[%add3A_278] : memref<9043968xf32, #tpu.memory_space<hbm>> -> memref<17664xf32, #tpu.memory_space<hbm>>
    %dma_start3A_280 = tpu.memref_slice %arg4[%add3A_278] : memref<9043968xf32, #tpu.memory_space<hbm>> -> memref<17664xf32, #tpu.memory_space<hbm>>
    tpu.enqueue_dma source(%arg9 : memref<17664xf32, #tpu.memory_space<vmem>>) target(%dma_start3A_280 : memref<17664xf32, #tpu.memory_space<hbm>>) target_semaphore(%arg13 : memref<!tpu.dma_semaphore, #tpu.memory_space<semaphore_mem>>)
    %dma_start3A_281 = arith.constant 13 : i32
    %dma_start3A_282 = arith.constant 0 : i32
    %dma_start3A_283 = tpu.memref_slice %arg5[%dma_start3A_281, %dma_start3A_282] : memref<16x64xi32, #tpu.memory_space<vmem>> -> memref<1x64xi32, #tpu.memory_space<vmem>>
    %dma_start3A_284 = tpu.memref_squeeze %dma_start3A_283 : memref<1x64xi32, #tpu.memory_space<vmem>> -> memref<64xi32, #tpu.memory_space<vmem>>
    %dma_start3A_285 = arith.constant 0 : i32
    %dma_start3A_286 = arith.constant 0 : i32
    %dma_start3A_287 = tpu.memref_slice %arg2[%dma_start3A_285, %dma_start3A_286] : memref<1024x288xf32, #tpu.memory_space<hbm>> -> memref<1024x288xf32, #tpu.memory_space<hbm>>
    tpu.enqueue_indirect_dma source(%dma_start3A_287 : memref<1024x288xf32, #tpu.memory_space<hbm>>) target(%arg7 : memref<64x288xf32, #tpu.memory_space<vmem>>) offsets(%dma_start3A_284 : memref<64xi32, #tpu.memory_space<vmem>>) semaphore(%arg11 : memref<!tpu.dma_semaphore, #tpu.memory_space<semaphore_mem>>)
    %dma_wait3A_288 = tpu.memref_slice %arg4[%add3A_255] : memref<9043968xf32, #tpu.memory_space<hbm>> -> memref<17664xf32, #tpu.memory_space<hbm>>
    %dma_wait3A_289 = tpu.memref_slice %arg4[%add3A_255] : memref<9043968xf32, #tpu.memory_space<hbm>> -> memref<17664xf32, #tpu.memory_space<hbm>>
    tpu.wait_dma2 semaphore(%arg12 : memref<!tpu.dma_semaphore, #tpu.memory_space<semaphore_mem>>) src(%arg8 : memref<17664xf32, #tpu.memory_space<vmem>>) dst(%dma_wait3A_289 : memref<17664xf32, #tpu.memory_space<hbm>>)
    %dma_wait3A_290 = arith.constant 12 : i32
    %dma_wait3A_291 = arith.constant 0 : i32
    %dma_wait3A_292 = tpu.memref_slice %arg5[%dma_wait3A_290, %dma_wait3A_291] : memref<16x64xi32, #tpu.memory_space<vmem>> -> memref<1x64xi32, #tpu.memory_space<vmem>>
    %dma_wait3A_293 = tpu.memref_squeeze %dma_wait3A_292 : memref<1x64xi32, #tpu.memory_space<vmem>> -> memref<64xi32, #tpu.memory_space<vmem>>
    %dma_wait3A_294 = arith.constant 0 : i32
    %dma_wait3A_295 = arith.constant 0 : i32
    %dma_wait3A_296 = tpu.memref_slice %arg2[%dma_wait3A_294, %dma_wait3A_295] : memref<1024x288xf32, #tpu.memory_space<hbm>> -> memref<1024x288xf32, #tpu.memory_space<hbm>>
    tpu.wait_indirect_dma semaphore(%arg10 : memref<!tpu.dma_semaphore, #tpu.memory_space<semaphore_mem>>) src(%dma_wait3A_296 : memref<1024x288xf32, #tpu.memory_space<hbm>>) dst(%arg6 : memref<64x288xf32, #tpu.memory_space<vmem>>)
    %parallel_loop3A_297 = arith.constant 0 : i32
    %parallel_loop3A_298 = arith.constant 1104 : i32
    %parallel_loop3A_299 = arith.constant 1 : i32
    scf.for %parallel_loop3A_370 = %parallel_loop3A_297 to %parallel_loop3A_298 step %parallel_loop3A_299  : i32 {
      %parallel_loop3A_371 = arith.constant 16 : i32
      %parallel_loop3A_372 = arith.muli %parallel_loop3A_370, %parallel_loop3A_371 : i32
      %parallel_loop3A_373 = tpu.iota {dimensions = array<i32: 0>} : vector<16xi32>
      %parallel_loop3A_374 = vector.broadcast %parallel_loop3A_372 : i32 to vector<16xi32>
      %parallel_loop3A_375 = arith.addi %parallel_loop3A_374, %parallel_loop3A_373 : vector<16xi32>
      %parallel_loop3A_376 = arith.constant 15197 : i32
      %parallel_loop3A_377 = vector.broadcast %parallel_loop3A_376 : i32 to vector<16xi32>
      %parallel_loop3A_378 = arith.muli %parallel_loop3A_375, %parallel_loop3A_377 : vector<16xi32>
      %parallel_loop3A_379 = arith.constant 22 : i32
      %parallel_loop3A_380 = vector.broadcast %parallel_loop3A_379 : i32 to vector<16xi32>
      %parallel_loop3A_381 = arith.shrsi %parallel_loop3A_378, %parallel_loop3A_380 : vector<16xi32>
      %parallel_loop3A_382 = arith.constant 276 : i32
      %parallel_loop3A_383 = vector.broadcast %parallel_loop3A_382 : i32 to vector<16xi32>
      %parallel_loop3A_384 = arith.muli %parallel_loop3A_381, %parallel_loop3A_383 : vector<16xi32>
      %parallel_loop3A_385 = arith.subi %parallel_loop3A_375, %parallel_loop3A_384 : vector<16xi32>
      %parallel_loop3A_386 = tpu.vector_load_idx %arg6[%parallel_loop3A_381, %parallel_loop3A_385] : memref<64x288xf32, #tpu.memory_space<vmem>>[vector<16xi32>, vector<16xi32>], vector<16xf32>,
      %parallel_loop3A_387 = arith.constant 16 : i32
      %parallel_loop3A_388 = arith.muli %parallel_loop3A_370, %parallel_loop3A_387 : i32
      %parallel_loop3A_389 = tpu.assume_multiple %parallel_loop3A_388, 16 : i32
      %parallel_loop3A_390 = arith.index_cast %parallel_loop3A_389 : i32 to index
      %parallel_loop3A_391 = tpu.vector_load %arg8[%parallel_loop3A_390] {strides = array<i32>} : memref<17664xf32, #tpu.memory_space<vmem>>, vector<16xf32>,
      tpu.vector_store %arg8[%parallel_loop3A_390], %parallel_loop3A_386 {strides = array<i32>} : memref<17664xf32, #tpu.memory_space<vmem>>, vector<16xf32>,
    } {sc.loop_unroll_factor = 8 : i64, sc.parallel_access}
    %add3A_300 = arith.constant 211968 : i32
    %add3A_301 = arith.addi %multiple_of3A, %add3A_300 : i32
    %dma_start3A_302 = tpu.memref_slice %arg4[%add3A_301] : memref<9043968xf32, #tpu.memory_space<hbm>> -> memref<17664xf32, #tpu.memory_space<hbm>>
    %dma_start3A_303 = tpu.memref_slice %arg4[%add3A_301] : memref<9043968xf32, #tpu.memory_space<hbm>> -> memref<17664xf32, #tpu.memory_space<hbm>>
    tpu.enqueue_dma source(%arg8 : memref<17664xf32, #tpu.memory_space<vmem>>) target(%dma_start3A_303 : memref<17664xf32, #tpu.memory_space<hbm>>) target_semaphore(%arg12 : memref<!tpu.dma_semaphore, #tpu.memory_space<semaphore_mem>>)
    %dma_start3A_304 = arith.constant 14 : i32
    %dma_start3A_305 = arith.constant 0 : i32
    %dma_start3A_306 = tpu.memref_slice %arg5[%dma_start3A_304, %dma_start3A_305] : memref<16x64xi32, #tpu.memory_space<vmem>> -> memref<1x64xi32, #tpu.memory_space<vmem>>
    %dma_start3A_307 = tpu.memref_squeeze %dma_start3A_306 : memref<1x64xi32, #tpu.memory_space<vmem>> -> memref<64xi32, #tpu.memory_space<vmem>>
    %dma_start3A_308 = arith.constant 0 : i32
    %dma_start3A_309 = arith.constant 0 : i32
    %dma_start3A_310 = tpu.memref_slice %arg2[%dma_start3A_308, %dma_start3A_309] : memref<1024x288xf32, #tpu.memory_space<hbm>> -> memref<1024x288xf32, #tpu.memory_space<hbm>>
    tpu.enqueue_indirect_dma source(%dma_start3A_310 : memref<1024x288xf32, #tpu.memory_space<hbm>>) target(%arg6 : memref<64x288xf32, #tpu.memory_space<vmem>>) offsets(%dma_start3A_307 : memref<64xi32, #tpu.memory_space<vmem>>) semaphore(%arg10 : memref<!tpu.dma_semaphore, #tpu.memory_space<semaphore_mem>>)
    %dma_wait3A_311 = tpu.memref_slice %arg4[%add3A_278] : memref<9043968xf32, #tpu.memory_space<hbm>> -> memref<17664xf32, #tpu.memory_space<hbm>>
    %dma_wait3A_312 = tpu.memref_slice %arg4[%add3A_278] : memref<9043968xf32, #tpu.memory_space<hbm>> -> memref<17664xf32, #tpu.memory_space<hbm>>
    tpu.wait_dma2 semaphore(%arg13 : memref<!tpu.dma_semaphore, #tpu.memory_space<semaphore_mem>>) src(%arg9 : memref<17664xf32, #tpu.memory_space<vmem>>) dst(%dma_wait3A_312 : memref<17664xf32, #tpu.memory_space<hbm>>)
    %dma_wait3A_313 = arith.constant 13 : i32
    %dma_wait3A_314 = arith.constant 0 : i32
    %dma_wait3A_315 = tpu.memref_slice %arg5[%dma_wait3A_313, %dma_wait3A_314] : memref<16x64xi32, #tpu.memory_space<vmem>> -> memref<1x64xi32, #tpu.memory_space<vmem>>
    %dma_wait3A_316 = tpu.memref_squeeze %dma_wait3A_315 : memref<1x64xi32, #tpu.memory_space<vmem>> -> memref<64xi32, #tpu.memory_space<vmem>>
    %dma_wait3A_317 = arith.constant 0 : i32
    %dma_wait3A_318 = arith.constant 0 : i32
    %dma_wait3A_319 = tpu.memref_slice %arg2[%dma_wait3A_317, %dma_wait3A_318] : memref<1024x288xf32, #tpu.memory_space<hbm>> -> memref<1024x288xf32, #tpu.memory_space<hbm>>
    tpu.wait_indirect_dma semaphore(%arg11 : memref<!tpu.dma_semaphore, #tpu.memory_space<semaphore_mem>>) src(%dma_wait3A_319 : memref<1024x288xf32, #tpu.memory_space<hbm>>) dst(%arg7 : memref<64x288xf32, #tpu.memory_space<vmem>>)
    %parallel_loop3A_320 = arith.constant 0 : i32
    %parallel_loop3A_321 = arith.constant 1104 : i32
    %parallel_loop3A_322 = arith.constant 1 : i32
    scf.for %parallel_loop3A_370 = %parallel_loop3A_320 to %parallel_loop3A_321 step %parallel_loop3A_322  : i32 {
      %parallel_loop3A_371 = arith.constant 16 : i32
      %parallel_loop3A_372 = arith.muli %parallel_loop3A_370, %parallel_loop3A_371 : i32
      %parallel_loop3A_373 = tpu.iota {dimensions = array<i32: 0>} : vector<16xi32>
      %parallel_loop3A_374 = vector.broadcast %parallel_loop3A_372 : i32 to vector<16xi32>
      %parallel_loop3A_375 = arith.addi %parallel_loop3A_374, %parallel_loop3A_373 : vector<16xi32>
      %parallel_loop3A_376 = arith.constant 15197 : i32
      %parallel_loop3A_377 = vector.broadcast %parallel_loop3A_376 : i32 to vector<16xi32>
      %parallel_loop3A_378 = arith.muli %parallel_loop3A_375, %parallel_loop3A_377 : vector<16xi32>
      %parallel_loop3A_379 = arith.constant 22 : i32
      %parallel_loop3A_380 = vector.broadcast %parallel_loop3A_379 : i32 to vector<16xi32>
      %parallel_loop3A_381 = arith.shrsi %parallel_loop3A_378, %parallel_loop3A_380 : vector<16xi32>
      %parallel_loop3A_382 = arith.constant 276 : i32
      %parallel_loop3A_383 = vector.broadcast %parallel_loop3A_382 : i32 to vector<16xi32>
      %parallel_loop3A_384 = arith.muli %parallel_loop3A_381, %parallel_loop3A_383 : vector<16xi32>
      %parallel_loop3A_385 = arith.subi %parallel_loop3A_375, %parallel_loop3A_384 : vector<16xi32>
      %parallel_loop3A_386 = tpu.vector_load_idx %arg7[%parallel_loop3A_381, %parallel_loop3A_385] : memref<64x288xf32, #tpu.memory_space<vmem>>[vector<16xi32>, vector<16xi32>], vector<16xf32>,
      %parallel_loop3A_387 = arith.constant 16 : i32
      %parallel_loop3A_388 = arith.muli %parallel_loop3A_370, %parallel_loop3A_387 : i32
      %parallel_loop3A_389 = tpu.assume_multiple %parallel_loop3A_388, 16 : i32
      %parallel_loop3A_390 = arith.index_cast %parallel_loop3A_389 : i32 to index
      %parallel_loop3A_391 = tpu.vector_load %arg9[%parallel_loop3A_390] {strides = array<i32>} : memref<17664xf32, #tpu.memory_space<vmem>>, vector<16xf32>,
      tpu.vector_store %arg9[%parallel_loop3A_390], %parallel_loop3A_386 {strides = array<i32>} : memref<17664xf32, #tpu.memory_space<vmem>>, vector<16xf32>,
    } {sc.loop_unroll_factor = 8 : i64, sc.parallel_access}
    %add3A_323 = arith.constant 229632 : i32
    %add3A_324 = arith.addi %multiple_of3A, %add3A_323 : i32
    %dma_start3A_325 = tpu.memref_slice %arg4[%add3A_324] : memref<9043968xf32, #tpu.memory_space<hbm>> -> memref<17664xf32, #tpu.memory_space<hbm>>
    %dma_start3A_326 = tpu.memref_slice %arg4[%add3A_324] : memref<9043968xf32, #tpu.memory_space<hbm>> -> memref<17664xf32, #tpu.memory_space<hbm>>
    tpu.enqueue_dma source(%arg9 : memref<17664xf32, #tpu.memory_space<vmem>>) target(%dma_start3A_326 : memref<17664xf32, #tpu.memory_space<hbm>>) target_semaphore(%arg13 : memref<!tpu.dma_semaphore, #tpu.memory_space<semaphore_mem>>)
    %dma_start3A_327 = arith.constant 15 : i32
    %dma_start3A_328 = arith.constant 0 : i32
    %dma_start3A_329 = tpu.memref_slice %arg5[%dma_start3A_327, %dma_start3A_328] : memref<16x64xi32, #tpu.memory_space<vmem>> -> memref<1x64xi32, #tpu.memory_space<vmem>>
    %dma_start3A_330 = tpu.memref_squeeze %dma_start3A_329 : memref<1x64xi32, #tpu.memory_space<vmem>> -> memref<64xi32, #tpu.memory_space<vmem>>
    %dma_start3A_331 = arith.constant 0 : i32
    %dma_start3A_332 = arith.constant 0 : i32
    %dma_start3A_333 = tpu.memref_slice %arg2[%dma_start3A_331, %dma_start3A_332] : memref<1024x288xf32, #tpu.memory_space<hbm>> -> memref<1024x288xf32, #tpu.memory_space<hbm>>
    tpu.enqueue_indirect_dma source(%dma_start3A_333 : memref<1024x288xf32, #tpu.memory_space<hbm>>) target(%arg7 : memref<64x288xf32, #tpu.memory_space<vmem>>) offsets(%dma_start3A_330 : memref<64xi32, #tpu.memory_space<vmem>>) semaphore(%arg11 : memref<!tpu.dma_semaphore, #tpu.memory_space<semaphore_mem>>)
    %dma_wait3A_334 = tpu.memref_slice %arg4[%add3A_301] : memref<9043968xf32, #tpu.memory_space<hbm>> -> memref<17664xf32, #tpu.memory_space<hbm>>
    %dma_wait3A_335 = tpu.memref_slice %arg4[%add3A_301] : memref<9043968xf32, #tpu.memory_space<hbm>> -> memref<17664xf32, #tpu.memory_space<hbm>>
    tpu.wait_dma2 semaphore(%arg12 : memref<!tpu.dma_semaphore, #tpu.memory_space<semaphore_mem>>) src(%arg8 : memref<17664xf32, #tpu.memory_space<vmem>>) dst(%dma_wait3A_335 : memref<17664xf32, #tpu.memory_space<hbm>>)
    %dma_wait3A_336 = arith.constant 14 : i32
    %dma_wait3A_337 = arith.constant 0 : i32
    %dma_wait3A_338 = tpu.memref_slice %arg5[%dma_wait3A_336, %dma_wait3A_337] : memref<16x64xi32, #tpu.memory_space<vmem>> -> memref<1x64xi32, #tpu.memory_space<vmem>>
    %dma_wait3A_339 = tpu.memref_squeeze %dma_wait3A_338 : memref<1x64xi32, #tpu.memory_space<vmem>> -> memref<64xi32, #tpu.memory_space<vmem>>
    %dma_wait3A_340 = arith.constant 0 : i32
    %dma_wait3A_341 = arith.constant 0 : i32
    %dma_wait3A_342 = tpu.memref_slice %arg2[%dma_wait3A_340, %dma_wait3A_341] : memref<1024x288xf32, #tpu.memory_space<hbm>> -> memref<1024x288xf32, #tpu.memory_space<hbm>>
    tpu.wait_indirect_dma semaphore(%arg10 : memref<!tpu.dma_semaphore, #tpu.memory_space<semaphore_mem>>) src(%dma_wait3A_342 : memref<1024x288xf32, #tpu.memory_space<hbm>>) dst(%arg6 : memref<64x288xf32, #tpu.memory_space<vmem>>)
    %parallel_loop3A_343 = arith.constant 0 : i32
    %parallel_loop3A_344 = arith.constant 1104 : i32
    %parallel_loop3A_345 = arith.constant 1 : i32
    scf.for %parallel_loop3A_370 = %parallel_loop3A_343 to %parallel_loop3A_344 step %parallel_loop3A_345  : i32 {
      %parallel_loop3A_371 = arith.constant 16 : i32
      %parallel_loop3A_372 = arith.muli %parallel_loop3A_370, %parallel_loop3A_371 : i32
      %parallel_loop3A_373 = tpu.iota {dimensions = array<i32: 0>} : vector<16xi32>
      %parallel_loop3A_374 = vector.broadcast %parallel_loop3A_372 : i32 to vector<16xi32>
      %parallel_loop3A_375 = arith.addi %parallel_loop3A_374, %parallel_loop3A_373 : vector<16xi32>
      %parallel_loop3A_376 = arith.constant 15197 : i32
      %parallel_loop3A_377 = vector.broadcast %parallel_loop3A_376 : i32 to vector<16xi32>
      %parallel_loop3A_378 = arith.muli %parallel_loop3A_375, %parallel_loop3A_377 : vector<16xi32>
      %parallel_loop3A_379 = arith.constant 22 : i32
      %parallel_loop3A_380 = vector.broadcast %parallel_loop3A_379 : i32 to vector<16xi32>
      %parallel_loop3A_381 = arith.shrsi %parallel_loop3A_378, %parallel_loop3A_380 : vector<16xi32>
      %parallel_loop3A_382 = arith.constant 276 : i32
      %parallel_loop3A_383 = vector.broadcast %parallel_loop3A_382 : i32 to vector<16xi32>
      %parallel_loop3A_384 = arith.muli %parallel_loop3A_381, %parallel_loop3A_383 : vector<16xi32>
      %parallel_loop3A_385 = arith.subi %parallel_loop3A_375, %parallel_loop3A_384 : vector<16xi32>
      %parallel_loop3A_386 = tpu.vector_load_idx %arg6[%parallel_loop3A_381, %parallel_loop3A_385] : memref<64x288xf32, #tpu.memory_space<vmem>>[vector<16xi32>, vector<16xi32>], vector<16xf32>,
      %parallel_loop3A_387 = arith.constant 16 : i32
      %parallel_loop3A_388 = arith.muli %parallel_loop3A_370, %parallel_loop3A_387 : i32
      %parallel_loop3A_389 = tpu.assume_multiple %parallel_loop3A_388, 16 : i32
      %parallel_loop3A_390 = arith.index_cast %parallel_loop3A_389 : i32 to index
      %parallel_loop3A_391 = tpu.vector_load %arg8[%parallel_loop3A_390] {strides = array<i32>} : memref<17664xf32, #tpu.memory_space<vmem>>, vector<16xf32>,
      tpu.vector_store %arg8[%parallel_loop3A_390], %parallel_loop3A_386 {strides = array<i32>} : memref<17664xf32, #tpu.memory_space<vmem>>, vector<16xf32>,
    } {sc.loop_unroll_factor = 8 : i64, sc.parallel_access}
    %add3A_346 = arith.constant 247296 : i32
    %add3A_347 = arith.addi %multiple_of3A, %add3A_346 : i32
    %dma_start3A_348 = tpu.memref_slice %arg4[%add3A_347] : memref<9043968xf32, #tpu.memory_space<hbm>> -> memref<17664xf32, #tpu.memory_space<hbm>>
    %dma_start3A_349 = tpu.memref_slice %arg4[%add3A_347] : memref<9043968xf32, #tpu.memory_space<hbm>> -> memref<17664xf32, #tpu.memory_space<hbm>>
    tpu.enqueue_dma source(%arg8 : memref<17664xf32, #tpu.memory_space<vmem>>) target(%dma_start3A_349 : memref<17664xf32, #tpu.memory_space<hbm>>) target_semaphore(%arg12 : memref<!tpu.dma_semaphore, #tpu.memory_space<semaphore_mem>>)
    %dma_wait3A_350 = tpu.memref_slice %arg4[%add3A_324] : memref<9043968xf32, #tpu.memory_space<hbm>> -> memref<17664xf32, #tpu.memory_space<hbm>>
    %dma_wait3A_351 = tpu.memref_slice %arg4[%add3A_324] : memref<9043968xf32, #tpu.memory_space<hbm>> -> memref<17664xf32, #tpu.memory_space<hbm>>
    tpu.wait_dma2 semaphore(%arg13 : memref<!tpu.dma_semaphore, #tpu.memory_space<semaphore_mem>>) src(%arg9 : memref<17664xf32, #tpu.memory_space<vmem>>) dst(%dma_wait3A_351 : memref<17664xf32, #tpu.memory_space<hbm>>)
    %dma_wait3A_352 = arith.constant 15 : i32
    %dma_wait3A_353 = arith.constant 0 : i32
    %dma_wait3A_354 = tpu.memref_slice %arg5[%dma_wait3A_352, %dma_wait3A_353] : memref<16x64xi32, #tpu.memory_space<vmem>> -> memref<1x64xi32, #tpu.memory_space<vmem>>
    %dma_wait3A_355 = tpu.memref_squeeze %dma_wait3A_354 : memref<1x64xi32, #tpu.memory_space<vmem>> -> memref<64xi32, #tpu.memory_space<vmem>>
    %dma_wait3A_356 = arith.constant 0 : i32
    %dma_wait3A_357 = arith.constant 0 : i32
    %dma_wait3A_358 = tpu.memref_slice %arg2[%dma_wait3A_356, %dma_wait3A_357] : memref<1024x288xf32, #tpu.memory_space<hbm>> -> memref<1024x288xf32, #tpu.memory_space<hbm>>
    tpu.wait_indirect_dma semaphore(%arg11 : memref<!tpu.dma_semaphore, #tpu.memory_space<semaphore_mem>>) src(%dma_wait3A_358 : memref<1024x288xf32, #tpu.memory_space<hbm>>) dst(%arg7 : memref<64x288xf32, #tpu.memory_space<vmem>>)
    %parallel_loop3A_359 = arith.constant 0 : i32
    %parallel_loop3A_360 = arith.constant 1104 : i32
    %parallel_loop3A_361 = arith.constant 1 : i32
    scf.for %parallel_loop3A_370 = %parallel_loop3A_359 to %parallel_loop3A_360 step %parallel_loop3A_361  : i32 {
      %parallel_loop3A_371 = arith.constant 16 : i32
      %parallel_loop3A_372 = arith.muli %parallel_loop3A_370, %parallel_loop3A_371 : i32
      %parallel_loop3A_373 = tpu.iota {dimensions = array<i32: 0>} : vector<16xi32>
      %parallel_loop3A_374 = vector.broadcast %parallel_loop3A_372 : i32 to vector<16xi32>
      %parallel_loop3A_375 = arith.addi %parallel_loop3A_374, %parallel_loop3A_373 : vector<16xi32>
      %parallel_loop3A_376 = arith.constant 15197 : i32
      %parallel_loop3A_377 = vector.broadcast %parallel_loop3A_376 : i32 to vector<16xi32>
      %parallel_loop3A_378 = arith.muli %parallel_loop3A_375, %parallel_loop3A_377 : vector<16xi32>
      %parallel_loop3A_379 = arith.constant 22 : i32
      %parallel_loop3A_380 = vector.broadcast %parallel_loop3A_379 : i32 to vector<16xi32>
      %parallel_loop3A_381 = arith.shrsi %parallel_loop3A_378, %parallel_loop3A_380 : vector<16xi32>
      %parallel_loop3A_382 = arith.constant 276 : i32
      %parallel_loop3A_383 = vector.broadcast %parallel_loop3A_382 : i32 to vector<16xi32>
      %parallel_loop3A_384 = arith.muli %parallel_loop3A_381, %parallel_loop3A_383 : vector<16xi32>
      %parallel_loop3A_385 = arith.subi %parallel_loop3A_375, %parallel_loop3A_384 : vector<16xi32>
      %parallel_loop3A_386 = tpu.vector_load_idx %arg7[%parallel_loop3A_381, %parallel_loop3A_385] : memref<64x288xf32, #tpu.memory_space<vmem>>[vector<16xi32>, vector<16xi32>], vector<16xf32>,
      %parallel_loop3A_387 = arith.constant 16 : i32
      %parallel_loop3A_388 = arith.muli %parallel_loop3A_370, %parallel_loop3A_387 : i32
      %parallel_loop3A_389 = tpu.assume_multiple %parallel_loop3A_388, 16 : i32
      %parallel_loop3A_390 = arith.index_cast %parallel_loop3A_389 : i32 to index
      %parallel_loop3A_391 = tpu.vector_load %arg9[%parallel_loop3A_390] {strides = array<i32>} : memref<17664xf32, #tpu.memory_space<vmem>>, vector<16xf32>,
      tpu.vector_store %arg9[%parallel_loop3A_390], %parallel_loop3A_386 {strides = array<i32>} : memref<17664xf32, #tpu.memory_space<vmem>>, vector<16xf32>,
    } {sc.loop_unroll_factor = 8 : i64, sc.parallel_access}
    %add3A_362 = arith.constant 264960 : i32
    %add3A_363 = arith.addi %multiple_of3A, %add3A_362 : i32
    %dma_start3A_364 = tpu.memref_slice %arg4[%add3A_363] : memref<9043968xf32, #tpu.memory_space<hbm>> -> memref<17664xf32, #tpu.memory_space<hbm>>
    %dma_start3A_365 = tpu.memref_slice %arg4[%add3A_363] : memref<9043968xf32, #tpu.memory_space<hbm>> -> memref<17664xf32, #tpu.memory_space<hbm>>
    tpu.enqueue_dma source(%arg9 : memref<17664xf32, #tpu.memory_space<vmem>>) target(%dma_start3A_365 : memref<17664xf32, #tpu.memory_space<hbm>>) target_semaphore(%arg13 : memref<!tpu.dma_semaphore, #tpu.memory_space<semaphore_mem>>)
    %dma_wait3A_366 = tpu.memref_slice %arg4[%add3A_347] : memref<9043968xf32, #tpu.memory_space<hbm>> -> memref<17664xf32, #tpu.memory_space<hbm>>
    %dma_wait3A_367 = tpu.memref_slice %arg4[%add3A_347] : memref<9043968xf32, #tpu.memory_space<hbm>> -> memref<17664xf32, #tpu.memory_space<hbm>>
    tpu.wait_dma2 semaphore(%arg12 : memref<!tpu.dma_semaphore, #tpu.memory_space<semaphore_mem>>) src(%arg8 : memref<17664xf32, #tpu.memory_space<vmem>>) dst(%dma_wait3A_367 : memref<17664xf32, #tpu.memory_space<hbm>>)
    %dma_wait3A_368 = tpu.memref_slice %arg4[%add3A_363] : memref<9043968xf32, #tpu.memory_space<hbm>> -> memref<17664xf32, #tpu.memory_space<hbm>>
    %dma_wait3A_369 = tpu.memref_slice %arg4[%add3A_363] : memref<9043968xf32, #tpu.memory_space<hbm>> -> memref<17664xf32, #tpu.memory_space<hbm>>
    tpu.wait_dma2 semaphore(%arg13 : memref<!tpu.dma_semaphore, #tpu.memory_space<semaphore_mem>>) src(%arg9 : memref<17664xf32, #tpu.memory_space<vmem>>) dst(%dma_wait3A_369 : memref<17664xf32, #tpu.memory_space<hbm>>)
    return
  }
}

module attributes {stable_mosaic.version = 14 : i64} {
  func.func @_diff_body(%arg0: i32, %arg1: memref<1024x3xi32, #tpu.memory_space<vmem>>, %arg2: memref<1024x2xi32, #tpu.memory_space<vmem>>) attributes {dimension_semantics = [#tpu.dimension_semantics<arbitrary>], iteration_bounds = array<i64: 16>, scalar_prefetch = 0 : i64, scratch_operands = 0 : i64, tpu.core_type = #tpu.core_type<tc>, window_params = [{transform_indices = @transform_0, window_bounds = array<i64: 1024, 3>}, {transform_indices = @transform_1, window_bounds = array<i64: 1024, 2>}]} {
    %get3A = arith.constant 0 : index
    %get3A_0 = arith.constant 0 : index
    %get3A_1 = vector.load %arg1[%get3A, %get3A_0] : memref<1024x3xi32, #tpu.memory_space<vmem>>, vector<1024x3xi32>
    %slice3A = vector.extract_strided_slice %get3A_1 {offsets = [0, 1], sizes = [1024, 2], strides = [1, 1]} : vector<1024x3xi32> to vector<1024x2xi32>
    %slice3A_2 = vector.extract_strided_slice %get3A_1 {offsets = [0, 0], sizes = [1024, 2], strides = [1, 1]} : vector<1024x3xi32> to vector<1024x2xi32>
    %sub3A = arith.subi %slice3A, %slice3A_2 : vector<1024x2xi32>
    %swap3A = arith.constant 0 : index
    %swap3A_3 = arith.constant 0 : index
    %swap3A_4 = vector.load %arg2[%swap3A, %swap3A_3] : memref<1024x2xi32, #tpu.memory_space<vmem>>, vector<1024x2xi32>
    tpu.vector_store %arg2[%swap3A, %swap3A_3], %sub3A {strides = array<i32>} : memref<1024x2xi32, #tpu.memory_space<vmem>>, vector<1024x2xi32>,
    return
  }
  func.func @transform_0(%arg0: i32) -> (i32, i32) {
    %c0_i32 = arith.constant 0 : i32
    %c0_i32_0 = arith.constant 0 : i32
    return %arg0, %c0_i32 : i32, i32
  }
  func.func @transform_1(%arg0: i32) -> (i32, i32) {
    %c0_i32 = arith.constant 0 : i32
    %c0_i32_0 = arith.constant 0 : i32
    return %arg0, %c0_i32 : i32, i32
  }
}

module attributes {stable_mosaic.version = 14 : i64} {
  func.func @_table_body(%arg0: memref<1024x256xf32, #tpu.memory_space<vmem>>, %arg1: memref<1024x288xf32, #tpu.memory_space<vmem>>) attributes {dimension_semantics = [], scalar_prefetch = 0 : i64, scratch_operands = 0 : i64, tpu.core_type = #tpu.core_type<tc>} {
    %iota3A = tpu.iota {dimensions = array<i32: 0>} : vector<1024x10xi32>
    %convert_element_type3A = arith.sitofp %iota3A : vector<1024x10xi32> to vector<1024x10xf32>
    %iota3A_0 = tpu.iota {dimensions = array<i32: 1>} : vector<1024x10xi32>
    %convert_element_type3A_1 = arith.sitofp %iota3A_0 : vector<1024x10xi32> to vector<1024x10xf32>
    %exp23A = math.exp2 %convert_element_type3A_1 : vector<1024x10xf32>
    %mul3A = arith.mulf %convert_element_type3A, %exp23A : vector<1024x10xf32>
    %mul3A_2 = arith.constant 0.00306796166 : f32
    %mul3A_3 = vector.broadcast %mul3A_2 : f32 to vector<1024x10xf32>
    %mul3A_4 = arith.mulf %mul3A, %mul3A_3 : vector<1024x10xf32>
    %broadcast_in_dim3A = arith.constant 0.000000e+00 : f32
    %broadcast_in_dim3A_5 = vector.broadcast %broadcast_in_dim3A : f32 to vector<1024x12xf32>
    %get3A = arith.constant 0 : index
    %get3A_6 = arith.constant 0 : index
    %get3A_7 = vector.load %arg0[%get3A, %get3A_6] : memref<1024x256xf32, #tpu.memory_space<vmem>>, vector<1024x256xf32>
    %sin3A = math.sin %mul3A_4 : vector<1024x10xf32>
    %cos3A = math.cos %mul3A_4 : vector<1024x10xf32>
    %concatenate3A = tpu.concatenate %get3A_7, %sin3A, %cos3A, %broadcast_in_dim3A_5 in 1 : vector<1024x256xf32>, vector<1024x10xf32>, vector<1024x10xf32>, vector<1024x12xf32> -> vector<1024x288xf32>
    %swap3A = arith.constant 0 : index
    %swap3A_8 = arith.constant 0 : index
    %swap3A_9 = vector.load %arg1[%swap3A, %swap3A_8] : memref<1024x288xf32, #tpu.memory_space<vmem>>, vector<1024x288xf32>
    tpu.vector_store %arg1[%swap3A, %swap3A_8], %concatenate3A {strides = array<i32>} : memref<1024x288xf32, #tpu.memory_space<vmem>>, vector<1024x288xf32>,
    return
  }
}

</mosaic_0001>

<sc_bundles>
// kernel: kernel.5.cloned.1.call-start
scs
__scs_entry_jumppad:
0x0: {  	(pc) =	sbr.rel $0x88, $3  }
0x1: {  	(tag) =	ssettag $0x0;
	lr =	simm.s32 $0x1  }
0x2: {  	[smem:$0x3F9F] =	sst lr;
	_ =	strace $0xD0000000  }
0x3: {  	_ = 	snop  }
0x4: {  	_ = 	snop  }
0x5: {  	_ = 	snop  }
0x6: {  	_ = 	snop  }
0x7: {  	_ = 	snop  }
__scs_overlays_trampoline_lowered:
0x8: {  	[smem:$0x3FAE] =	sst s0  }
0x9: {  	[smem:$0x3FAF] =	sst s1  }
0xa: {  	[smem:$0x3FB0] =	sst s2  }
0xb: {  	[smem:$0x3FB1] =	sst s3  }
0xc: {  	[smem:$0x3FB2] =	sst s4  }
0xd: {  	[smem:$0x3FB3] =	sst s5  }
0xe: {  	[smem:$0x3FB4] =	sst s6  }
0xf: {  	[smem:$0x3FB5] =	sst s7  }
0x10: {  	[smem:$0x3FB6] =	sst s8  }
0x11: {  	[smem:$0x3FB7] =	sst s9;
	s0 =	simm.s32 @!p0 $0x0  }
0x12: {  	s1 =	sld [smem:$0x3F9D];
	s0 =	simm.s32 @p0 $0x1  }
0x13: {  	[smem:$0x3FB8] =	sst s0;
	s0 =	simm.s32 @!p1 $0x0  }
0x14: {  	s2 =	sld [smem:$0x3F9C];
	s0 =	simm.s32 @p1 $0x1  }
0x15: {  	[smem:$0x3FB9] =	sst s0;
	s0 =	simm.s32 @!p2 $0x0  }
0x16: {  	s3 =	sld [smem:$0x3FDB];
	s0 =	simm.s32 @p2 $0x1  }
0x17: {  	s4 =	simm.s32 $0x1BF5;
	[smem:$0x3FBB] =	sst s0  }
0x18: {  	s0 =	sld [smem:$0x3F9E];
	_ =	swait.ge [sflag:s4], $0x0  }
0x19: {  	s7 =	sld [smem:$0x3F9F]  }
0x1a: {  	s8 =	sadd.s32 $0xFFFFE003, lr  }
0x1b: {  	s9 =	sadd.s32 $0xFFFFFEF7, lr;
	s5 =	simm.s32 $0xFFFFFFFF;
	p2 =	slt.u32 s8, $0xFFFFF086  }
0x1c: {  	p1 =	slt.u32 s9, $0xF7A;
	s5 =	simm.s32 @!p2 $0x0  }
0x1d: {  	s5 =	simm.s32 @p1 $0x1;
	p0 =	seq.s32 s7, s2  }
0x1e: {  	s7 =	smul.u32 @!p0 $0xF7A, s2;
	p2 =	seq.s32 @!p0 s5, $0x0  }
0x1f: {  	s9 =	smul.u32 $0xF7A, s1;
	s8 =	simm.s32 @!p0 $0x1BF5;
	p2 =	por !p2, p0  }
0x20: {  	[sflag:s8] =	ssyncset.s32 @!p0 $0xFFFFF086;
	s6 =	sadd.s32 @!p0 s3, s7;
	s7 =	simm.s32 @!p0 $0x108  }
0x21: {  	s3 =	sadd.s32 s3, s9;
	s6 =	sadd.s32 @!p0 $0x88, s6;
	s7 =	simm.s32 @p2 $0x1082  }
0x22: {  	[simem:s7], [sflag:s8] =	dma.local @!p0 [hbm:s6], $0xF7A  }
0x23: {  	s9 =	sor.u32 $0xD0000000, s2;
	s6 =	simm.s32 $0x108;
	_ =	swait.ge @!p0 [sflag:s8], $0x0  }
0x24: {  	s3 =	sadd.s32 $0x88, s3;
	s6 =	simm.s32 @!p1 $0x1082;
	[sflag:s4] =	ssyncset.s32 $0xFFFFF086  }
0x25: {  	[simem:s6], [sflag:s4] =	dma.local [hbm:s3], $0xF7A  }
0x26: {  	[smem:$0x3F9F] =	sst s1;
	(tag) =	ssettag s2;
	_ =	strace s9  }
0x27: {  	s1 =	sld [smem:$0x3FAF]  }
0x28: {  	s2 =	sld [smem:$0x3FB0]  }
0x29: {  	s4 =	sld [smem:$0x3FB2]  }
0x2a: {  	p0 =	seq.s32 s5, $0x0;
	s5 =	sld [smem:$0x3FB3]  }
0x2b: {  	s6 =	sld [smem:$0x3FB4]  }
0x2c: {  	s7 =	sld [smem:$0x3FB5]  }
0x2d: {  	s3 =	simm.s32 $0x108;
	s8 =	sld [smem:$0x3FB6]  }
0x2e: {  	s3 =	simm.s32 @!p0 $0x1082;
	s9 =	sld [smem:$0x3FB7]  }
0x2f: {  	lr =	sadd.s32 s0, s3;
	s0 =	sld [smem:$0x3FAE]  }
0x30: {  	s3 =	sld [smem:$0x3FB1]  }
0x31: {  	[smem:$0x3FBA] =	sst s10  }
0x32: {  	s10 =	sld [smem:$0x3FB8];
	_ =	sdelay $0x3  }
0x33: {  	p0 =	seq.s32 s10, $0x1;
	s10 =	sld [smem:$0x3FBA];
	_ =	sdelay $0x3  }
0x34: {  	[smem:$0x3FBA] =	sst s10  }
0x35: {  	s10 =	sld [smem:$0x3FB9];
	_ =	sdelay $0x3  }
0x36: {  	p1 =	seq.s32 s10, $0x1;
	s10 =	sld [smem:$0x3FBA];
	_ =	sdelay $0x3  }
0x37: {  	[smem:$0x3FBA] =	sst s10  }
0x38: {  	s10 =	sld [smem:$0x3FBB]  }
0x39: {  	_ = 	snop;
	(pc) =	sbr.ind lr, $3  }
0x3a: {  	_ = 	snop  }
0x3b: {  	_ = 	snop  }
0x3c: {  	p2 =	seq.s32 s10, $0x1;
	s10 =	sld [smem:$0x3FBA]  }
0x3d: {  	_ =	shalt  }
0x3e: {  	_ =	shalt  }
0x3f: {  	_ =	shalt  }
0x40: {  	_ =	shalt  }
0x41: {  	_ =	shalt  }
0x42: {  	_ =	shalt  }
0x43: {  	_ =	shalt  }
0x44: {  	_ =	shalt  }
0x45: {  	_ =	shalt  }
0x46: {  	_ =	shalt  }
0x47: {  	_ =	shalt  }
0x48: {  	_ =	shalt  }
0x49: {  	_ =	shalt  }
0x4a: {  	_ =	shalt  }
0x4b: {  	_ =	shalt  }
0x4c: {  	_ =	shalt  }
0x4d: {  	_ =	shalt  }
0x4e: {  	_ =	shalt  }
0x4f: {  	_ =	shalt  }
0x50: {  	_ =	shalt  }
0x51: {  	_ =	shalt  }
0x52: {  	_ =	shalt  }
0x53: {  	_ =	shalt  }
0x54: {  	_ =	shalt  }
0x55: {  	_ =	shalt  }
0x56: {  	_ =	shalt  }
0x57: {  	_ =	shalt  }
0x58: {  	_ =	shalt  }
0x59: {  	_ =	shalt  }
0x5a: {  	_ =	shalt  }
0x5b: {  	_ =	shalt  }
0x5c: {  	_ =	shalt  }
0x5d: {  	_ =	shalt  }
0x5e: {  	_ =	shalt  }
0x5f: {  	_ =	shalt  }
0x60: {  	_ =	shalt  }
0x61: {  	_ =	shalt  }
0x62: {  	_ =	shalt  }
0x63: {  	_ =	shalt  }
0x64: {  	_ =	shalt  }
0x65: {  	_ =	shalt  }
0x66: {  	_ =	shalt  }
0x67: {  	_ =	shalt  }
0x68: {  	_ =	shalt  }
0x69: {  	_ =	shalt  }
0x6a: {  	_ =	shalt  }
0x6b: {  	_ =	shalt  }
0x6c: {  	_ =	shalt  }
0x6d: {  	_ =	shalt  }
0x6e: {  	_ =	shalt  }
0x6f: {  	_ =	shalt  }
0x70: {  	_ =	shalt  }
0x71: {  	_ =	shalt  }
0x72: {  	_ =	shalt  }
0x73: {  	_ =	shalt  }
0x74: {  	_ =	shalt  }
0x75: {  	_ =	shalt  }
0x76: {  	_ =	shalt  }
0x77: {  	_ =	shalt  }
0x78: {  	_ =	shalt  }
0x79: {  	_ =	shalt  }
0x7a: {  	_ =	shalt  }
0x7b: {  	_ =	shalt  }
0x7c: {  	_ =	shalt  }
0x7d: {  	_ =	shalt  }
0x7e: {  	_ =	shalt  }
0x7f: {  	_ =	shalt  }
0x80: {  	_ =	shalt  }
0x81: {  	_ =	shalt  }
0x82: {  	_ =	shalt  }
0x83: {  	_ =	shalt  }
0x84: {  	_ =	shalt  }
0x85: {  	_ =	shalt  }
0x86: {  	_ =	shalt  }
0x87: {  	_ =	shalt  }
.Lfunc_end0:
.L_simem_size_0:
called_computation.1_lowered:
.L_overlay_start_0:
0x88: {  	s2 =	sld [smem:$0x3FD9]  }
0x89: {  	s3 =	sld [smem:$0x3FFE];
	_ =	sdelay $0x1  }
0x8a: {  	s1 =	srdreg.scid  }
0x8b: {  	s0 =	sand.u32 $0x1, s1  }
0x8c: {  	s17 =	sshll.u32 s0, $0xA;
	s2 =	sadd.s32 s3, s2  }
0x8d: {  	s2 =	sadd.s32 s2, s17  }
0x8e: {  	[smem:$0x3FC6] =	sst s2  }
0x8f: {  	_ = 	snop  }
0x90: {  	s2 =	sld [smem:$0x3FD0];
	(tm) =	ssettm $0x1  }
0x91: {  	s18 =	sld [smem:$0x3FFB];
	_ =	sdelay $0x3  }
0x92: {  	_ =	strace s18  }
0x93: {  	s3 =	sld [smem:$0x3FFC];
	_ =	sdelay $0x3  }
0x94: {  	_ =	strace s3  }
0x95: {  	s3 =	sld [smem:$0x3FFD];
	_ =	sdelay $0x3  }
0x96: {  	_ =	strace s3  }
0x97: {  	_ =	strace $0x8FFFFFFF  }
0x98: {  	s19 =	sld [smem:$0x3FDB];
	_ =	sdelay $0x1  }
0x99: {  	s4 =	simm.s32 $_scs_section_size  }
0x9a: {  	s5 =	simm.s32 $_size__tile_overlayer_lowered;
	s6 =	simm.s32 $_tile_overlayer_lowered  }
0x9b: {  	s22 =	simm.s32 $0x1BFF;
	s21 =	sshll.u32 s6, $0x1;
	s3 =	sadd.s32 s4, s19  }
0x9c: {  	s7 =	simm.s32 $0x0;
	s20 =	sshll.u32 s5, $0x1;
	s5 =	sadd.s32 s21, s3  }
0x9d: {  	[timem:s7], [sflag:s22] =	dma.local [hbm:s5], s20  }
0x9e: {  	_ =	swait.ge [sflag:s22], s20  }
0x9f: {  	s4 =	ssub.s32 $0x0, s20;
	[sflag:s22] =	ssyncset.done $0x0  }
0xa0: {  	[sflag:s22] =	ssyncadd.s32 s4;
	_ =	sdelay $0x1  }
0xa1: {  	s23 =	simm.s32 $0x1B8B  }
0xa2: {  	_ =	swait.ge [sflag:s23], $0x1  }
0xa3: {  	[sflag:s23] =	ssyncset.done $0x0  }
0xa4: {  	s25 =	simm.s32 $0x1B8E;
	s24 =	sld [smem:$0x3FFE];
	[sflag:s23] =	ssyncadd.s32 $0xFFFFFFFF  }
0xa5: {  	s26 =	simm.s32 $execute0_lowered;
	[smem:$0x3FD2] =	sst s25  }
0xa6: {  	s5 =	sshll.u32 s26, $0x1;
	_ =	strace $0x80000046;
	[dreg:$0x1] =	wrdreg $0xFFFFFFFF  }
0xa7: {  	s28 =	simm.s32 $_size_execute0_lowered;
	s3 =	sadd.s32 s3, s5;
	[dreg:$0x0] =	wrdreg $0x0  }
0xa8: {  	s5 =	sshll.u32 s28, $0x1;
	[dreg:$0x2] =	wrdreg s3  }
0xa9: {  	[dreg:$0x3] =	wrdreg s5  }
0xaa: {  	[dreg:$0x4] =	wrdreg $0xC0  }
0xab: {  	_ =	task [dreg:s7], $0x5FFFF  }
0xac: {  	[dreg:$0x1] =	wrdreg $0xFFFFFFFF  }
0xad: {  	[dreg:$0x0] =	wrdreg $0x60  }
0xae: {  	[dreg:$0x2] =	wrdreg s24  }
0xaf: {  	[dreg:$0x3] =	wrdreg s2  }
0xb0: {  	[dreg:$0x4] =	wrdreg $0x9  }
0xb1: {  	_ =	task.clear_ibuf [dreg:s7], $0x5FFFF;
	_ =	strace $0x90000046  }
0xb2: {  	s29 =	simm.s32 $0x9;
	_ =	strace $0x80000048  }
0xb3: {  	_ =	swait.ge [sflag:s29], $0x1  }
0xb4: {  	[sflag:s29] =	ssyncadd.s32 $0xFFFFFFFF  }
0xb5: {  	_ =	strace $0x90000048  }
0xb6: {  	_ =	sfence  }
0xb7: {  	s30 =	sld [smem:$0x0];
	_ =	sdelay $0x2  }
0xb8: {  	s31 =	sshll.u32 s1, $0xD;
	s1 =	sshrl.u32 s1, $0x2  }
0xb9: {  	s3 =	sand.u32 $0x4000, s31;
	s1 =	sadd.s32 s1, s30  }
0xba: {  	s0 =	sor.u32 s3, s0;
	s1 =	sshll.u32 s1, $0x11  }
0xbb: {  	s0 =	sor.u32 s1, s0  }
0xbc: {  	s0 =	sadd.s32 $0x8F2B, s0  }
0xbd: {  	[sflag:s0] =	ssyncadd.remote.s32 $0x1  }
0xbe: {  	_ =	sfence.sel $0xFFFF  }
0xbf: {  	[dreg:$0x0] =	wrdreg $0xFFFFFFFF;
	(pc) =	sbr.abs _section_cstart, $3  }
0xc0: {  	[dreg:$0x1] =	wrdreg $0xFFFFFFFF  }
0xc1: {  	_ =	task.clear_ibuf [dreg:s7], $0x2FFFF;
	_ =	strace $0x9FFFFFFF  }
0xc2: {  	(tm) =	ssettm $0x7FFFFFFF  }
0xc3: {  	_ =	shalt  }
tec
execute0_lowered:
.L_overlay_start_1:
0x0: {  	(tag) =	ssettag $0x1  }
0x1: {  	s0 =	rddreg [dreg:$0x0];
	s1 =	srdreg.scid  }
0x2: {  	s2 =	stileid.u32;
	s4 =	rddreg [dreg:$0x1];
	s28 =	simm.s32 $0x9400  }
0x3: {  	s30 =	simm.s32 $0x2;
	s31 =	simm.s32 $0xD900;
	s29 =	simm.s32 $0x0  }
0x4: {  	s1 =	sand.u32 $0x1, s1;
	s3 =	sshll.u32 s2, $0x1;
	s2 =	simm.s32 $0x0  }
0x5: {  	s5 =	sor.u32 s1, s3;
	[smem:$0x7FF] =	sst s2;
	s3 =	sadd.s32 $0xA00, s0  }
0x6: {  	s1 =	ssub.s32 $0x2, s1;
	s6 =	smul.u32 $0x45000, s5;
	s5 =	sshll.u32 s5, $0x7  }
0x7: {  	_ =	strace $0x80000047;
	s7 =	sshrl.u32 s1, $0x1;
	s0 =	sadd.s32 s5, s0  }
0x8: {  	s1 =	ssub.s32 s1, s7;
	s6 =	sshrl.u32 s6, $0x3;
	s0 =	sadd.s32 $0x9A00, s0  }
0x9: {  	s21 =	smax.u32 s1, $0x1;
	s1 =	simm.s32 $0x4;
	s4 =	sadd.s32 s4, s6  }
0xa: {  	[dreg:$0x3] =	wrdreg s0;
	s0 =	simm.s32 $0x3;
	s22 =	sadd.s32 $0x8A0, s4  }
0xb: {  	s23 =	sadd.s32 $0x1140, s4;
	s24 =	sadd.s32 $0x19E0, s4;
	s25 =	sadd.s32 $0x2280, s4  }
0xc: {  	s26 =	sadd.s32 $0x2B20, s4;
	s11 =	sadd.s32 $0x33C0, s4;
	s12 =	sadd.s32 $0x3C60, s4  }
0xd: {  	s13 =	sadd.s32 $0x4500, s4;
	s14 =	sadd.s32 $0x4DA0, s4;
	[dreg:$0x4] =	wrdreg s22  }
0xe: {  	s15 =	sadd.s32 $0x5640, s4;
	s16 =	sadd.s32 $0x5EE0, s4;
	[dreg:$0x5] =	wrdreg s23  }
0xf: {  	s17 =	sadd.s32 $0x6780, s4;
	s18 =	sadd.s32 $0x7020, s4;
	[dreg:$0x6] =	wrdreg s24  }
0x10: {  	s19 =	sadd.s32 $0x78C0, s4;
	s20 =	sadd.s32 $0x8160, s4;
	[dreg:$0x7] =	wrdreg s25  }
0x11: {  	[dreg:$0x8] =	wrdreg s26;
	s22 =	simm.s32 $0x5;
	s23 =	simm.s32 $0x40  }
0x12: {  	v0 =	vlaneseq.u32;
	s24 =	simm.s32 $0x400;
	s25 =	simm.s32 $0x4C00;
	s26 =	simm.s32 $0x1  }
.LBB2_1:
0x13: {  	v1 =	vor.u32 s2, v0;
	s5 =	simm.s32 $0x10;
	s6 =	simm.s32 $0x70  }
0x14: {  	s10 =	simm.s32 $0x20;
	s7 =	simm.s32 $0x30;
	s8 =	simm.s32 $0x50;
	v2 =	vmul.u32 $0x3B5D, v1;
	v3 =	vor.u32 s5, v0;
	v4 =	vor.u32 s6, v0  }
0x15: {  	s9 =	simm.s32 $0x60;
	v5 =	vor.u32 s10, v0;
	v6 =	vor.u32 s7, v0;
	s7 =	simm.s32 $0x40;
	v9 =	vor.u32 s8, v0  }
0x16: {  	v10 =	vor.u32 s9, v0;
	v7 =	vmul.u32 $0x3B5D, v4;
	v8 =	vor.u32 s7, v0  }
0x17: {  	v11 =	vmul.u32 $0x3B5D, v3;
	v12 =	vmul.u32 $0x3B5D, v5;
	v13 =	vmul.u32 $0x3B5D, v6  }
0x18: {  	v16 =	vmul.u32 $0x3B5D, v9;
	v17 =	vmul.u32 $0x3B5D, v10;
	v14 =	vmul.u32 $0x3B5D, v8  }
0x19: {  	v2 =	vshrl.u32 v2, $0x16;
	v7 =	vshrl.u32 v7, $0x16;
	v11 =	vshrl.u32 v11, $0x16  }
0x1a: {  	v12 =	vshrl.u32 v12, $0x16;
	v13 =	vshrl.u32 v13, $0x16;
	v16 =	vshrl.u32 v16, $0x16  }
0x1b: {  	v52 =	vshrl.u32 v17, $0x16;
	v22 =	vmul.u32 $0xFFFFFEEC, v2;
	v2 =	vmul.u32 $0x120, v2  }
0x1c: {  	v15 =	vmul.u32 $0xFFFFFEEC, v7;
	v7 =	vmul.u32 $0x120, v7;
	v14 =	vshrl.u32 v14, $0x16  }
0x1d: {  	s10 =	rddreg [dreg:$0x3];
	v53 =	vmul.u32 $0xFFFFFEEC, v12;
	v18 =	vmul.u32 $0xFFFFFEEC, v13;
	v20 =	vmul.u32 $0xFFFFFEEC, v16  }
0x1e: {  	[tilespmem:s2], [sflag:$0x5] =	stream.linear.gather [hbm4b:s10+s2], $0x400, $0x38;
	v21 =	vmul.u32 $0xFFFFFEEC, v52;
	v54 =	vmul.u32 $0x120, v13;
	v56 =	vmul.u32 $0x120, v16;
	[tilespmem:$0x11E00] =	vst v63  }
0x1f: {  	_ =	swait.ge [sflag:s22], $0x400;
	v19 =	vmul.u32 $0xFFFFFEEC, v14;
	v1 =	vadd.s32 v1, v22;
	v55 =	vmul.u32 $0x120, v14  }
0x20: {  	[sflag:s22] =	ssyncset.done $0x0;
	v4 =	vadd.s32 v4, v15;
	v5 =	vadd.s32 v5, v53;
	v6 =	vadd.s32 v6, v18  }
0x21: {  	[sflag:s22] =	ssyncadd.s32 $0xFFFFFC00;
	v9 =	vadd.s32 v9, v20;
	v10 =	vadd.s32 v10, v21;
	v15 =	vand.u32 $0xFFFFFFF8, v4  }
0x22: {  	[tilespmem:s24], [sflag:$0x1] =	stream.indirect.gather [hbm4b:s3+s23], $0x120, s2, s23, $0xb8;
	v22 =	vand.u32 $0xFFFFFFF8, v1;
	v4 =	vand.u32 $0x7, v4;
	v7 =	vadd.s32 v7, v15;
	[tilespmem:$0x11E00] =	vst v63  }
0x23: {  	v8 =	vadd.s32 v8, v19;
	v17 =	vand.u32 $0xFFFFFFF8, v5;
	v4 =	vor.u32 v4, v7  }
0x24: {  	[tilespmem:s25], [sflag:$0x2] =	stream.indirect.gather [hbm4b:s3+s23], $0x120, s23, s23, $0xb8;
	v18 =	vand.u32 $0xFFFFFFF8, v6;
	v20 =	vand.u32 $0xFFFFFFF8, v9;
	v21 =	vand.u32 $0xFFFFFFF8, v10;
	[tilespmem:$0x11E00] =	vst v63  }
0x25: {  	v62 =	vand.u32 $0x7, v6;
	v15 =	vmul.u32 $0x120, v52;
	_ =	swait.ge [sflag:s26], $0x4800;
	v19 =	vand.u32 $0xFFFFFFF8, v8  }
0x26: {  	v60 =	vadd.s32 v56, v20;
	v63 =	vand.u32 $0x7, v8;
	v7 =	vmul.u32 $0xFFFFFEEC, v11;
	[sflag:s26] =	ssyncset.done $0x0  }
0x27: {  	v8 =	vand.u32 $0x7, v1;
	v1 =	vand.u32 $0x7, v9;
	v9 =	vand.u32 $0x7, v10;
	[sflag:s26] =	ssyncadd.s32 $0xFFFFB800  }
0x28: {  	v3 =	vadd.s32 v3, v7;
	v7 =	vmul.u32 $0x120, v11;
	v11 =	vmul.u32 $0x120, v12;
	v58 =	vld.idx.msk [tilespmem:v4+s24+$0x0], $0xffff  }
0x29: {  	v59 =	vadd.s32 v55, v19;
	v61 =	vadd.s32 v15, v21;
	v57 =	vand.u32 $0xFFFFFFF8, v3  }
0x2a: {  	v16 =	vadd.s32 v7, v57;
	v11 =	vadd.s32 v11, v17;
	v7 =	vadd.s32 v2, v22  }
0x2b: {  	v2 =	vand.u32 $0x7, v3;
	v3 =	vand.u32 $0x7, v5;
	v4 =	vadd.s32 v54, v18  }
0x2c: {  	s5 =	simm.s32 $0x9440;
	v6 =	vor.u32 v2, v16;
	v5 =	vor.u32 v3, v11;
	v3 =	vor.u32 v63, v59  }
0x2d: {  	s6 =	simm.s32 $0x0;
	s7 =	simm.s32 $0x80;
	v2 =	vor.u32 v1, v60;
	v1 =	vor.u32 v9, v61;
	v4 =	vor.u32 v62, v4;
	[tilespmem:s5+$0x30] =	vst v58  }
.LBB2_2:
0x2e: {  	v9 =	vor.u32 s7, v0;
	s8 =	sadd.s32 $0x10, s7;
	s9 =	sadd.s32 $0x70, s7;
	s6 =	sadd.s32 $0x8, s6;
	v7 =	vor.u32 v8, v7  }
0x2f: {  	s10 =	sadd.s32 $0x30, s7;
	v8 =	vmul.u32 $0x3B5D, v9;
	v10 =	vor.u32 s8, v0;
	s8 =	sadd.s32 $0x20, s7;
	v11 =	vor.u32 s9, v0;
	p0 =	slt.u32 s6, $0x448  }
0x30: {  	v13 =	vor.u32 s10, v0;
	s9 =	sadd.s32 $0x50, s7;
	s10 =	sadd.s32 $0x60, s7;
	v12 =	vor.u32 s8, v0;
	s8 =	sadd.s32 $0x40, s7;
	v14 =	vmul.u32 $0x3B5D, v11  }
0x31: {  	v16 =	vor.u32 s9, v0;
	v17 =	vor.u32 s10, v0;
	v15 =	vor.u32 s8, v0;
	v6 =	vld.idx.msk [tilespmem:v6+s24+$0x0], $0xffff  }
0x32: {  	v18 =	vmul.u32 $0x3B5D, v10;
	v19 =	vmul.u32 $0x3B5D, v12;
	v14 =	vshrl.u32 v14, $0x16;
	v5 =	vld.idx.msk [tilespmem:v5+s24+$0x0], $0xffff  }
0x33: {  	v20 =	vmul.u32 $0x3B5D, v13;
	v21 =	vmul.u32 $0x3B5D, v15;
	v22 =	vmul.u32 $0xFFFFFEEC, v14;
	v4 =	vld.idx.msk [tilespmem:v4+s24+$0x0], $0xffff  }
0x34: {  	v23 =	vmul.u32 $0x3B5D, v16;
	v24 =	vmul.u32 $0x3B5D, v17;
	v18 =	vshrl.u32 v18, $0x16;
	v3 =	vld.idx.msk [tilespmem:v3+s24+$0x0], $0xffff  }
0x35: {  	v19 =	vshrl.u32 v19, $0x16;
	v14 =	vmul.u32 $0x120, v14;
	v11 =	vadd.s32 v11, v22;
	v2 =	vld.idx.msk [tilespmem:v2+s24+$0x0], $0xffff  }
0x36: {  	v20 =	vshrl.u32 v20, $0x16;
	v21 =	vshrl.u32 v21, $0x16;
	v22 =	vand.u32 $0xFFFFFFF8, v11;
	v1 =	vld.idx.msk [tilespmem:v1+s24+$0x0], $0xffff  }
0x37: {  	v23 =	vshrl.u32 v23, $0x16;
	v11 =	vand.u32 $0x7, v11;
	v14 =	vadd.s32 v14, v22;
	v7 =	vld.idx.msk [tilespmem:v7+s24+$0x0], $0xffff;
	[tilespmem:s5+$0xFFFFFFD0] =	vst v6  }
0x38: {  	v6 =	vshrl.u32 v8, $0x16;
	v8 =	vshrl.u32 v24, $0x16;
	v11 =	vor.u32 v11, v14;
	[tilespmem:s5+$0xFFFFFFE0] =	vst v5  }
0x39: {  	v22 =	vmul.u32 $0xFFFFFEEC, v20;
	v5 =	vmul.u32 $0xFFFFFEEC, v18;
	v14 =	vmul.u32 $0xFFFFFEEC, v19;
	[tilespmem:s5+$0xFFFFFFF0] =	vst v4  }
0x3a: {  	v24 =	vmul.u32 $0xFFFFFEEC, v23;
	v25 =	vmul.u32 $0xFFFFFEEC, v8;
	v4 =	vmul.u32 $0xFFFFFEEC, v21;
	[tilespmem:s5+$0x0] =	vst v3  }
0x3b: {  	v3 =	vmul.u32 $0xFFFFFEEC, v6;
	v5 =	vadd.s32 v10, v5;
	v10 =	vadd.s32 v12, v14;
	[tilespmem:s5+$0x10] =	vst v2  }
0x3c: {  	v12 =	vadd.s32 v16, v24;
	v2 =	vadd.s32 v13, v22;
	v4 =	vadd.s32 v15, v4;
	[tilespmem:s5+$0x20] =	vst v1  }
0x3d: {  	v1 =	vadd.s32 v9, v3;
	v3 =	vmul.u32 $0x120, v18;
	v9 =	vadd.s32 v17, v25;
	v11 =	vld.idx.msk [tilespmem:v11+s24+$0x0], $0xffff;
	[tilespmem:s5+$0xFFFFFFC0] =	vst v7  }
0x3e: {  	v14 =	vmul.u32 $0x120, v21;
	v13 =	vmul.u32 $0x120, v20;
	v7 =	vmul.u32 $0x120, v19  }
0x3f: {  	v8 =	vmul.u32 $0x120, v8;
	v6 =	vmul.u32 $0x120, v6;
	v15 =	vmul.u32 $0x120, v23  }
0x40: {  	v16 =	vand.u32 $0xFFFFFFF8, v5;
	v17 =	vand.u32 $0xFFFFFFF8, v10;
	v18 =	vand.u32 $0xFFFFFFF8, v2  }
0x41: {  	v20 =	vand.u32 $0xFFFFFFF8, v12;
	v19 =	vand.u32 $0xFFFFFFF8, v4;
	v21 =	vand.u32 $0xFFFFFFF8, v9  }
0x42: {  	v22 =	vand.u32 $0xFFFFFFF8, v1;
	s5 =	sadd.s32 $0x80, s5;
	v3 =	vadd.s32 v3, v16;
	v16 =	vadd.s32 v7, v17  }
0x43: {  	v13 =	vadd.s32 v13, v18;
	v15 =	vadd.s32 v15, v20;
	v14 =	vadd.s32 v14, v19;
	[tilespmem:s5+$0x30] =	vst v11  }
.Ltmp0:
0x44: {  	v5 =	vand.u32 $0x7, v5;
	v7 =	vadd.s32 v6, v22;
	v11 =	vadd.s32 v8, v21;
	(pc) =	sbr.rel @p0 .LBB2_2-.Ltmp0, $4  }
0x45: {  	v10 =	vand.u32 $0x7, v10;
	v2 =	vand.u32 $0x7, v2;
	v17 =	vand.u32 $0x7, v4  }
0x46: {  	v9 =	vand.u32 $0x7, v9;
	v8 =	vand.u32 $0x7, v1;
	v1 =	vand.u32 $0x7, v12  }
0x47: {  	v6 =	vor.u32 v5, v3;
	v4 =	vor.u32 v2, v13;
	v5 =	vor.u32 v10, v16  }
0x48: {  	s7 =	sadd.s32 $0x80, s7;
	v3 =	vor.u32 v17, v14;
	v2 =	vor.u32 v1, v15;
	v1 =	vor.u32 v9, v11  }
0x49: {  	_ =	sdelay $0x1  }
0x4a: {  	s6 =	simm.s32 $0x0  }
0x4b: {  	s7 =	simm.s32 $0x70;
	v7 =	vor.u32 v8, v7;
	s10 =	simm.s32 $0x10;
	s8 =	simm.s32 $0x20;
	v9 =	vor.u32 s6, v0  }
0x4c: {  	s9 =	simm.s32 $0x30;
	v6 =	vld.idx.msk [tilespmem:v6+s24+$0x0], $0xffff;
	v10 =	vor.u32 s7, v0;
	v12 =	vor.u32 s10, v0;
	v13 =	vor.u32 s8, v0  }
0x4d: {  	v5 =	vld.idx.msk [tilespmem:v5+s24+$0x0], $0xffff;
	v14 =	vor.u32 s9, v0;
	s8 =	simm.s32 $0x40;
	s9 =	simm.s32 $0x50;
	s10 =	simm.s32 $0x60;
	v8 =	vmul.u32 $0x3B5D, v9;
	v11 =	vmul.u32 $0x3B5D, v10  }
0x4e: {  	v4 =	vld.idx.msk [tilespmem:v4+s24+$0x0], $0xffff;
	v15 =	vor.u32 s8, v0;
	v16 =	vor.u32 s9, v0;
	v17 =	vor.u32 s10, v0  }
0x4f: {  	v3 =	vld.idx.msk [tilespmem:v3+s24+$0x0], $0xffff;
	v18 =	vmul.u32 $0x3B5D, v12;
	v20 =	vmul.u32 $0x3B5D, v13;
	v21 =	vmul.u32 $0x3B5D, v14  }
0x50: {  	v2 =	vld.idx.msk [tilespmem:v2+s24+$0x0], $0xffff;
	v22 =	vmul.u32 $0x3B5D, v15;
	v23 =	vmul.u32 $0x3B5D, v16;
	v44 =	vmul.u32 $0x3B5D, v17  }
0x51: {  	v11 =	vshrl.u32 v11, $0x16;
	v18 =	vshrl.u32 v18, $0x16;
	v20 =	vshrl.u32 v20, $0x16;
	[tilespmem:s5+$0xFFFFFFD0] =	vst v6  }
0x52: {  	v19 =	vmul.u32 $0xFFFFFEEC, v11;
	v11 =	vmul.u32 $0x120, v11;
	v6 =	vshrl.u32 v21, $0x16;
	[tilespmem:s5+$0xFFFFFFE0] =	vst v5  }
0x53: {  	v1 =	vld.idx.msk [tilespmem:v1+s24+$0x0], $0xffff;
	v45 =	vshrl.u32 v22, $0x16;
	v5 =	vshrl.u32 v23, $0x16;
	[tilespmem:s5+$0xFFFFFFF0] =	vst v4;
	v4 =	vshrl.u32 v8, $0x16  }
0x54: {  	v7 =	vld.idx.msk [tilespmem:v7+s24+$0x0], $0xffff;
	v8 =	vshrl.u32 v44, $0x16;
	[tilespmem:s5+$0x0] =	vst v3;
	v3 =	vmul.u32 $0xFFFFFEEC, v18;
	v52 =	vmul.u32 $0x120, v20  }
0x55: {  	[tilespmem:s5+$0x10] =	vst v2;
	v47 =	vmul.u32 $0xFFFFFEEC, v6;
	v2 =	vmul.u32 $0xFFFFFEEC, v45;
	v48 =	vmul.u32 $0xFFFFFEEC, v5  }
0x56: {  	v49 =	vmul.u32 $0xFFFFFEEC, v8;
	v6 =	vmul.u32 $0x120, v6;
	v53 =	vmul.u32 $0x120, v45  }
0x57: {  	v5 =	vmul.u32 $0x120, v5;
	v8 =	vmul.u32 $0x120, v8;
	v10 =	vadd.s32 v10, v19  }
0x58: {  	[tilespmem:s5+$0x20] =	vst v1;
	v1 =	vadd.s32 v12, v3;
	v3 =	vmul.u32 $0xFFFFFEEC, v4;
	v4 =	vmul.u32 $0x120, v4  }
0x59: {  	v46 =	vand.u32 $0xFFFFFFF8, v10;
	v10 =	vand.u32 $0x7, v10;
	v2 =	vadd.s32 v15, v2;
	[tilespmem:s5+$0xFFFFFFC0] =	vst v7  }
0x5a: {  	v50 =	vadd.s32 v16, v48;
	v51 =	vadd.s32 v17, v49;
	v11 =	vadd.s32 v11, v46;
	[hbm4b:s4+s6] =	stream.linear.scatter [tilespmem:s28], [sflag:$0x3], $0x4500, $0x38;
	[tilespmem:$0x11E00] =	vst v63  }
0x5b: {  	s10 =	simm.s32 $0x80;
	v54 =	vand.u32 $0xFFFFFFF8, v1;
	v1 =	vand.u32 $0x7, v1;
	v10 =	vor.u32 v10, v11  }
0x5c: {  	v3 =	vadd.s32 v9, v3;
	v9 =	vmul.u32 $0x120, v18;
	v57 =	vand.u32 $0xFFFFFFF8, v2;
	[tilespmem:s24], [sflag:$0x1] =	stream.indirect.gather [hbm4b:s3+s23], $0x120, s10, s23, $0xb8;
	[tilespmem:$0x11E00] =	vst v63  }
0x5d: {  	v58 =	vand.u32 $0xFFFFFFF8, v50;
	v59 =	vand.u32 $0xFFFFFFF8, v51;
	v2 =	vand.u32 $0x7, v2;
	_ =	swait.ge [sflag:s30], $0x4800  }
0x5e: {  	v12 =	vand.u32 $0x7, v50;
	v11 =	vmul.u32 $0xFFFFFEEC, v20;
	v7 =	vadd.s32 v14, v47;
	[sflag:s30] =	ssyncset.done $0x0  }
0x5f: {  	v60 =	vand.u32 $0xFFFFFFF8, v3;
	v15 =	vadd.s32 v53, v57;
	v62 =	vadd.s32 v5, v58;
	[sflag:s30] =	ssyncadd.s32 $0xFFFFB800  }
0x60: {  	v63 =	vadd.s32 v8, v59;
	v8 =	vand.u32 $0x7, v3;
	v56 =	vand.u32 $0xFFFFFFF8, v7;
	v10 =	vld.idx.msk [tilespmem:v10+s25+$0x0], $0xffff  }
0x61: {  	v9 =	vadd.s32 v9, v54;
	v3 =	vor.u32 v2, v15;
	v2 =	vor.u32 v12, v62  }
0x62: {  	v11 =	vadd.s32 v13, v11;
	v61 =	vadd.s32 v6, v56;
	v6 =	vadd.s32 v4, v60  }
0x63: {  	v13 =	vand.u32 $0x7, v51;
	v55 =	vand.u32 $0xFFFFFFF8, v11;
	v4 =	vand.u32 $0x7, v11  }
0x64: {  	s5 =	simm.s32 $0xD940;
	v11 =	vand.u32 $0x7, v7;
	v7 =	vor.u32 v1, v9;
	v14 =	vadd.s32 v52, v55  }
0x65: {  	s7 =	simm.s32 $0x80;
	s6 =	simm.s32 $0x0;
	v1 =	vor.u32 v13, v63;
	v5 =	vor.u32 v4, v14;
	v4 =	vor.u32 v11, v61;
	[tilespmem:s5+$0x30] =	vst v10  }
.LBB2_4:
0x66: {  	v9 =	vor.u32 s7, v0;
	s8 =	sadd.s32 $0x10, s7;
	s9 =	sadd.s32 $0x70, s7;
	s6 =	sadd.s32 $0x8, s6;
	v6 =	vor.u32 v8, v6  }
0x67: {  	s10 =	sadd.s32 $0x30, s7;
	v8 =	vmul.u32 $0x3B5D, v9;
	v10 =	vor.u32 s8, v0;
	s8 =	sadd.s32 $0x20, s7;
	v11 =	vor.u32 s9, v0;
	p0 =	slt.u32 s6, $0x448  }
0x68: {  	v13 =	vor.u32 s10, v0;
	s9 =	sadd.s32 $0x50, s7;
	s10 =	sadd.s32 $0x60, s7;
	v12 =	vor.u32 s8, v0;
	s8 =	sadd.s32 $0x40, s7;
	v14 =	vmul.u32 $0x3B5D, v11  }
0x69: {  	v16 =	vor.u32 s9, v0;
	v17 =	vor.u32 s10, v0;
	v15 =	vor.u32 s8, v0;
	v7 =	vld.idx.msk [tilespmem:v7+s25+$0x0], $0xffff  }
0x6a: {  	v18 =	vmul.u32 $0x3B5D, v10;
	v19 =	vmul.u32 $0x3B5D, v12;
	v14 =	vshrl.u32 v14, $0x16;
	v5 =	vld.idx.msk [tilespmem:v5+s25+$0x0], $0xffff  }
0x6b: {  	v20 =	vmul.u32 $0x3B5D, v13;
	v21 =	vmul.u32 $0x3B5D, v15;
	v22 =	vmul.u32 $0xFFFFFEEC, v14;
	v4 =	vld.idx.msk [tilespmem:v4+s25+$0x0], $0xffff  }
0x6c: {  	v23 =	vmul.u32 $0x3B5D, v16;
	v24 =	vmul.u32 $0x3B5D, v17;
	v18 =	vshrl.u32 v18, $0x16;
	v3 =	vld.idx.msk [tilespmem:v3+s25+$0x0], $0xffff  }
0x6d: {  	v19 =	vshrl.u32 v19, $0x16;
	v14 =	vmul.u32 $0x120, v14;
	v11 =	vadd.s32 v11, v22;
	v2 =	vld.idx.msk [tilespmem:v2+s25+$0x0], $0xffff  }
0x6e: {  	v20 =	vshrl.u32 v20, $0x16;
	v21 =	vshrl.u32 v21, $0x16;
	v22 =	vand.u32 $0xFFFFFFF8, v11;
	v1 =	vld.idx.msk [tilespmem:v1+s25+$0x0], $0xffff  }
0x6f: {  	v23 =	vshrl.u32 v23, $0x16;
	v11 =	vand.u32 $0x7, v11;
	v14 =	vadd.s32 v14, v22;
	v6 =	vld.idx.msk [tilespmem:v6+s25+$0x0], $0xffff;
	[tilespmem:s5+$0xFFFFFFD0] =	vst v7  }
0x70: {  	v7 =	vshrl.u32 v8, $0x16;
	v8 =	vshrl.u32 v24, $0x16;
	v11 =	vor.u32 v11, v14;
	[tilespmem:s5+$0xFFFFFFE0] =	vst v5  }
0x71: {  	v22 =	vmul.u32 $0xFFFFFEEC, v20;
	v5 =	vmul.u32 $0xFFFFFEEC, v18;
	v14 =	vmul.u32 $0xFFFFFEEC, v19;
	[tilespmem:s5+$0xFFFFFFF0] =	vst v4  }
0x72: {  	v24 =	vmul.u32 $0xFFFFFEEC, v23;
	v25 =	vmul.u32 $0xFFFFFEEC, v8;
	v4 =	vmul.u32 $0xFFFFFEEC, v21;
	[tilespmem:s5+$0x0] =	vst v3  }
0x73: {  	v3 =	vmul.u32 $0xFFFFFEEC, v7;
	v5 =	vadd.s32 v10, v5;
	v10 =	vadd.s32 v12, v14;
	[tilespmem:s5+$0x10] =	vst v2  }
0x74: {  	v12 =	vadd.s32 v16, v24;
	v2 =	vadd.s32 v13, v22;
	v4 =	vadd.s32 v15, v4;
	[tilespmem:s5+$0x20] =	vst v1  }
0x75: {  	v1 =	vadd.s32 v9, v3;
	v3 =	vmul.u32 $0x120, v18;
	v9 =	vadd.s32 v17, v25;
	v11 =	vld.idx.msk [tilespmem:v11+s25+$0x0], $0xffff;
	[tilespmem:s5+$0xFFFFFFC0] =	vst v6  }
0x76: {  	v14 =	vmul.u32 $0x120, v21;
	v13 =	vmul.u32 $0x120, v20;
	v6 =	vmul.u32 $0x120, v19  }
0x77: {  	v8 =	vmul.u32 $0x120, v8;
	v7 =	vmul.u32 $0x120, v7;
	v15 =	vmul.u32 $0x120, v23  }
0x78: {  	v16 =	vand.u32 $0xFFFFFFF8, v5;
	v17 =	vand.u32 $0xFFFFFFF8, v10;
	v18 =	vand.u32 $0xFFFFFFF8, v2  }
0x79: {  	v20 =	vand.u32 $0xFFFFFFF8, v12;
	v19 =	vand.u32 $0xFFFFFFF8, v4;
	v21 =	vand.u32 $0xFFFFFFF8, v9  }
0x7a: {  	v22 =	vand.u32 $0xFFFFFFF8, v1;
	s5 =	sadd.s32 $0x80, s5;
	v3 =	vadd.s32 v3, v16;
	v16 =	vadd.s32 v6, v17  }
0x7b: {  	v13 =	vadd.s32 v13, v18;
	v15 =	vadd.s32 v15, v20;
	v14 =	vadd.s32 v14, v19;
	[tilespmem:s5+$0x30] =	vst v11  }
.Ltmp1:
0x7c: {  	v5 =	vand.u32 $0x7, v5;
	v6 =	vadd.s32 v7, v22;
	v11 =	vadd.s32 v8, v21;
	(pc) =	sbr.rel @p0 .LBB2_4-.Ltmp1, $4  }
0x7d: {  	v10 =	vand.u32 $0x7, v10;
	v2 =	vand.u32 $0x7, v2;
	v17 =	vand.u32 $0x7, v4  }
0x7e: {  	v9 =	vand.u32 $0x7, v9;
	v8 =	vand.u32 $0x7, v1;
	v1 =	vand.u32 $0x7, v12  }
0x7f: {  	v7 =	vor.u32 v5, v3;
	v4 =	vor.u32 v2, v13;
	v5 =	vor.u32 v10, v16  }
0x80: {  	s7 =	sadd.s32 $0x80, s7;
	v3 =	vor.u32 v17, v14;
	v2 =	vor.u32 v1, v15;
	v1 =	vor.u32 v9, v11  }
0x81: {  	_ =	sdelay $0x3  }
0x82: {  	s6 =	simm.s32 $0x0;
	v7 =	vld.idx.msk [tilespmem:v7+s25+$0x0], $0xffff  }
0x83: {  	v6 =	vor.u32 v8, v6;
	s7 =	simm.s32 $0x10;
	s8 =	simm.s32 $0x70;
	v5 =	vld.idx.msk [tilespmem:v5+s25+$0x0], $0xffff;
	s10 =	simm.s32 $0x20;
	v8 =	vor.u32 s6, v0  }
0x84: {  	s9 =	simm.s32 $0x30;
	v4 =	vld.idx.msk [tilespmem:v4+s25+$0x0], $0xffff;
	v10 =	vor.u32 s7, v0;
	v11 =	vor.u32 s8, v0;
	v12 =	vor.u32 s10, v0  }
0x85: {  	v2 =	vld.idx.msk [tilespmem:v2+s25+$0x0], $0xffff;
	v13 =	vor.u32 s9, v0;
	s8 =	simm.s32 $0x40;
	s9 =	simm.s32 $0x50;
	s10 =	simm.s32 $0x60;
	v9 =	vmul.u32 $0x3B5D, v8;
	v14 =	vmul.u32 $0x3B5D, v11  }
0x86: {  	v1 =	vld.idx.msk [tilespmem:v1+s25+$0x0], $0xffff;
	v15 =	vor.u32 s8, v0;
	v16 =	vor.u32 s9, v0;
	v17 =	vor.u32 s10, v0  }
0x87: {  	v3 =	vld.idx.msk [tilespmem:v3+s25+$0x0], $0xffff;
	v18 =	vmul.u32 $0x3B5D, v10;
	v19 =	vmul.u32 $0x3B5D, v12;
	v20 =	vmul.u32 $0x3B5D, v15;
	[tilespmem:s5+$0xFFFFFFD0] =	vst v7  }
0x88: {  	v52 =	vmul.u32 $0x3B5D, v16;
	v22 =	vmul.u32 $0x3B5D, v17;
	v14 =	vshrl.u32 v14, $0x16;
	v6 =	vld.idx.msk [tilespmem:v6+s25+$0x0], $0xffff;
	[tilespmem:s5+$0xFFFFFFE0] =	vst v5  }
0x89: {  	v7 =	vmul.u32 $0x3B5D, v13;
	v21 =	vmul.u32 $0xFFFFFEEC, v14;
	v5 =	vshrl.u32 v18, $0x16;
	[tilespmem:s5+$0xFFFFFFF0] =	vst v4  }
0x8a: {  	v4 =	vshrl.u32 v19, $0x16;
	v14 =	vmul.u32 $0x120, v14;
	[tilespmem:s5+$0x10] =	vst v2;
	v2 =	vshrl.u32 v52, $0x16  }
0x8b: {  	[tilespmem:s5+$0x20] =	vst v1;
	v1 =	vshrl.u32 v9, $0x16;
	v9 =	vshrl.u32 v22, $0x16;
	v54 =	vmul.u32 $0xFFFFFEEC, v4  }
0x8c: {  	[tilespmem:s5+$0x0] =	vst v3;
	v57 =	vmul.u32 $0xFFFFFEEC, v2;
	v58 =	vmul.u32 $0xFFFFFEEC, v9;
	v59 =	vmul.u32 $0xFFFFFEEC, v1  }
0x8d: {  	v4 =	vmul.u32 $0x120, v4;
	v1 =	vmul.u32 $0x120, v1;
	v2 =	vmul.u32 $0x120, v2;
	[tilespmem:s5+$0xFFFFFFC0] =	vst v6  }
0x8e: {  	v11 =	vadd.s32 v11, v21;
	v3 =	vshrl.u32 v7, $0x16;
	v7 =	vshrl.u32 v20, $0x16;
	s5 =	rddreg [dreg:$0x4]  }
0x8f: {  	v53 =	vand.u32 $0xFFFFFFF8, v11;
	v11 =	vand.u32 $0x7, v11;
	v55 =	vmul.u32 $0xFFFFFEEC, v3;
	[hbm4b:s5+s6] =	stream.linear.scatter [tilespmem:s31], [sflag:$0x4], $0x4500, $0x38;
	[tilespmem:$0x11E00] =	vst v63  }
0x90: {  	s10 =	simm.s32 $0xC0;
	v56 =	vmul.u32 $0xFFFFFEEC, v7;
	v12 =	vadd.s32 v12, v54;
	v61 =	vadd.s32 v16, v57  }
0x91: {  	v8 =	vadd.s32 v8, v59;
	v62 =	vadd.s32 v17, v58;
	v3 =	vmul.u32 $0x120, v3;
	[tilespmem:s25], [sflag:$0x2] =	stream.indirect.gather [hbm4b:s3+s23], $0x120, s10, s23, $0xb8;
	[tilespmem:$0x11E00] =	vst v63  }
0x92: {  	v14 =	vadd.s32 v14, v53;
	v63 =	vand.u32 $0xFFFFFFF8, v12;
	v20 =	vand.u32 $0xFFFFFFF8, v61;
	_ =	swait.ge [sflag:s0], $0x4500  }
0x93: {  	v21 =	vand.u32 $0xFFFFFFF8, v62;
	v22 =	vand.u32 $0xFFFFFFF8, v8;
	v11 =	vor.u32 v11, v14;
	[sflag:s0] =	ssyncset.done $0x0  }
0x94: {  	v12 =	vand.u32 $0x7, v12;
	v8 =	vand.u32 $0x7, v8;
	v6 =	vmul.u32 $0xFFFFFEEC, v5;
	[sflag:s0] =	ssyncadd.s32 $0xFFFFBB00  }
0x95: {  	v16 =	vand.u32 $0x7, v62;
	v13 =	vadd.s32 v13, v55;
	v60 =	vadd.s32 v15, v56;
	_ =	swait.ge [sflag:s26], $0x4800  }
0x96: {  	v5 =	vmul.u32 $0x120, v5;
	v4 =	vadd.s32 v4, v63;
	v10 =	vadd.s32 v10, v6;
	[sflag:s26] =	ssyncset.done $0x0  }
0x97: {  	v6 =	vmul.u32 $0x120, v7;
	v7 =	vmul.u32 $0x120, v9;
	v9 =	vand.u32 $0xFFFFFFF8, v10;
	[sflag:s26] =	ssyncadd.s32 $0xFFFFB800  }
0x98: {  	v2 =	vadd.s32 v2, v20;
	v15 =	vand.u32 $0x7, v61;
	v5 =	vadd.s32 v5, v9;
	v9 =	vld.idx.msk [tilespmem:v11+s24+$0x0], $0xffff  }
0x99: {  	v18 =	vand.u32 $0xFFFFFFF8, v13;
	v19 =	vand.u32 $0xFFFFFFF8, v60;
	v13 =	vand.u32 $0x7, v13  }
0x9a: {  	v14 =	vand.u32 $0x7, v60;
	v2 =	vor.u32 v15, v2;
	v3 =	vadd.s32 v3, v18  }
0x9b: {  	v11 =	vadd.s32 v6, v19;
	v6 =	vadd.s32 v1, v22;
	v1 =	vand.u32 $0x7, v10  }
0x9c: {  	s5 =	simm.s32 $0x9440;
	v10 =	vadd.s32 v7, v21;
	v7 =	vor.u32 v1, v5;
	v5 =	vor.u32 v12, v4  }
0x9d: {  	s7 =	simm.s32 $0x80;
	s6 =	simm.s32 $0x0;
	v4 =	vor.u32 v13, v3;
	v3 =	vor.u32 v14, v11;
	v1 =	vor.u32 v16, v10;
	[tilespmem:s5+$0x30] =	vst v9  }
.LBB2_6:
0x9e: {  	v9 =	vor.u32 s7, v0;
	s8 =	sadd.s32 $0x10, s7;
	s9 =	sadd.s32 $0x70, s7;
	s6 =	sadd.s32 $0x8, s6;
	v6 =	vor.u32 v8, v6  }
0x9f: {  	s10 =	sadd.s32 $0x30, s7;
	v8 =	vmul.u32 $0x3B5D, v9;
	v10 =	vor.u32 s8, v0;
	s8 =	sadd.s32 $0x20, s7;
	v11 =	vor.u32 s9, v0;
	p0 =	slt.u32 s6, $0x448  }
0xa0: {  	v13 =	vor.u32 s10, v0;
	s9 =	sadd.s32 $0x50, s7;
	s10 =	sadd.s32 $0x60, s7;
	v12 =	vor.u32 s8, v0;
	s8 =	sadd.s32 $0x40, s7;
	v14 =	vmul.u32 $0x3B5D, v11  }
0xa1: {  	v16 =	vor.u32 s9, v0;
	v17 =	vor.u32 s10, v0;
	v15 =	vor.u32 s8, v0;
	v7 =	vld.idx.msk [tilespmem:v7+s24+$0x0], $0xffff  }
0xa2: {  	v18 =	vmul.u32 $0x3B5D, v10;
	v19 =	vmul.u32 $0x3B5D, v12;
	v14 =	vshrl.u32 v14, $0x16;
	v5 =	vld.idx.msk [tilespmem:v5+s24+$0x0], $0xffff  }
0xa3: {  	v20 =	vmul.u32 $0x3B5D, v13;
	v21 =	vmul.u32 $0x3B5D, v15;
	v22 =	vmul.u32 $0xFFFFFEEC, v14;
	v4 =	vld.idx.msk [tilespmem:v4+s24+$0x0], $0xffff  }
0xa4: {  	v23 =	vmul.u32 $0x3B5D, v16;
	v24 =	vmul.u32 $0x3B5D, v17;
	v18 =	vshrl.u32 v18, $0x16;
	v3 =	vld.idx.msk [tilespmem:v3+s24+$0x0], $0xffff  }
0xa5: {  	v19 =	vshrl.u32 v19, $0x16;
	v14 =	vmul.u32 $0x120, v14;
	v11 =	vadd.s32 v11, v22;
	v2 =	vld.idx.msk [tilespmem:v2+s24+$0x0], $0xffff  }
0xa6: {  	v20 =	vshrl.u32 v20, $0x16;
	v21 =	vshrl.u32 v21, $0x16;
	v22 =	vand.u32 $0xFFFFFFF8, v11;
	v1 =	vld.idx.msk [tilespmem:v1+s24+$0x0], $0xffff  }
0xa7: {  	v23 =	vshrl.u32 v23, $0x16;
	v11 =	vand.u32 $0x7, v11;
	v14 =	vadd.s32 v14, v22;
	v6 =	vld.idx.msk [tilespmem:v6+s24+$0x0], $0xffff;
	[tilespmem:s5+$0xFFFFFFD0] =	vst v7  }
0xa8: {  	v7 =	vshrl.u32 v8, $0x16;
	v8 =	vshrl.u32 v24, $0x16;
	v11 =	vor.u32 v11, v14;
	[tilespmem:s5+$0xFFFFFFE0] =	vst v5  }
0xa9: {  	v22 =	vmul.u32 $0xFFFFFEEC, v20;
	v5 =	vmul.u32 $0xFFFFFEEC, v18;
	v14 =	vmul.u32 $0xFFFFFEEC, v19;
	[tilespmem:s5+$0xFFFFFFF0] =	vst v4  }
0xaa: {  	v24 =	vmul.u32 $0xFFFFFEEC, v23;
	v25 =	vmul.u32 $0xFFFFFEEC, v8;
	v4 =	vmul.u32 $0xFFFFFEEC, v21;
	[tilespmem:s5+$0x0] =	vst v3  }
0xab: {  	v3 =	vmul.u32 $0xFFFFFEEC, v7;
	v5 =	vadd.s32 v10, v5;
	v10 =	vadd.s32 v12, v14;
	[tilespmem:s5+$0x10] =	vst v2  }
0xac: {  	v12 =	vadd.s32 v16, v24;
	v2 =	vadd.s32 v13, v22;
	v4 =	vadd.s32 v15, v4;
	[tilespmem:s5+$0x20] =	vst v1  }
0xad: {  	v1 =	vadd.s32 v9, v3;
	v3 =	vmul.u32 $0x120, v18;
	v9 =	vadd.s32 v17, v25;
	v11 =	vld.idx.msk [tilespmem:v11+s24+$0x0], $0xffff;
	[tilespmem:s5+$0xFFFFFFC0] =	vst v6  }
0xae: {  	v14 =	vmul.u32 $0x120, v21;
	v13 =	vmul.u32 $0x120, v20;
	v6 =	vmul.u32 $0x120, v19  }
0xaf: {  	v8 =	vmul.u32 $0x120, v8;
	v7 =	vmul.u32 $0x120, v7;
	v15 =	vmul.u32 $0x120, v23  }
0xb0: {  	v16 =	vand.u32 $0xFFFFFFF8, v5;
	v17 =	vand.u32 $0xFFFFFFF8, v10;
	v18 =	vand.u32 $0xFFFFFFF8, v2  }
0xb1: {  	v20 =	vand.u32 $0xFFFFFFF8, v12;
	v19 =	vand.u32 $0xFFFFFFF8, v4;
	v21 =	vand.u32 $0xFFFFFFF8, v9  }
0xb2: {  	v22 =	vand.u32 $0xFFFFFFF8, v1;
	s5 =	sadd.s32 $0x80, s5;
	v3 =	vadd.s32 v3, v16;
	v16 =	vadd.s32 v6, v17  }
0xb3: {  	v13 =	vadd.s32 v13, v18;
	v15 =	vadd.s32 v15, v20;
	v14 =	vadd.s32 v14, v19;
	[tilespmem:s5+$0x30] =	vst v11  }
.Ltmp2:
0xb4: {  	v5 =	vand.u32 $0x7, v5;
	v6 =	vadd.s32 v7, v22;
	v11 =	vadd.s32 v8, v21;
	(pc) =	sbr.rel @p0 .LBB2_6-.Ltmp2, $4  }
0xb5: {  	v10 =	vand.u32 $0x7, v10;
	v2 =	vand.u32 $0x7, v2;
	v17 =	vand.u32 $0x7, v4  }
0xb6: {  	v9 =	vand.u32 $0x7, v9;
	v8 =	vand.u32 $0x7, v1;
	v1 =	vand.u32 $0x7, v12  }
0xb7: {  	v7 =	vor.u32 v5, v3;
	v4 =	vor.u32 v2, v13;
	v5 =	vor.u32 v10, v16  }
0xb8: {  	s7 =	sadd.s32 $0x80, s7;
	v3 =	vor.u32 v17, v14;
	v2 =	vor.u32 v1, v15;
	v1 =	vor.u32 v9, v11  }
0xb9: {  	_ =	sdelay $0x3  }
0xba: {  	s6 =	simm.s32 $0x0;
	v7 =	vld.idx.msk [tilespmem:v7+s24+$0x0], $0xffff  }
0xbb: {  	v6 =	vor.u32 v8, v6;
	s7 =	simm.s32 $0x10;
	s8 =	simm.s32 $0x70;
	v5 =	vld.idx.msk [tilespmem:v5+s24+$0x0], $0xffff;
	s10 =	simm.s32 $0x20;
	v8 =	vor.u32 s6, v0  }
0xbc: {  	s9 =	simm.s32 $0x30;
	v4 =	vld.idx.msk [tilespmem:v4+s24+$0x0], $0xffff;
	v10 =	vor.u32 s7, v0;
	v11 =	vor.u32 s8, v0;
	v12 =	vor.u32 s10, v0  }
0xbd: {  	v2 =	vld.idx.msk [tilespmem:v2+s24+$0x0], $0xffff;
	v13 =	vor.u32 s9, v0;
	s8 =	simm.s32 $0x40;
	s9 =	simm.s32 $0x50;
	s10 =	simm.s32 $0x60;
	v9 =	vmul.u32 $0x3B5D, v8;
	v14 =	vmul.u32 $0x3B5D, v11  }
0xbe: {  	v1 =	vld.idx.msk [tilespmem:v1+s24+$0x0], $0xffff;
	v15 =	vor.u32 s8, v0;
	v16 =	vor.u32 s9, v0;
	v17 =	vor.u32 s10, v0  }
0xbf: {  	v3 =	vld.idx.msk [tilespmem:v3+s24+$0x0], $0xffff;
	v18 =	vmul.u32 $0x3B5D, v10;
	v19 =	vmul.u32 $0x3B5D, v12;
	v20 =	vmul.u32 $0x3B5D, v15;
	[tilespmem:s5+$0xFFFFFFD0] =	vst v7  }
0xc0: {  	v52 =	vmul.u32 $0x3B5D, v16;
	v22 =	vmul.u32 $0x3B5D, v17;
	v14 =	vshrl.u32 v14, $0x16;
	v6 =	vld.idx.msk [tilespmem:v6+s24+$0x0], $0xffff;
	[tilespmem:s5+$0xFFFFFFE0] =	vst v5  }
0xc1: {  	v7 =	vmul.u32 $0x3B5D, v13;
	v21 =	vmul.u32 $0xFFFFFEEC, v14;
	v5 =	vshrl.u32 v18, $0x16;
	[tilespmem:s5+$0xFFFFFFF0] =	vst v4  }
0xc2: {  	v4 =	vshrl.u32 v19, $0x16;
	v14 =	vmul.u32 $0x120, v14;
	[tilespmem:s5+$0x10] =	vst v2;
	v2 =	vshrl.u32 v52, $0x16  }
0xc3: {  	[tilespmem:s5+$0x20] =	vst v1;
	v1 =	vshrl.u32 v9, $0x16;
	v9 =	vshrl.u32 v22, $0x16;
	v54 =	vmul.u32 $0xFFFFFEEC, v4  }
0xc4: {  	[tilespmem:s5+$0x0] =	vst v3;
	v57 =	vmul.u32 $0xFFFFFEEC, v2;
	v58 =	vmul.u32 $0xFFFFFEEC, v9;
	v59 =	vmul.u32 $0xFFFFFEEC, v1  }
0xc5: {  	v4 =	vmul.u32 $0x120, v4;
	v1 =	vmul.u32 $0x120, v1;
	v2 =	vmul.u32 $0x120, v2;
	[tilespmem:s5+$0xFFFFFFC0] =	vst v6  }
0xc6: {  	v11 =	vadd.s32 v11, v21;
	v3 =	vshrl.u32 v7, $0x16;
	v7 =	vshrl.u32 v20, $0x16;
	s5 =	rddreg [dreg:$0x5]  }
0xc7: {  	v53 =	vand.u32 $0xFFFFFFF8, v11;
	v11 =	vand.u32 $0x7, v11;
	v55 =	vmul.u32 $0xFFFFFEEC, v3;
	[hbm4b:s5+s6] =	stream.linear.scatter [tilespmem:s28], [sflag:$0x3], $0x4500, $0x38;
	[tilespmem:$0x11E00] =	vst v63  }
0xc8: {  	s10 =	simm.s32 $0x100;
	v56 =	vmul.u32 $0xFFFFFEEC, v7;
	v12 =	vadd.s32 v12, v54;
	v61 =	vadd.s32 v16, v57  }
0xc9: {  	v8 =	vadd.s32 v8, v59;
	v62 =	vadd.s32 v17, v58;
	v3 =	vmul.u32 $0x120, v3;
	[tilespmem:s24], [sflag:$0x1] =	stream.indirect.gather [hbm4b:s3+s23], $0x120, s10, s23, $0xb8;
	[tilespmem:$0x11E00] =	vst v63  }
0xca: {  	v14 =	vadd.s32 v14, v53;
	v63 =	vand.u32 $0xFFFFFFF8, v12;
	v20 =	vand.u32 $0xFFFFFFF8, v61;
	_ =	swait.ge [sflag:s1], $0x4500  }
0xcb: {  	v21 =	vand.u32 $0xFFFFFFF8, v62;
	v22 =	vand.u32 $0xFFFFFFF8, v8;
	v11 =	vor.u32 v11, v14;
	[sflag:s1] =	ssyncset.done $0x0  }
0xcc: {  	v12 =	vand.u32 $0x7, v12;
	v8 =	vand.u32 $0x7, v8;
	v6 =	vmul.u32 $0xFFFFFEEC, v5;
	[sflag:s1] =	ssyncadd.s32 $0xFFFFBB00  }
0xcd: {  	v16 =	vand.u32 $0x7, v62;
	v13 =	vadd.s32 v13, v55;
	v60 =	vadd.s32 v15, v56;
	_ =	swait.ge [sflag:s30], $0x4800  }
0xce: {  	v5 =	vmul.u32 $0x120, v5;
	v4 =	vadd.s32 v4, v63;
	v10 =	vadd.s32 v10, v6;
	[sflag:s30] =	ssyncset.done $0x0  }
0xcf: {  	v6 =	vmul.u32 $0x120, v7;
	v7 =	vmul.u32 $0x120, v9;
	v9 =	vand.u32 $0xFFFFFFF8, v10;
	[sflag:s30] =	ssyncadd.s32 $0xFFFFB800  }
0xd0: {  	v2 =	vadd.s32 v2, v20;
	v15 =	vand.u32 $0x7, v61;
	v5 =	vadd.s32 v5, v9;
	v9 =	vld.idx.msk [tilespmem:v11+s25+$0x0], $0xffff  }
0xd1: {  	v18 =	vand.u32 $0xFFFFFFF8, v13;
	v19 =	vand.u32 $0xFFFFFFF8, v60;
	v13 =	vand.u32 $0x7, v13  }
0xd2: {  	v14 =	vand.u32 $0x7, v60;
	v2 =	vor.u32 v15, v2;
	v3 =	vadd.s32 v3, v18  }
0xd3: {  	v11 =	vadd.s32 v6, v19;
	v6 =	vadd.s32 v1, v22;
	v1 =	vand.u32 $0x7, v10  }
0xd4: {  	s5 =	simm.s32 $0xD940;
	v10 =	vadd.s32 v7, v21;
	v7 =	vor.u32 v1, v5;
	v5 =	vor.u32 v12, v4  }
0xd5: {  	s7 =	simm.s32 $0x80;
	s6 =	simm.s32 $0x0;
	v4 =	vor.u32 v13, v3;
	v3 =	vor.u32 v14, v11;
	v1 =	vor.u32 v16, v10;
	[tilespmem:s5+$0x30] =	vst v9  }
.LBB2_8:
0xd6: {  	v9 =	vor.u32 s7, v0;
	s8 =	sadd.s32 $0x10, s7;
	s9 =	sadd.s32 $0x70, s7;
	s6 =	sadd.s32 $0x8, s6;
	v6 =	vor.u32 v8, v6  }
0xd7: {  	s10 =	sadd.s32 $0x30, s7;
	v8 =	vmul.u32 $0x3B5D, v9;
	v10 =	vor.u32 s8, v0;
	s8 =	sadd.s32 $0x20, s7;
	v11 =	vor.u32 s9, v0;
	p0 =	slt.u32 s6, $0x448  }
0xd8: {  	v13 =	vor.u32 s10, v0;
	s9 =	sadd.s32 $0x50, s7;
	s10 =	sadd.s32 $0x60, s7;
	v12 =	vor.u32 s8, v0;
	s8 =	sadd.s32 $0x40, s7;
	v14 =	vmul.u32 $0x3B5D, v11  }
0xd9: {  	v16 =	vor.u32 s9, v0;
	v17 =	vor.u32 s10, v0;
	v15 =	vor.u32 s8, v0;
	v7 =	vld.idx.msk [tilespmem:v7+s25+$0x0], $0xffff  }
0xda: {  	v18 =	vmul.u32 $0x3B5D, v10;
	v19 =	vmul.u32 $0x3B5D, v12;
	v14 =	vshrl.u32 v14, $0x16;
	v5 =	vld.idx.msk [tilespmem:v5+s25+$0x0], $0xffff  }
0xdb: {  	v20 =	vmul.u32 $0x3B5D, v13;
	v21 =	vmul.u32 $0x3B5D, v15;
	v22 =	vmul.u32 $0xFFFFFEEC, v14;
	v4 =	vld.idx.msk [tilespmem:v4+s25+$0x0], $0xffff  }
0xdc: {  	v23 =	vmul.u32 $0x3B5D, v16;
	v24 =	vmul.u32 $0x3B5D, v17;
	v18 =	vshrl.u32 v18, $0x16;
	v3 =	vld.idx.msk [tilespmem:v3+s25+$0x0], $0xffff  }
0xdd: {  	v19 =	vshrl.u32 v19, $0x16;
	v14 =	vmul.u32 $0x120, v14;
	v11 =	vadd.s32 v11, v22;
	v2 =	vld.idx.msk [tilespmem:v2+s25+$0x0], $0xffff  }
0xde: {  	v20 =	vshrl.u32 v20, $0x16;
	v21 =	vshrl.u32 v21, $0x16;
	v22 =	vand.u32 $0xFFFFFFF8, v11;
	v1 =	vld.idx.msk [tilespmem:v1+s25+$0x0], $0xffff  }
0xdf: {  	v23 =	vshrl.u32 v23, $0x16;
	v11 =	vand.u32 $0x7, v11;
	v14 =	vadd.s32 v14, v22;
	v6 =	vld.idx.msk [tilespmem:v6+s25+$0x0], $0xffff;
	[tilespmem:s5+$0xFFFFFFD0] =	vst v7  }
0xe0: {  	v7 =	vshrl.u32 v8, $0x16;
	v8 =	vshrl.u32 v24, $0x16;
	v11 =	vor.u32 v11, v14;
	[tilespmem:s5+$0xFFFFFFE0] =	vst v5  }
0xe1: {  	v22 =	vmul.u32 $0xFFFFFEEC, v20;
	v5 =	vmul.u32 $0xFFFFFEEC, v18;
	v14 =	vmul.u32 $0xFFFFFEEC, v19;
	[tilespmem:s5+$0xFFFFFFF0] =	vst v4  }
0xe2: {  	v24 =	vmul.u32 $0xFFFFFEEC, v23;
	v25 =	vmul.u32 $0xFFFFFEEC, v8;
	v4 =	vmul.u32 $0xFFFFFEEC, v21;
	[tilespmem:s5+$0x0] =	vst v3  }
0xe3: {  	v3 =	vmul.u32 $0xFFFFFEEC, v7;
	v5 =	vadd.s32 v10, v5;
	v10 =	vadd.s32 v12, v14;
	[tilespmem:s5+$0x10] =	vst v2  }
0xe4: {  	v12 =	vadd.s32 v16, v24;
	v2 =	vadd.s32 v13, v22;
	v4 =	vadd.s32 v15, v4;
	[tilespmem:s5+$0x20] =	vst v1  }
0xe5: {  	v1 =	vadd.s32 v9, v3;
	v3 =	vmul.u32 $0x120, v18;
	v9 =	vadd.s32 v17, v25;
	v11 =	vld.idx.msk [tilespmem:v11+s25+$0x0], $0xffff;
	[tilespmem:s5+$0xFFFFFFC0] =	vst v6  }
0xe6: {  	v14 =	vmul.u32 $0x120, v21;
	v13 =	vmul.u32 $0x120, v20;
	v6 =	vmul.u32 $0x120, v19  }
0xe7: {  	v8 =	vmul.u32 $0x120, v8;
	v7 =	vmul.u32 $0x120, v7;
	v15 =	vmul.u32 $0x120, v23  }
0xe8: {  	v16 =	vand.u32 $0xFFFFFFF8, v5;
	v17 =	vand.u32 $0xFFFFFFF8, v10;
	v18 =	vand.u32 $0xFFFFFFF8, v2  }
0xe9: {  	v20 =	vand.u32 $0xFFFFFFF8, v12;
	v19 =	vand.u32 $0xFFFFFFF8, v4;
	v21 =	vand.u32 $0xFFFFFFF8, v9  }
0xea: {  	v22 =	vand.u32 $0xFFFFFFF8, v1;
	s5 =	sadd.s32 $0x80, s5;
	v3 =	vadd.s32 v3, v16;
	v16 =	vadd.s32 v6, v17  }
0xeb: {  	v13 =	vadd.s32 v13, v18;
	v15 =	vadd.s32 v15, v20;
	v14 =	vadd.s32 v14, v19;
	[tilespmem:s5+$0x30] =	vst v11  }
.Ltmp3:
0xec: {  	v5 =	vand.u32 $0x7, v5;
	v6 =	vadd.s32 v7, v22;
	v11 =	vadd.s32 v8, v21;
	(pc) =	sbr.rel @p0 .LBB2_8-.Ltmp3, $4  }
0xed: {  	v10 =	vand.u32 $0x7, v10;
	v2 =	vand.u32 $0x7, v2;
	v17 =	vand.u32 $0x7, v4  }
0xee: {  	v9 =	vand.u32 $0x7, v9;
	v8 =	vand.u32 $0x7, v1;
	v1 =	vand.u32 $0x7, v12  }
0xef: {  	v7 =	vor.u32 v5, v3;
	v4 =	vor.u32 v2, v13;
	v5 =	vor.u32 v10, v16  }
0xf0: {  	s7 =	sadd.s32 $0x80, s7;
	v3 =	vor.u32 v17, v14;
	v2 =	vor.u32 v1, v15;
	v1 =	vor.u32 v9, v11  }
0xf1: {  	_ =	sdelay $0x3  }
0xf2: {  	s6 =	simm.s32 $0x0;
	v7 =	vld.idx.msk [tilespmem:v7+s25+$0x0], $0xffff  }
0xf3: {  	v6 =	vor.u32 v8, v6;
	s7 =	simm.s32 $0x10;
	s8 =	simm.s32 $0x70;
	v5 =	vld.idx.msk [tilespmem:v5+s25+$0x0], $0xffff;
	s10 =	simm.s32 $0x20;
	v8 =	vor.u32 s6, v0  }
0xf4: {  	s9 =	simm.s32 $0x30;
	v4 =	vld.idx.msk [tilespmem:v4+s25+$0x0], $0xffff;
	v10 =	vor.u32 s7, v0;
	v11 =	vor.u32 s8, v0;
	v12 =	vor.u32 s10, v0  }
0xf5: {  	v2 =	vld.idx.msk [tilespmem:v2+s25+$0x0], $0xffff;
	v13 =	vor.u32 s9, v0;
	s8 =	simm.s32 $0x40;
	s9 =	simm.s32 $0x50;
	s10 =	simm.s32 $0x60;
	v9 =	vmul.u32 $0x3B5D, v8;
	v14 =	vmul.u32 $0x3B5D, v11  }
0xf6: {  	v1 =	vld.idx.msk [tilespmem:v1+s25+$0x0], $0xffff;
	v15 =	vor.u32 s8, v0;
	v16 =	vor.u32 s9, v0;
	v17 =	vor.u32 s10, v0  }
0xf7: {  	v3 =	vld.idx.msk [tilespmem:v3+s25+$0x0], $0xffff;
	v18 =	vmul.u32 $0x3B5D, v10;
	v19 =	vmul.u32 $0x3B5D, v12;
	v20 =	vmul.u32 $0x3B5D, v15;
	[tilespmem:s5+$0xFFFFFFD0] =	vst v7  }
0xf8: {  	v52 =	vmul.u32 $0x3B5D, v16;
	v22 =	vmul.u32 $0x3B5D, v17;
	v14 =	vshrl.u32 v14, $0x16;
	v6 =	vld.idx.msk [tilespmem:v6+s25+$0x0], $0xffff;
	[tilespmem:s5+$0xFFFFFFE0] =	vst v5  }
0xf9: {  	v7 =	vmul.u32 $0x3B5D, v13;
	v21 =	vmul.u32 $0xFFFFFEEC, v14;
	v5 =	vshrl.u32 v18, $0x16;
	[tilespmem:s5+$0xFFFFFFF0] =	vst v4  }
0xfa: {  	v4 =	vshrl.u32 v19, $0x16;
	v14 =	vmul.u32 $0x120, v14;
	[tilespmem:s5+$0x10] =	vst v2;
	v2 =	vshrl.u32 v52, $0x16  }
0xfb: {  	[tilespmem:s5+$0x20] =	vst v1;
	v1 =	vshrl.u32 v9, $0x16;
	v9 =	vshrl.u32 v22, $0x16;
	v54 =	vmul.u32 $0xFFFFFEEC, v4  }
0xfc: {  	[tilespmem:s5+$0x0] =	vst v3;
	v57 =	vmul.u32 $0xFFFFFEEC, v2;
	v58 =	vmul.u32 $0xFFFFFEEC, v9;
	v59 =	vmul.u32 $0xFFFFFEEC, v1  }
0xfd: {  	v4 =	vmul.u32 $0x120, v4;
	v1 =	vmul.u32 $0x120, v1;
	v2 =	vmul.u32 $0x120, v2;
	[tilespmem:s5+$0xFFFFFFC0] =	vst v6  }
0xfe: {  	v11 =	vadd.s32 v11, v21;
	v3 =	vshrl.u32 v7, $0x16;
	v7 =	vshrl.u32 v20, $0x16;
	s5 =	rddreg [dreg:$0x6]  }
0xff: {  	v53 =	vand.u32 $0xFFFFFFF8, v11;
	v11 =	vand.u32 $0x7, v11;
	v55 =	vmul.u32 $0xFFFFFEEC, v3;
	[hbm4b:s5+s6] =	stream.linear.scatter [tilespmem:s31], [sflag:$0x4], $0x4500, $0x38;
	[tilespmem:$0x11E00] =	vst v63  }
0x100: {  	s10 =	simm.s32 $0x140;
	v56 =	vmul.u32 $0xFFFFFEEC, v7;
	v12 =	vadd.s32 v12, v54;
	v61 =	vadd.s32 v16, v57  }
0x101: {  	v8 =	vadd.s32 v8, v59;
	v62 =	vadd.s32 v17, v58;
	v3 =	vmul.u32 $0x120, v3;
	[tilespmem:s25], [sflag:$0x2] =	stream.indirect.gather [hbm4b:s3+s23], $0x120, s10, s23, $0xb8;
	[tilespmem:$0x11E00] =	vst v63  }
0x102: {  	v14 =	vadd.s32 v14, v53;
	v63 =	vand.u32 $0xFFFFFFF8, v12;
	v20 =	vand.u32 $0xFFFFFFF8, v61;
	_ =	swait.ge [sflag:s0], $0x4500  }
0x103: {  	v21 =	vand.u32 $0xFFFFFFF8, v62;
	v22 =	vand.u32 $0xFFFFFFF8, v8;
	v11 =	vor.u32 v11, v14;
	[sflag:s0] =	ssyncset.done $0x0  }
0x104: {  	v12 =	vand.u32 $0x7, v12;
	v8 =	vand.u32 $0x7, v8;
	v6 =	vmul.u32 $0xFFFFFEEC, v5;
	[sflag:s0] =	ssyncadd.s32 $0xFFFFBB00  }
0x105: {  	v16 =	vand.u32 $0x7, v62;
	v13 =	vadd.s32 v13, v55;
	v60 =	vadd.s32 v15, v56;
	_ =	swait.ge [sflag:s26], $0x4800  }
0x106: {  	v5 =	vmul.u32 $0x120, v5;
	v4 =	vadd.s32 v4, v63;
	v10 =	vadd.s32 v10, v6;
	[sflag:s26] =	ssyncset.done $0x0  }
0x107: {  	v6 =	vmul.u32 $0x120, v7;
	v7 =	vmul.u32 $0x120, v9;
	v9 =	vand.u32 $0xFFFFFFF8, v10;
	[sflag:s26] =	ssyncadd.s32 $0xFFFFB800  }
0x108: {  	v2 =	vadd.s32 v2, v20;
	v15 =	vand.u32 $0x7, v61;
	v5 =	vadd.s32 v5, v9;
	v9 =	vld.idx.msk [tilespmem:v11+s24+$0x0], $0xffff  }
0x109: {  	v18 =	vand.u32 $0xFFFFFFF8, v13;
	v19 =	vand.u32 $0xFFFFFFF8, v60;
	v13 =	vand.u32 $0x7, v13  }
0x10a: {  	v14 =	vand.u32 $0x7, v60;
	v2 =	vor.u32 v15, v2;
	v3 =	vadd.s32 v3, v18  }
0x10b: {  	v11 =	vadd.s32 v6, v19;
	v6 =	vadd.s32 v1, v22;
	v1 =	vand.u32 $0x7, v10  }
0x10c: {  	s5 =	simm.s32 $0x9440;
	v10 =	vadd.s32 v7, v21;
	v7 =	vor.u32 v1, v5;
	v5 =	vor.u32 v12, v4  }
0x10d: {  	s7 =	simm.s32 $0x80;
	s6 =	simm.s32 $0x0;
	v4 =	vor.u32 v13, v3;
	v3 =	vor.u32 v14, v11;
	v1 =	vor.u32 v16, v10;
	[tilespmem:s5+$0x30] =	vst v9  }
.LBB2_10:
0x10e: {  	v9 =	vor.u32 s7, v0;
	s8 =	sadd.s32 $0x10, s7;
	s9 =	sadd.s32 $0x70, s7;
	s6 =	sadd.s32 $0x8, s6;
	v6 =	vor.u32 v8, v6  }
0x10f: {  	s10 =	sadd.s32 $0x30, s7;
	v8 =	vmul.u32 $0x3B5D, v9;
	v10 =	vor.u32 s8, v0;
	s8 =	sadd.s32 $0x20, s7;
	v11 =	vor.u32 s9, v0;
	p0 =	slt.u32 s6, $0x448  }
0x110: {  	v13 =	vor.u32 s10, v0;
	s9 =	sadd.s32 $0x50, s7;
	s10 =	sadd.s32 $0x60, s7;
	v12 =	vor.u32 s8, v0;
	s8 =	sadd.s32 $0x40, s7;
	v14 =	vmul.u32 $0x3B5D, v11  }
0x111: {  	v16 =	vor.u32 s9, v0;
	v17 =	vor.u32 s10, v0;
	v15 =	vor.u32 s8, v0;
	v7 =	vld.idx.msk [tilespmem:v7+s24+$0x0], $0xffff  }
0x112: {  	v18 =	vmul.u32 $0x3B5D, v10;
	v19 =	vmul.u32 $0x3B5D, v12;
	v14 =	vshrl.u32 v14, $0x16;
	v5 =	vld.idx.msk [tilespmem:v5+s24+$0x0], $0xffff  }
0x113: {  	v20 =	vmul.u32 $0x3B5D, v13;
	v21 =	vmul.u32 $0x3B5D, v15;
	v22 =	vmul.u32 $0xFFFFFEEC, v14;
	v4 =	vld.idx.msk [tilespmem:v4+s24+$0x0], $0xffff  }
0x114: {  	v23 =	vmul.u32 $0x3B5D, v16;
	v24 =	vmul.u32 $0x3B5D, v17;
	v18 =	vshrl.u32 v18, $0x16;
	v3 =	vld.idx.msk [tilespmem:v3+s24+$0x0], $0xffff  }
0x115: {  	v19 =	vshrl.u32 v19, $0x16;
	v14 =	vmul.u32 $0x120, v14;
	v11 =	vadd.s32 v11, v22;
	v2 =	vld.idx.msk [tilespmem:v2+s24+$0x0], $0xffff  }
0x116: {  	v20 =	vshrl.u32 v20, $0x16;
	v21 =	vshrl.u32 v21, $0x16;
	v22 =	vand.u32 $0xFFFFFFF8, v11;
	v1 =	vld.idx.msk [tilespmem:v1+s24+$0x0], $0xffff  }
0x117: {  	v23 =	vshrl.u32 v23, $0x16;
	v11 =	vand.u32 $0x7, v11;
	v14 =	vadd.s32 v14, v22;
	v6 =	vld.idx.msk [tilespmem:v6+s24+$0x0], $0xffff;
	[tilespmem:s5+$0xFFFFFFD0] =	vst v7  }
0x118: {  	v7 =	vshrl.u32 v8, $0x16;
	v8 =	vshrl.u32 v24, $0x16;
	v11 =	vor.u32 v11, v14;
	[tilespmem:s5+$0xFFFFFFE0] =	vst v5  }
0x119: {  	v22 =	vmul.u32 $0xFFFFFEEC, v20;
	v5 =	vmul.u32 $0xFFFFFEEC, v18;
	v14 =	vmul.u32 $0xFFFFFEEC, v19;
	[tilespmem:s5+$0xFFFFFFF0] =	vst v4  }
0x11a: {  	v24 =	vmul.u32 $0xFFFFFEEC, v23;
	v25 =	vmul.u32 $0xFFFFFEEC, v8;
	v4 =	vmul.u32 $0xFFFFFEEC, v21;
	[tilespmem:s5+$0x0] =	vst v3  }
0x11b: {  	v3 =	vmul.u32 $0xFFFFFEEC, v7;
	v5 =	vadd.s32 v10, v5;
	v10 =	vadd.s32 v12, v14;
	[tilespmem:s5+$0x10] =	vst v2  }
0x11c: {  	v12 =	vadd.s32 v16, v24;
	v2 =	vadd.s32 v13, v22;
	v4 =	vadd.s32 v15, v4;
	[tilespmem:s5+$0x20] =	vst v1  }
0x11d: {  	v1 =	vadd.s32 v9, v3;
	v3 =	vmul.u32 $0x120, v18;
	v9 =	vadd.s32 v17, v25;
	v11 =	vld.idx.msk [tilespmem:v11+s24+$0x0], $0xffff;
	[tilespmem:s5+$0xFFFFFFC0] =	vst v6  }
0x11e: {  	v14 =	vmul.u32 $0x120, v21;
	v13 =	vmul.u32 $0x120, v20;
	v6 =	vmul.u32 $0x120, v19  }
0x11f: {  	v8 =	vmul.u32 $0x120, v8;
	v7 =	vmul.u32 $0x120, v7;
	v15 =	vmul.u32 $0x120, v23  }
0x120: {  	v16 =	vand.u32 $0xFFFFFFF8, v5;
	v17 =	vand.u32 $0xFFFFFFF8, v10;
	v18 =	vand.u32 $0xFFFFFFF8, v2  }
0x121: {  	v20 =	vand.u32 $0xFFFFFFF8, v12;
	v19 =	vand.u32 $0xFFFFFFF8, v4;
	v21 =	vand.u32 $0xFFFFFFF8, v9  }
0x122: {  	v22 =	vand.u32 $0xFFFFFFF8, v1;
	s5 =	sadd.s32 $0x80, s5;
	v3 =	vadd.s32 v3, v16;
	v16 =	vadd.s32 v6, v17  }
0x123: {  	v13 =	vadd.s32 v13, v18;
	v15 =	vadd.s32 v15, v20;
	v14 =	vadd.s32 v14, v19;
	[tilespmem:s5+$0x30] =	vst v11  }
.Ltmp4:
0x124: {  	v5 =	vand.u32 $0x7, v5;
	v6 =	vadd.s32 v7, v22;
	v11 =	vadd.s32 v8, v21;
	(pc) =	sbr.rel @p0 .LBB2_10-.Ltmp4, $4  }
0x125: {  	v10 =	vand.u32 $0x7, v10;
	v2 =	vand.u32 $0x7, v2;
	v17 =	vand.u32 $0x7, v4  }
0x126: {  	v9 =	vand.u32 $0x7, v9;
	v8 =	vand.u32 $0x7, v1;
	v1 =	vand.u32 $0x7, v12  }
0x127: {  	v7 =	vor.u32 v5, v3;
	v4 =	vor.u32 v2, v13;
	v5 =	vor.u32 v10, v16  }
0x128: {  	s7 =	sadd.s32 $0x80, s7;
	v3 =	vor.u32 v17, v14;
	v2 =	vor.u32 v1, v15;
	v1 =	vor.u32 v9, v11  }
0x129: {  	_ =	sdelay $0x3  }
0x12a: {  	s6 =	simm.s32 $0x0;
	v7 =	vld.idx.msk [tilespmem:v7+s24+$0x0], $0xffff  }
0x12b: {  	v6 =	vor.u32 v8, v6;
	s7 =	simm.s32 $0x10;
	s8 =	simm.s32 $0x70;
	v5 =	vld.idx.msk [tilespmem:v5+s24+$0x0], $0xffff;
	s10 =	simm.s32 $0x20;
	v8 =	vor.u32 s6, v0  }
0x12c: {  	s9 =	simm.s32 $0x30;
	v4 =	vld.idx.msk [tilespmem:v4+s24+$0x0], $0xffff;
	v10 =	vor.u32 s7, v0;
	v11 =	vor.u32 s8, v0;
	v12 =	vor.u32 s10, v0  }
0x12d: {  	v2 =	vld.idx.msk [tilespmem:v2+s24+$0x0], $0xffff;
	v13 =	vor.u32 s9, v0;
	s8 =	simm.s32 $0x40;
	s9 =	simm.s32 $0x50;
	s10 =	simm.s32 $0x60;
	v9 =	vmul.u32 $0x3B5D, v8;
	v14 =	vmul.u32 $0x3B5D, v11  }
0x12e: {  	v1 =	vld.idx.msk [tilespmem:v1+s24+$0x0], $0xffff;
	v15 =	vor.u32 s8, v0;
	v16 =	vor.u32 s9, v0;
	v17 =	vor.u32 s10, v0  }
0x12f: {  	v3 =	vld.idx.msk [tilespmem:v3+s24+$0x0], $0xffff;
	v18 =	vmul.u32 $0x3B5D, v10;
	v19 =	vmul.u32 $0x3B5D, v12;
	v20 =	vmul.u32 $0x3B5D, v15;
	[tilespmem:s5+$0xFFFFFFD0] =	vst v7  }
0x130: {  	v52 =	vmul.u32 $0x3B5D, v16;
	v22 =	vmul.u32 $0x3B5D, v17;
	v14 =	vshrl.u32 v14, $0x16;
	v6 =	vld.idx.msk [tilespmem:v6+s24+$0x0], $0xffff;
	[tilespmem:s5+$0xFFFFFFE0] =	vst v5  }
0x131: {  	v7 =	vmul.u32 $0x3B5D, v13;
	v21 =	vmul.u32 $0xFFFFFEEC, v14;
	v5 =	vshrl.u32 v18, $0x16;
	[tilespmem:s5+$0xFFFFFFF0] =	vst v4  }
0x132: {  	v4 =	vshrl.u32 v19, $0x16;
	v14 =	vmul.u32 $0x120, v14;
	[tilespmem:s5+$0x10] =	vst v2;
	v2 =	vshrl.u32 v52, $0x16  }
0x133: {  	[tilespmem:s5+$0x20] =	vst v1;
	v1 =	vshrl.u32 v9, $0x16;
	v9 =	vshrl.u32 v22, $0x16;
	v54 =	vmul.u32 $0xFFFFFEEC, v4  }
0x134: {  	[tilespmem:s5+$0x0] =	vst v3;
	v57 =	vmul.u32 $0xFFFFFEEC, v2;
	v58 =	vmul.u32 $0xFFFFFEEC, v9;
	v59 =	vmul.u32 $0xFFFFFEEC, v1  }
0x135: {  	v4 =	vmul.u32 $0x120, v4;
	v1 =	vmul.u32 $0x120, v1;
	v2 =	vmul.u32 $0x120, v2;
	[tilespmem:s5+$0xFFFFFFC0] =	vst v6  }
0x136: {  	v11 =	vadd.s32 v11, v21;
	v3 =	vshrl.u32 v7, $0x16;
	v7 =	vshrl.u32 v20, $0x16;
	s5 =	rddreg [dreg:$0x7]  }
0x137: {  	v53 =	vand.u32 $0xFFFFFFF8, v11;
	v11 =	vand.u32 $0x7, v11;
	v55 =	vmul.u32 $0xFFFFFEEC, v3;
	[hbm4b:s5+s6] =	stream.linear.scatter [tilespmem:s28], [sflag:$0x3], $0x4500, $0x38;
	[tilespmem:$0x11E00] =	vst v63  }
0x138: {  	s10 =	simm.s32 $0x180;
	v56 =	vmul.u32 $0xFFFFFEEC, v7;
	v12 =	vadd.s32 v12, v54;
	v61 =	vadd.s32 v16, v57  }
0x139: {  	v8 =	vadd.s32 v8, v59;
	v62 =	vadd.s32 v17, v58;
	v3 =	vmul.u32 $0x120, v3;
	[tilespmem:s24], [sflag:$0x1] =	stream.indirect.gather [hbm4b:s3+s23], $0x120, s10, s23, $0xb8;
	[tilespmem:$0x11E00] =	vst v63  }
0x13a: {  	v14 =	vadd.s32 v14, v53;
	v63 =	vand.u32 $0xFFFFFFF8, v12;
	v20 =	vand.u32 $0xFFFFFFF8, v61;
	_ =	swait.ge [sflag:s1], $0x4500  }
0x13b: {  	v21 =	vand.u32 $0xFFFFFFF8, v62;
	v22 =	vand.u32 $0xFFFFFFF8, v8;
	v11 =	vor.u32 v11, v14;
	[sflag:s1] =	ssyncset.done $0x0  }
0x13c: {  	v12 =	vand.u32 $0x7, v12;
	v8 =	vand.u32 $0x7, v8;
	v6 =	vmul.u32 $0xFFFFFEEC, v5;
	[sflag:s1] =	ssyncadd.s32 $0xFFFFBB00  }
0x13d: {  	v16 =	vand.u32 $0x7, v62;
	v13 =	vadd.s32 v13, v55;
	v60 =	vadd.s32 v15, v56;
	_ =	swait.ge [sflag:s30], $0x4800  }
0x13e: {  	v5 =	vmul.u32 $0x120, v5;
	v4 =	vadd.s32 v4, v63;
	v10 =	vadd.s32 v10, v6;
	[sflag:s30] =	ssyncset.done $0x0  }
0x13f: {  	v6 =	vmul.u32 $0x120, v7;
	v7 =	vmul.u32 $0x120, v9;
	v9 =	vand.u32 $0xFFFFFFF8, v10;
	[sflag:s30] =	ssyncadd.s32 $0xFFFFB800  }
0x140: {  	v2 =	vadd.s32 v2, v20;
	v15 =	vand.u32 $0x7, v61;
	v5 =	vadd.s32 v5, v9;
	v9 =	vld.idx.msk [tilespmem:v11+s25+$0x0], $0xffff  }
0x141: {  	v18 =	vand.u32 $0xFFFFFFF8, v13;
	v19 =	vand.u32 $0xFFFFFFF8, v60;
	v13 =	vand.u32 $0x7, v13  }
0x142: {  	v14 =	vand.u32 $0x7, v60;
	v2 =	vor.u32 v15, v2;
	v3 =	vadd.s32 v3, v18  }
0x143: {  	v11 =	vadd.s32 v6, v19;
	v6 =	vadd.s32 v1, v22;
	v1 =	vand.u32 $0x7, v10  }
0x144: {  	s5 =	simm.s32 $0xD940;
	v10 =	vadd.s32 v7, v21;
	v7 =	vor.u32 v1, v5;
	v5 =	vor.u32 v12, v4  }
0x145: {  	s7 =	simm.s32 $0x80;
	s6 =	simm.s32 $0x0;
	v4 =	vor.u32 v13, v3;
	v3 =	vor.u32 v14, v11;
	v1 =	vor.u32 v16, v10;
	[tilespmem:s5+$0x30] =	vst v9  }
.LBB2_12:
0x146: {  	v9 =	vor.u32 s7, v0;
	s8 =	sadd.s32 $0x10, s7;
	s9 =	sadd.s32 $0x70, s7;
	s6 =	sadd.s32 $0x8, s6;
	v6 =	vor.u32 v8, v6  }
0x147: {  	s10 =	sadd.s32 $0x30, s7;
	v8 =	vmul.u32 $0x3B5D, v9;
	v10 =	vor.u32 s8, v0;
	s8 =	sadd.s32 $0x20, s7;
	v11 =	vor.u32 s9, v0;
	p0 =	slt.u32 s6, $0x448  }
0x148: {  	v13 =	vor.u32 s10, v0;
	s9 =	sadd.s32 $0x50, s7;
	s10 =	sadd.s32 $0x60, s7;
	v12 =	vor.u32 s8, v0;
	s8 =	sadd.s32 $0x40, s7;
	v14 =	vmul.u32 $0x3B5D, v11  }
0x149: {  	v16 =	vor.u32 s9, v0;
	v17 =	vor.u32 s10, v0;
	v15 =	vor.u32 s8, v0;
	v7 =	vld.idx.msk [tilespmem:v7+s25+$0x0], $0xffff  }
0x14a: {  	v18 =	vmul.u32 $0x3B5D, v10;
	v19 =	vmul.u32 $0x3B5D, v12;
	v14 =	vshrl.u32 v14, $0x16;
	v5 =	vld.idx.msk [tilespmem:v5+s25+$0x0], $0xffff  }
0x14b: {  	v20 =	vmul.u32 $0x3B5D, v13;
	v21 =	vmul.u32 $0x3B5D, v15;
	v22 =	vmul.u32 $0xFFFFFEEC, v14;
	v4 =	vld.idx.msk [tilespmem:v4+s25+$0x0], $0xffff  }
0x14c: {  	v23 =	vmul.u32 $0x3B5D, v16;
	v24 =	vmul.u32 $0x3B5D, v17;
	v18 =	vshrl.u32 v18, $0x16;
	v3 =	vld.idx.msk [tilespmem:v3+s25+$0x0], $0xffff  }
0x14d: {  	v19 =	vshrl.u32 v19, $0x16;
	v14 =	vmul.u32 $0x120, v14;
	v11 =	vadd.s32 v11, v22;
	v2 =	vld.idx.msk [tilespmem:v2+s25+$0x0], $0xffff  }
0x14e: {  	v20 =	vshrl.u32 v20, $0x16;
	v21 =	vshrl.u32 v21, $0x16;
	v22 =	vand.u32 $0xFFFFFFF8, v11;
	v1 =	vld.idx.msk [tilespmem:v1+s25+$0x0], $0xffff  }
0x14f: {  	v23 =	vshrl.u32 v23, $0x16;
	v11 =	vand.u32 $0x7, v11;
	v14 =	vadd.s32 v14, v22;
	v6 =	vld.idx.msk [tilespmem:v6+s25+$0x0], $0xffff;
	[tilespmem:s5+$0xFFFFFFD0] =	vst v7  }
0x150: {  	v7 =	vshrl.u32 v8, $0x16;
	v8 =	vshrl.u32 v24, $0x16;
	v11 =	vor.u32 v11, v14;
	[tilespmem:s5+$0xFFFFFFE0] =	vst v5  }
0x151: {  	v22 =	vmul.u32 $0xFFFFFEEC, v20;
	v5 =	vmul.u32 $0xFFFFFEEC, v18;
	v14 =	vmul.u32 $0xFFFFFEEC, v19;
	[tilespmem:s5+$0xFFFFFFF0] =	vst v4  }
0x152: {  	v24 =	vmul.u32 $0xFFFFFEEC, v23;
	v25 =	vmul.u32 $0xFFFFFEEC, v8;
	v4 =	vmul.u32 $0xFFFFFEEC, v21;
	[tilespmem:s5+$0x0] =	vst v3  }
0x153: {  	v3 =	vmul.u32 $0xFFFFFEEC, v7;
	v5 =	vadd.s32 v10, v5;
	v10 =	vadd.s32 v12, v14;
	[tilespmem:s5+$0x10] =	vst v2  }
0x154: {  	v12 =	vadd.s32 v16, v24;
	v2 =	vadd.s32 v13, v22;
	v4 =	vadd.s32 v15, v4;
	[tilespmem:s5+$0x20] =	vst v1  }
0x155: {  	v1 =	vadd.s32 v9, v3;
	v3 =	vmul.u32 $0x120, v18;
	v9 =	vadd.s32 v17, v25;
	v11 =	vld.idx.msk [tilespmem:v11+s25+$0x0], $0xffff;
	[tilespmem:s5+$0xFFFFFFC0] =	vst v6  }
0x156: {  	v14 =	vmul.u32 $0x120, v21;
	v13 =	vmul.u32 $0x120, v20;
	v6 =	vmul.u32 $0x120, v19  }
0x157: {  	v8 =	vmul.u32 $0x120, v8;
	v7 =	vmul.u32 $0x120, v7;
	v15 =	vmul.u32 $0x120, v23  }
0x158: {  	v16 =	vand.u32 $0xFFFFFFF8, v5;
	v17 =	vand.u32 $0xFFFFFFF8, v10;
	v18 =	vand.u32 $0xFFFFFFF8, v2  }
0x159: {  	v20 =	vand.u32 $0xFFFFFFF8, v12;
	v19 =	vand.u32 $0xFFFFFFF8, v4;
	v21 =	vand.u32 $0xFFFFFFF8, v9  }
0x15a: {  	v22 =	vand.u32 $0xFFFFFFF8, v1;
	s5 =	sadd.s32 $0x80, s5;
	v3 =	vadd.s32 v3, v16;
	v16 =	vadd.s32 v6, v17  }
0x15b: {  	v13 =	vadd.s32 v13, v18;
	v15 =	vadd.s32 v15, v20;
	v14 =	vadd.s32 v14, v19;
	[tilespmem:s5+$0x30] =	vst v11  }
.Ltmp5:
0x15c: {  	v5 =	vand.u32 $0x7, v5;
	v6 =	vadd.s32 v7, v22;
	v11 =	vadd.s32 v8, v21;
	(pc) =	sbr.rel @p0 .LBB2_12-.Ltmp5, $4  }
0x15d: {  	v10 =	vand.u32 $0x7, v10;
	v2 =	vand.u32 $0x7, v2;
	v17 =	vand.u32 $0x7, v4  }
0x15e: {  	v9 =	vand.u32 $0x7, v9;
	v8 =	vand.u32 $0x7, v1;
	v1 =	vand.u32 $0x7, v12  }
0x15f: {  	v7 =	vor.u32 v5, v3;
	v4 =	vor.u32 v2, v13;
	v5 =	vor.u32 v10, v16  }
0x160: {  	s7 =	sadd.s32 $0x80, s7;
	v3 =	vor.u32 v17, v14;
	v2 =	vor.u32 v1, v15;
	v1 =	vor.u32 v9, v11  }
0x161: {  	_ =	sdelay $0x3  }
0x162: {  	s6 =	simm.s32 $0x0;
	v7 =	vld.idx.msk [tilespmem:v7+s25+$0x0], $0xffff  }
0x163: {  	v6 =	vor.u32 v8, v6;
	s7 =	simm.s32 $0x10;
	s8 =	simm.s32 $0x70;
	v5 =	vld.idx.msk [tilespmem:v5+s25+$0x0], $0xffff;
	s10 =	simm.s32 $0x20;
	v8 =	vor.u32 s6, v0  }
0x164: {  	s9 =	simm.s32 $0x30;
	v4 =	vld.idx.msk [tilespmem:v4+s25+$0x0], $0xffff;
	v10 =	vor.u32 s7, v0;
	v11 =	vor.u32 s8, v0;
	v12 =	vor.u32 s10, v0  }
0x165: {  	v2 =	vld.idx.msk [tilespmem:v2+s25+$0x0], $0xffff;
	v13 =	vor.u32 s9, v0;
	s8 =	simm.s32 $0x40;
	s9 =	simm.s32 $0x50;
	s10 =	simm.s32 $0x60;
	v9 =	vmul.u32 $0x3B5D, v8;
	v14 =	vmul.u32 $0x3B5D, v11  }
0x166: {  	v1 =	vld.idx.msk [tilespmem:v1+s25+$0x0], $0xffff;
	v15 =	vor.u32 s8, v0;
	v16 =	vor.u32 s9, v0;
	v17 =	vor.u32 s10, v0  }
0x167: {  	v3 =	vld.idx.msk [tilespmem:v3+s25+$0x0], $0xffff;
	v18 =	vmul.u32 $0x3B5D, v10;
	v19 =	vmul.u32 $0x3B5D, v12;
	v20 =	vmul.u32 $0x3B5D, v15;
	[tilespmem:s5+$0xFFFFFFD0] =	vst v7  }
0x168: {  	v52 =	vmul.u32 $0x3B5D, v16;
	v22 =	vmul.u32 $0x3B5D, v17;
	v14 =	vshrl.u32 v14, $0x16;
	v6 =	vld.idx.msk [tilespmem:v6+s25+$0x0], $0xffff;
	[tilespmem:s5+$0xFFFFFFE0] =	vst v5  }
0x169: {  	v7 =	vmul.u32 $0x3B5D, v13;
	v21 =	vmul.u32 $0xFFFFFEEC, v14;
	v5 =	vshrl.u32 v18, $0x16;
	[tilespmem:s5+$0xFFFFFFF0] =	vst v4  }
0x16a: {  	v4 =	vshrl.u32 v19, $0x16;
	v14 =	vmul.u32 $0x120, v14;
	[tilespmem:s5+$0x10] =	vst v2;
	v2 =	vshrl.u32 v52, $0x16  }
0x16b: {  	[tilespmem:s5+$0x20] =	vst v1;
	v1 =	vshrl.u32 v9, $0x16;
	v9 =	vshrl.u32 v22, $0x16;
	v54 =	vmul.u32 $0xFFFFFEEC, v4  }
0x16c: {  	[tilespmem:s5+$0x0] =	vst v3;
	v57 =	vmul.u32 $0xFFFFFEEC, v2;
	v58 =	vmul.u32 $0xFFFFFEEC, v9;
	v59 =	vmul.u32 $0xFFFFFEEC, v1  }
0x16d: {  	v4 =	vmul.u32 $0x120, v4;
	v1 =	vmul.u32 $0x120, v1;
	v2 =	vmul.u32 $0x120, v2;
	[tilespmem:s5+$0xFFFFFFC0] =	vst v6  }
0x16e: {  	v11 =	vadd.s32 v11, v21;
	v3 =	vshrl.u32 v7, $0x16;
	v7 =	vshrl.u32 v20, $0x16;
	s5 =	rddreg [dreg:$0x8]  }
0x16f: {  	v53 =	vand.u32 $0xFFFFFFF8, v11;
	v11 =	vand.u32 $0x7, v11;
	v55 =	vmul.u32 $0xFFFFFEEC, v3;
	[hbm4b:s5+s6] =	stream.linear.scatter [tilespmem:s31], [sflag:$0x4], $0x4500, $0x38;
	[tilespmem:$0x11E00] =	vst v63  }
0x170: {  	s10 =	simm.s32 $0x1C0;
	v56 =	vmul.u32 $0xFFFFFEEC, v7;
	v12 =	vadd.s32 v12, v54;
	v61 =	vadd.s32 v16, v57  }
0x171: {  	v8 =	vadd.s32 v8, v59;
	v62 =	vadd.s32 v17, v58;
	v3 =	vmul.u32 $0x120, v3;
	[tilespmem:s25], [sflag:$0x2] =	stream.indirect.gather [hbm4b:s3+s23], $0x120, s10, s23, $0xb8;
	[tilespmem:$0x11E00] =	vst v63  }
0x172: {  	v14 =	vadd.s32 v14, v53;
	v63 =	vand.u32 $0xFFFFFFF8, v12;
	v20 =	vand.u32 $0xFFFFFFF8, v61;
	_ =	swait.ge [sflag:s0], $0x4500  }
0x173: {  	v21 =	vand.u32 $0xFFFFFFF8, v62;
	v22 =	vand.u32 $0xFFFFFFF8, v8;
	v11 =	vor.u32 v11, v14;
	[sflag:s0] =	ssyncset.done $0x0  }
0x174: {  	v12 =	vand.u32 $0x7, v12;
	v8 =	vand.u32 $0x7, v8;
	v6 =	vmul.u32 $0xFFFFFEEC, v5;
	[sflag:s0] =	ssyncadd.s32 $0xFFFFBB00  }
0x175: {  	v16 =	vand.u32 $0x7, v62;
	v13 =	vadd.s32 v13, v55;
	v60 =	vadd.s32 v15, v56;
	_ =	swait.ge [sflag:s26], $0x4800  }
0x176: {  	v5 =	vmul.u32 $0x120, v5;
	v4 =	vadd.s32 v4, v63;
	v10 =	vadd.s32 v10, v6;
	[sflag:s26] =	ssyncset.done $0x0  }
0x177: {  	v6 =	vmul.u32 $0x120, v7;
	v7 =	vmul.u32 $0x120, v9;
	v9 =	vand.u32 $0xFFFFFFF8, v10;
	[sflag:s26] =	ssyncadd.s32 $0xFFFFB800  }
0x178: {  	v2 =	vadd.s32 v2, v20;
	v15 =	vand.u32 $0x7, v61;
	v5 =	vadd.s32 v5, v9;
	v9 =	vld.idx.msk [tilespmem:v11+s24+$0x0], $0xffff  }
0x179: {  	v18 =	vand.u32 $0xFFFFFFF8, v13;
	v19 =	vand.u32 $0xFFFFFFF8, v60;
	v13 =	vand.u32 $0x7, v13  }
0x17a: {  	v14 =	vand.u32 $0x7, v60;
	v2 =	vor.u32 v15, v2;
	v3 =	vadd.s32 v3, v18  }
0x17b: {  	v11 =	vadd.s32 v6, v19;
	v6 =	vadd.s32 v1, v22;
	v1 =	vand.u32 $0x7, v10  }
0x17c: {  	s5 =	simm.s32 $0x9440;
	v10 =	vadd.s32 v7, v21;
	v7 =	vor.u32 v1, v5;
	v5 =	vor.u32 v12, v4  }
0x17d: {  	s7 =	simm.s32 $0x80;
	s6 =	simm.s32 $0x0;
	v4 =	vor.u32 v13, v3;
	v3 =	vor.u32 v14, v11;
	v1 =	vor.u32 v16, v10;
	[tilespmem:s5+$0x30] =	vst v9  }
.LBB2_14:
0x17e: {  	v9 =	vor.u32 s7, v0;
	s8 =	sadd.s32 $0x10, s7;
	s9 =	sadd.s32 $0x70, s7;
	s6 =	sadd.s32 $0x8, s6;
	v6 =	vor.u32 v8, v6  }
0x17f: {  	s10 =	sadd.s32 $0x30, s7;
	v8 =	vmul.u32 $0x3B5D, v9;
	v10 =	vor.u32 s8, v0;
	s8 =	sadd.s32 $0x20, s7;
	v11 =	vor.u32 s9, v0;
	p0 =	slt.u32 s6, $0x448  }
0x180: {  	v13 =	vor.u32 s10, v0;
	s9 =	sadd.s32 $0x50, s7;
	s10 =	sadd.s32 $0x60, s7;
	v12 =	vor.u32 s8, v0;
	s8 =	sadd.s32 $0x40, s7;
	v14 =	vmul.u32 $0x3B5D, v11  }
0x181: {  	v16 =	vor.u32 s9, v0;
	v17 =	vor.u32 s10, v0;
	v15 =	vor.u32 s8, v0;
	v7 =	vld.idx.msk [tilespmem:v7+s24+$0x0], $0xffff  }
0x182: {  	v18 =	vmul.u32 $0x3B5D, v10;
	v19 =	vmul.u32 $0x3B5D, v12;
	v14 =	vshrl.u32 v14, $0x16;
	v5 =	vld.idx.msk [tilespmem:v5+s24+$0x0], $0xffff  }
0x183: {  	v20 =	vmul.u32 $0x3B5D, v13;
	v21 =	vmul.u32 $0x3B5D, v15;
	v22 =	vmul.u32 $0xFFFFFEEC, v14;
	v4 =	vld.idx.msk [tilespmem:v4+s24+$0x0], $0xffff  }
0x184: {  	v23 =	vmul.u32 $0x3B5D, v16;
	v24 =	vmul.u32 $0x3B5D, v17;
	v18 =	vshrl.u32 v18, $0x16;
	v3 =	vld.idx.msk [tilespmem:v3+s24+$0x0], $0xffff  }
0x185: {  	v19 =	vshrl.u32 v19, $0x16;
	v14 =	vmul.u32 $0x120, v14;
	v11 =	vadd.s32 v11, v22;
	v2 =	vld.idx.msk [tilespmem:v2+s24+$0x0], $0xffff  }
0x186: {  	v20 =	vshrl.u32 v20, $0x16;
	v21 =	vshrl.u32 v21, $0x16;
	v22 =	vand.u32 $0xFFFFFFF8, v11;
	v1 =	vld.idx.msk [tilespmem:v1+s24+$0x0], $0xffff  }
0x187: {  	v23 =	vshrl.u32 v23, $0x16;
	v11 =	vand.u32 $0x7, v11;
	v14 =	vadd.s32 v14, v22;
	v6 =	vld.idx.msk [tilespmem:v6+s24+$0x0], $0xffff;
	[tilespmem:s5+$0xFFFFFFD0] =	vst v7  }
0x188: {  	v7 =	vshrl.u32 v8, $0x16;
	v8 =	vshrl.u32 v24, $0x16;
	v11 =	vor.u32 v11, v14;
	[tilespmem:s5+$0xFFFFFFE0] =	vst v5  }
0x189: {  	v22 =	vmul.u32 $0xFFFFFEEC, v20;
	v5 =	vmul.u32 $0xFFFFFEEC, v18;
	v14 =	vmul.u32 $0xFFFFFEEC, v19;
	[tilespmem:s5+$0xFFFFFFF0] =	vst v4  }
0x18a: {  	v24 =	vmul.u32 $0xFFFFFEEC, v23;
	v25 =	vmul.u32 $0xFFFFFEEC, v8;
	v4 =	vmul.u32 $0xFFFFFEEC, v21;
	[tilespmem:s5+$0x0] =	vst v3  }
0x18b: {  	v3 =	vmul.u32 $0xFFFFFEEC, v7;
	v5 =	vadd.s32 v10, v5;
	v10 =	vadd.s32 v12, v14;
	[tilespmem:s5+$0x10] =	vst v2  }
0x18c: {  	v12 =	vadd.s32 v16, v24;
	v2 =	vadd.s32 v13, v22;
	v4 =	vadd.s32 v15, v4;
	[tilespmem:s5+$0x20] =	vst v1  }
0x18d: {  	v1 =	vadd.s32 v9, v3;
	v3 =	vmul.u32 $0x120, v18;
	v9 =	vadd.s32 v17, v25;
	v11 =	vld.idx.msk [tilespmem:v11+s24+$0x0], $0xffff;
	[tilespmem:s5+$0xFFFFFFC0] =	vst v6  }
0x18e: {  	v14 =	vmul.u32 $0x120, v21;
	v13 =	vmul.u32 $0x120, v20;
	v6 =	vmul.u32 $0x120, v19  }
0x18f: {  	v8 =	vmul.u32 $0x120, v8;
	v7 =	vmul.u32 $0x120, v7;
	v15 =	vmul.u32 $0x120, v23  }
0x190: {  	v16 =	vand.u32 $0xFFFFFFF8, v5;
	v17 =	vand.u32 $0xFFFFFFF8, v10;
	v18 =	vand.u32 $0xFFFFFFF8, v2  }
0x191: {  	v20 =	vand.u32 $0xFFFFFFF8, v12;
	v19 =	vand.u32 $0xFFFFFFF8, v4;
	v21 =	vand.u32 $0xFFFFFFF8, v9  }
0x192: {  	v22 =	vand.u32 $0xFFFFFFF8, v1;
	s5 =	sadd.s32 $0x80, s5;
	v3 =	vadd.s32 v3, v16;
	v16 =	vadd.s32 v6, v17  }
0x193: {  	v13 =	vadd.s32 v13, v18;
	v15 =	vadd.s32 v15, v20;
	v14 =	vadd.s32 v14, v19;
	[tilespmem:s5+$0x30] =	vst v11  }
.Ltmp6:
0x194: {  	v5 =	vand.u32 $0x7, v5;
	v6 =	vadd.s32 v7, v22;
	v11 =	vadd.s32 v8, v21;
	(pc) =	sbr.rel @p0 .LBB2_14-.Ltmp6, $4  }
0x195: {  	v10 =	vand.u32 $0x7, v10;
	v2 =	vand.u32 $0x7, v2;
	v17 =	vand.u32 $0x7, v4  }
0x196: {  	v9 =	vand.u32 $0x7, v9;
	v8 =	vand.u32 $0x7, v1;
	v1 =	vand.u32 $0x7, v12  }
0x197: {  	v7 =	vor.u32 v5, v3;
	v4 =	vor.u32 v2, v13;
	v5 =	vor.u32 v10, v16  }
0x198: {  	s7 =	sadd.s32 $0x80, s7;
	v3 =	vor.u32 v17, v14;
	v2 =	vor.u32 v1, v15;
	v1 =	vor.u32 v9, v11  }
0x199: {  	_ =	sdelay $0x3  }
0x19a: {  	s6 =	simm.s32 $0x0;
	v7 =	vld.idx.msk [tilespmem:v7+s24+$0x0], $0xffff  }
0x19b: {  	v6 =	vor.u32 v8, v6;
	s7 =	simm.s32 $0x10;
	s8 =	simm.s32 $0x70;
	v5 =	vld.idx.msk [tilespmem:v5+s24+$0x0], $0xffff;
	s10 =	simm.s32 $0x20;
	v8 =	vor.u32 s6, v0  }
0x19c: {  	s9 =	simm.s32 $0x30;
	v4 =	vld.idx.msk [tilespmem:v4+s24+$0x0], $0xffff;
	v10 =	vor.u32 s7, v0;
	v11 =	vor.u32 s8, v0;
	v12 =	vor.u32 s10, v0  }
0x19d: {  	v2 =	vld.idx.msk [tilespmem:v2+s24+$0x0], $0xffff;
	v13 =	vor.u32 s9, v0;
	s8 =	simm.s32 $0x40;
	s9 =	simm.s32 $0x50;
	s10 =	simm.s32 $0x60;
	v9 =	vmul.u32 $0x3B5D, v8;
	v14 =	vmul.u32 $0x3B5D, v11  }
0x19e: {  	v1 =	vld.idx.msk [tilespmem:v1+s24+$0x0], $0xffff;
	v15 =	vor.u32 s8, v0;
	v16 =	vor.u32 s9, v0;
	v17 =	vor.u32 s10, v0  }
0x19f: {  	v18 =	vmul.u32 $0x3B5D, v10;
	v19 =	vmul.u32 $0x3B5D, v12;
	v20 =	vmul.u32 $0x3B5D, v15;
	[tilespmem:s5+$0xFFFFFFD0] =	vst v7  }
0x1a0: {  	v3 =	vld.idx.msk [tilespmem:v3+s24+$0x0], $0xffff;
	v52 =	vmul.u32 $0x3B5D, v16;
	v22 =	vmul.u32 $0x3B5D, v17;
	v14 =	vshrl.u32 v14, $0x16;
	[tilespmem:s5+$0xFFFFFFE0] =	vst v5  }
0x1a1: {  	v7 =	vmul.u32 $0x3B5D, v13;
	v21 =	vmul.u32 $0xFFFFFEEC, v14;
	v6 =	vld.idx.msk [tilespmem:v6+s24+$0x0], $0xffff;
	v5 =	vshrl.u32 v18, $0x16;
	[tilespmem:s5+$0xFFFFFFF0] =	vst v4  }
0x1a2: {  	v4 =	vshrl.u32 v19, $0x16;
	v14 =	vmul.u32 $0x120, v14;
	[tilespmem:s5+$0x10] =	vst v2;
	v2 =	vshrl.u32 v52, $0x16  }
0x1a3: {  	[tilespmem:s5+$0x20] =	vst v1;
	v1 =	vshrl.u32 v9, $0x16;
	v9 =	vshrl.u32 v22, $0x16;
	v54 =	vmul.u32 $0xFFFFFEEC, v4  }
0x1a4: {  	v57 =	vmul.u32 $0xFFFFFEEC, v2;
	v58 =	vmul.u32 $0xFFFFFEEC, v9;
	v59 =	vmul.u32 $0xFFFFFEEC, v1  }
0x1a5: {  	[tilespmem:s5+$0x0] =	vst v3;
	v4 =	vmul.u32 $0x120, v4;
	v1 =	vmul.u32 $0x120, v1;
	v2 =	vmul.u32 $0x120, v2  }
0x1a6: {  	v11 =	vadd.s32 v11, v21;
	v3 =	vshrl.u32 v7, $0x16;
	v7 =	vshrl.u32 v20, $0x16;
	[tilespmem:s5+$0xFFFFFFC0] =	vst v6  }
0x1a7: {  	v53 =	vand.u32 $0xFFFFFFF8, v11;
	v11 =	vand.u32 $0x7, v11;
	v55 =	vmul.u32 $0xFFFFFEEC, v3;
	[hbm4b:s11+s6] =	stream.linear.scatter [tilespmem:s28], [sflag:$0x3], $0x4500, $0x38;
	[tilespmem:$0x11E00] =	vst v63  }
0x1a8: {  	s10 =	simm.s32 $0x200;
	v56 =	vmul.u32 $0xFFFFFEEC, v7;
	v12 =	vadd.s32 v12, v54;
	v61 =	vadd.s32 v16, v57  }
0x1a9: {  	v8 =	vadd.s32 v8, v59;
	v62 =	vadd.s32 v17, v58;
	v3 =	vmul.u32 $0x120, v3;
	[tilespmem:s24], [sflag:$0x1] =	stream.indirect.gather [hbm4b:s3+s23], $0x120, s10, s23, $0xb8;
	[tilespmem:$0x11E00] =	vst v63  }
0x1aa: {  	v14 =	vadd.s32 v14, v53;
	v63 =	vand.u32 $0xFFFFFFF8, v12;
	v20 =	vand.u32 $0xFFFFFFF8, v61;
	_ =	swait.ge [sflag:s1], $0x4500  }
0x1ab: {  	v21 =	vand.u32 $0xFFFFFFF8, v62;
	v22 =	vand.u32 $0xFFFFFFF8, v8;
	v11 =	vor.u32 v11, v14;
	[sflag:s1] =	ssyncset.done $0x0  }
0x1ac: {  	v12 =	vand.u32 $0x7, v12;
	v8 =	vand.u32 $0x7, v8;
	v6 =	vmul.u32 $0xFFFFFEEC, v5;
	[sflag:s1] =	ssyncadd.s32 $0xFFFFBB00  }
0x1ad: {  	v16 =	vand.u32 $0x7, v62;
	v13 =	vadd.s32 v13, v55;
	v60 =	vadd.s32 v15, v56;
	_ =	swait.ge [sflag:s30], $0x4800  }
0x1ae: {  	v5 =	vmul.u32 $0x120, v5;
	v4 =	vadd.s32 v4, v63;
	v10 =	vadd.s32 v10, v6;
	[sflag:s30] =	ssyncset.done $0x0  }
0x1af: {  	v6 =	vmul.u32 $0x120, v7;
	v7 =	vmul.u32 $0x120, v9;
	v9 =	vand.u32 $0xFFFFFFF8, v10;
	[sflag:s30] =	ssyncadd.s32 $0xFFFFB800  }
0x1b0: {  	v2 =	vadd.s32 v2, v20;
	v15 =	vand.u32 $0x7, v61;
	v5 =	vadd.s32 v5, v9;
	v9 =	vld.idx.msk [tilespmem:v11+s25+$0x0], $0xffff  }
0x1b1: {  	v18 =	vand.u32 $0xFFFFFFF8, v13;
	v19 =	vand.u32 $0xFFFFFFF8, v60;
	v13 =	vand.u32 $0x7, v13  }
0x1b2: {  	v14 =	vand.u32 $0x7, v60;
	v2 =	vor.u32 v15, v2;
	v3 =	vadd.s32 v3, v18  }
0x1b3: {  	v11 =	vadd.s32 v6, v19;
	v6 =	vadd.s32 v1, v22;
	v1 =	vand.u32 $0x7, v10  }
0x1b4: {  	s5 =	simm.s32 $0xD940;
	v10 =	vadd.s32 v7, v21;
	v7 =	vor.u32 v1, v5;
	v5 =	vor.u32 v12, v4  }
0x1b5: {  	s7 =	simm.s32 $0x80;
	s6 =	simm.s32 $0x0;
	v4 =	vor.u32 v13, v3;
	v3 =	vor.u32 v14, v11;
	v1 =	vor.u32 v16, v10;
	[tilespmem:s5+$0x30] =	vst v9  }
.LBB2_16:
0x1b6: {  	v9 =	vor.u32 s7, v0;
	s8 =	sadd.s32 $0x10, s7;
	s9 =	sadd.s32 $0x70, s7;
	s6 =	sadd.s32 $0x8, s6;
	v6 =	vor.u32 v8, v6  }
0x1b7: {  	s10 =	sadd.s32 $0x30, s7;
	v8 =	vmul.u32 $0x3B5D, v9;
	v10 =	vor.u32 s8, v0;
	s8 =	sadd.s32 $0x20, s7;
	v11 =	vor.u32 s9, v0;
	p0 =	slt.u32 s6, $0x448  }
0x1b8: {  	v13 =	vor.u32 s10, v0;
	s9 =	sadd.s32 $0x50, s7;
	s10 =	sadd.s32 $0x60, s7;
	v12 =	vor.u32 s8, v0;
	s8 =	sadd.s32 $0x40, s7;
	v14 =	vmul.u32 $0x3B5D, v11  }
0x1b9: {  	v16 =	vor.u32 s9, v0;
	v17 =	vor.u32 s10, v0;
	v15 =	vor.u32 s8, v0;
	v7 =	vld.idx.msk [tilespmem:v7+s25+$0x0], $0xffff  }
0x1ba: {  	v18 =	vmul.u32 $0x3B5D, v10;
	v19 =	vmul.u32 $0x3B5D, v12;
	v14 =	vshrl.u32 v14, $0x16;
	v5 =	vld.idx.msk [tilespmem:v5+s25+$0x0], $0xffff  }
0x1bb: {  	v20 =	vmul.u32 $0x3B5D, v13;
	v21 =	vmul.u32 $0x3B5D, v15;
	v22 =	vmul.u32 $0xFFFFFEEC, v14;
	v4 =	vld.idx.msk [tilespmem:v4+s25+$0x0], $0xffff  }
0x1bc: {  	v23 =	vmul.u32 $0x3B5D, v16;
	v24 =	vmul.u32 $0x3B5D, v17;
	v18 =	vshrl.u32 v18, $0x16;
	v3 =	vld.idx.msk [tilespmem:v3+s25+$0x0], $0xffff  }
0x1bd: {  	v19 =	vshrl.u32 v19, $0x16;
	v14 =	vmul.u32 $0x120, v14;
	v11 =	vadd.s32 v11, v22;
	v2 =	vld.idx.msk [tilespmem:v2+s25+$0x0], $0xffff  }
0x1be: {  	v20 =	vshrl.u32 v20, $0x16;
	v21 =	vshrl.u32 v21, $0x16;
	v22 =	vand.u32 $0xFFFFFFF8, v11;
	v1 =	vld.idx.msk [tilespmem:v1+s25+$0x0], $0xffff  }
0x1bf: {  	v23 =	vshrl.u32 v23, $0x16;
	v11 =	vand.u32 $0x7, v11;
	v14 =	vadd.s32 v14, v22;
	v6 =	vld.idx.msk [tilespmem:v6+s25+$0x0], $0xffff;
	[tilespmem:s5+$0xFFFFFFD0] =	vst v7  }
0x1c0: {  	v7 =	vshrl.u32 v8, $0x16;
	v8 =	vshrl.u32 v24, $0x16;
	v11 =	vor.u32 v11, v14;
	[tilespmem:s5+$0xFFFFFFE0] =	vst v5  }
0x1c1: {  	v22 =	vmul.u32 $0xFFFFFEEC, v20;
	v5 =	vmul.u32 $0xFFFFFEEC, v18;
	v14 =	vmul.u32 $0xFFFFFEEC, v19;
	[tilespmem:s5+$0xFFFFFFF0] =	vst v4  }
0x1c2: {  	v24 =	vmul.u32 $0xFFFFFEEC, v23;
	v25 =	vmul.u32 $0xFFFFFEEC, v8;
	v4 =	vmul.u32 $0xFFFFFEEC, v21;
	[tilespmem:s5+$0x0] =	vst v3  }
0x1c3: {  	v3 =	vmul.u32 $0xFFFFFEEC, v7;
	v5 =	vadd.s32 v10, v5;
	v10 =	vadd.s32 v12, v14;
	[tilespmem:s5+$0x10] =	vst v2  }
0x1c4: {  	v12 =	vadd.s32 v16, v24;
	v2 =	vadd.s32 v13, v22;
	v4 =	vadd.s32 v15, v4;
	[tilespmem:s5+$0x20] =	vst v1  }
0x1c5: {  	v1 =	vadd.s32 v9, v3;
	v3 =	vmul.u32 $0x120, v18;
	v9 =	vadd.s32 v17, v25;
	v11 =	vld.idx.msk [tilespmem:v11+s25+$0x0], $0xffff;
	[tilespmem:s5+$0xFFFFFFC0] =	vst v6  }
0x1c6: {  	v14 =	vmul.u32 $0x120, v21;
	v13 =	vmul.u32 $0x120, v20;
	v6 =	vmul.u32 $0x120, v19  }
0x1c7: {  	v8 =	vmul.u32 $0x120, v8;
	v7 =	vmul.u32 $0x120, v7;
	v15 =	vmul.u32 $0x120, v23  }
0x1c8: {  	v16 =	vand.u32 $0xFFFFFFF8, v5;
	v17 =	vand.u32 $0xFFFFFFF8, v10;
	v18 =	vand.u32 $0xFFFFFFF8, v2  }
0x1c9: {  	v20 =	vand.u32 $0xFFFFFFF8, v12;
	v19 =	vand.u32 $0xFFFFFFF8, v4;
	v21 =	vand.u32 $0xFFFFFFF8, v9  }
0x1ca: {  	v22 =	vand.u32 $0xFFFFFFF8, v1;
	s5 =	sadd.s32 $0x80, s5;
	v3 =	vadd.s32 v3, v16;
	v16 =	vadd.s32 v6, v17  }
0x1cb: {  	v13 =	vadd.s32 v13, v18;
	v15 =	vadd.s32 v15, v20;
	v14 =	vadd.s32 v14, v19;
	[tilespmem:s5+$0x30] =	vst v11  }
.Ltmp7:
0x1cc: {  	v5 =	vand.u32 $0x7, v5;
	v6 =	vadd.s32 v7, v22;
	v11 =	vadd.s32 v8, v21;
	(pc) =	sbr.rel @p0 .LBB2_16-.Ltmp7, $4  }
0x1cd: {  	v10 =	vand.u32 $0x7, v10;
	v2 =	vand.u32 $0x7, v2;
	v17 =	vand.u32 $0x7, v4  }
0x1ce: {  	v9 =	vand.u32 $0x7, v9;
	v8 =	vand.u32 $0x7, v1;
	v1 =	vand.u32 $0x7, v12  }
0x1cf: {  	v7 =	vor.u32 v5, v3;
	v4 =	vor.u32 v2, v13;
	v5 =	vor.u32 v10, v16  }
0x1d0: {  	s7 =	sadd.s32 $0x80, s7;
	v3 =	vor.u32 v17, v14;
	v2 =	vor.u32 v1, v15;
	v1 =	vor.u32 v9, v11  }
0x1d1: {  	_ =	sdelay $0x3  }
0x1d2: {  	s6 =	simm.s32 $0x0;
	v7 =	vld.idx.msk [tilespmem:v7+s25+$0x0], $0xffff  }
0x1d3: {  	v6 =	vor.u32 v8, v6;
	s7 =	simm.s32 $0x10;
	s8 =	simm.s32 $0x70;
	v5 =	vld.idx.msk [tilespmem:v5+s25+$0x0], $0xffff;
	s10 =	simm.s32 $0x20;
	v8 =	vor.u32 s6, v0  }
0x1d4: {  	s9 =	simm.s32 $0x30;
	v4 =	vld.idx.msk [tilespmem:v4+s25+$0x0], $0xffff;
	v10 =	vor.u32 s7, v0;
	v11 =	vor.u32 s8, v0;
	v12 =	vor.u32 s10, v0  }
0x1d5: {  	v2 =	vld.idx.msk [tilespmem:v2+s25+$0x0], $0xffff;
	v13 =	vor.u32 s9, v0;
	s8 =	simm.s32 $0x40;
	s9 =	simm.s32 $0x50;
	s10 =	simm.s32 $0x60;
	v9 =	vmul.u32 $0x3B5D, v8;
	v14 =	vmul.u32 $0x3B5D, v11  }
0x1d6: {  	v1 =	vld.idx.msk [tilespmem:v1+s25+$0x0], $0xffff;
	v15 =	vor.u32 s8, v0;
	v16 =	vor.u32 s9, v0;
	v17 =	vor.u32 s10, v0  }
0x1d7: {  	v18 =	vmul.u32 $0x3B5D, v10;
	v19 =	vmul.u32 $0x3B5D, v12;
	v20 =	vmul.u32 $0x3B5D, v15;
	[tilespmem:s5+$0xFFFFFFD0] =	vst v7  }
0x1d8: {  	v3 =	vld.idx.msk [tilespmem:v3+s25+$0x0], $0xffff;
	v52 =	vmul.u32 $0x3B5D, v16;
	v22 =	vmul.u32 $0x3B5D, v17;
	v14 =	vshrl.u32 v14, $0x16;
	[tilespmem:s5+$0xFFFFFFE0] =	vst v5  }
0x1d9: {  	v7 =	vmul.u32 $0x3B5D, v13;
	v21 =	vmul.u32 $0xFFFFFEEC, v14;
	v6 =	vld.idx.msk [tilespmem:v6+s25+$0x0], $0xffff;
	v5 =	vshrl.u32 v18, $0x16;
	[tilespmem:s5+$0xFFFFFFF0] =	vst v4  }
0x1da: {  	v4 =	vshrl.u32 v19, $0x16;
	v14 =	vmul.u32 $0x120, v14;
	[tilespmem:s5+$0x10] =	vst v2;
	v2 =	vshrl.u32 v52, $0x16  }
0x1db: {  	[tilespmem:s5+$0x20] =	vst v1;
	v1 =	vshrl.u32 v9, $0x16;
	v9 =	vshrl.u32 v22, $0x16;
	v54 =	vmul.u32 $0xFFFFFEEC, v4  }
0x1dc: {  	v57 =	vmul.u32 $0xFFFFFEEC, v2;
	v58 =	vmul.u32 $0xFFFFFEEC, v9;
	v59 =	vmul.u32 $0xFFFFFEEC, v1  }
0x1dd: {  	[tilespmem:s5+$0x0] =	vst v3;
	v4 =	vmul.u32 $0x120, v4;
	v1 =	vmul.u32 $0x120, v1;
	v2 =	vmul.u32 $0x120, v2  }
0x1de: {  	v11 =	vadd.s32 v11, v21;
	v3 =	vshrl.u32 v7, $0x16;
	v7 =	vshrl.u32 v20, $0x16;
	[tilespmem:s5+$0xFFFFFFC0] =	vst v6  }
0x1df: {  	v53 =	vand.u32 $0xFFFFFFF8, v11;
	v11 =	vand.u32 $0x7, v11;
	v55 =	vmul.u32 $0xFFFFFEEC, v3;
	[hbm4b:s12+s6] =	stream.linear.scatter [tilespmem:s31], [sflag:$0x4], $0x4500, $0x38;
	[tilespmem:$0x11E00] =	vst v63  }
0x1e0: {  	s10 =	simm.s32 $0x240;
	v56 =	vmul.u32 $0xFFFFFEEC, v7;
	v12 =	vadd.s32 v12, v54;
	v61 =	vadd.s32 v16, v57  }
0x1e1: {  	v8 =	vadd.s32 v8, v59;
	v62 =	vadd.s32 v17, v58;
	v3 =	vmul.u32 $0x120, v3;
	[tilespmem:s25], [sflag:$0x2] =	stream.indirect.gather [hbm4b:s3+s23], $0x120, s10, s23, $0xb8;
	[tilespmem:$0x11E00] =	vst v63  }
0x1e2: {  	v14 =	vadd.s32 v14, v53;
	v63 =	vand.u32 $0xFFFFFFF8, v12;
	v20 =	vand.u32 $0xFFFFFFF8, v61;
	_ =	swait.ge [sflag:s0], $0x4500  }
0x1e3: {  	v21 =	vand.u32 $0xFFFFFFF8, v62;
	v22 =	vand.u32 $0xFFFFFFF8, v8;
	v11 =	vor.u32 v11, v14;
	[sflag:s0] =	ssyncset.done $0x0  }
0x1e4: {  	v12 =	vand.u32 $0x7, v12;
	v8 =	vand.u32 $0x7, v8;
	v6 =	vmul.u32 $0xFFFFFEEC, v5;
	[sflag:s0] =	ssyncadd.s32 $0xFFFFBB00  }
0x1e5: {  	v16 =	vand.u32 $0x7, v62;
	v13 =	vadd.s32 v13, v55;
	v60 =	vadd.s32 v15, v56;
	_ =	swait.ge [sflag:s26], $0x4800  }
0x1e6: {  	v5 =	vmul.u32 $0x120, v5;
	v4 =	vadd.s32 v4, v63;
	v10 =	vadd.s32 v10, v6;
	[sflag:s26] =	ssyncset.done $0x0  }
0x1e7: {  	v6 =	vmul.u32 $0x120, v7;
	v7 =	vmul.u32 $0x120, v9;
	v9 =	vand.u32 $0xFFFFFFF8, v10;
	[sflag:s26] =	ssyncadd.s32 $0xFFFFB800  }
0x1e8: {  	v2 =	vadd.s32 v2, v20;
	v15 =	vand.u32 $0x7, v61;
	v5 =	vadd.s32 v5, v9;
	v9 =	vld.idx.msk [tilespmem:v11+s24+$0x0], $0xffff  }
0x1e9: {  	v18 =	vand.u32 $0xFFFFFFF8, v13;
	v19 =	vand.u32 $0xFFFFFFF8, v60;
	v13 =	vand.u32 $0x7, v13  }
0x1ea: {  	v14 =	vand.u32 $0x7, v60;
	v2 =	vor.u32 v15, v2;
	v3 =	vadd.s32 v3, v18  }
0x1eb: {  	v11 =	vadd.s32 v6, v19;
	v6 =	vadd.s32 v1, v22;
	v1 =	vand.u32 $0x7, v10  }
0x1ec: {  	s5 =	simm.s32 $0x9440;
	v10 =	vadd.s32 v7, v21;
	v7 =	vor.u32 v1, v5;
	v5 =	vor.u32 v12, v4  }
0x1ed: {  	s7 =	simm.s32 $0x80;
	s6 =	simm.s32 $0x0;
	v4 =	vor.u32 v13, v3;
	v3 =	vor.u32 v14, v11;
	v1 =	vor.u32 v16, v10;
	[tilespmem:s5+$0x30] =	vst v9  }
.LBB2_18:
0x1ee: {  	v9 =	vor.u32 s7, v0;
	s8 =	sadd.s32 $0x10, s7;
	s9 =	sadd.s32 $0x70, s7;
	s6 =	sadd.s32 $0x8, s6;
	v6 =	vor.u32 v8, v6  }
0x1ef: {  	s10 =	sadd.s32 $0x30, s7;
	v8 =	vmul.u32 $0x3B5D, v9;
	v10 =	vor.u32 s8, v0;
	s8 =	sadd.s32 $0x20, s7;
	v11 =	vor.u32 s9, v0;
	p0 =	slt.u32 s6, $0x448  }
0x1f0: {  	v13 =	vor.u32 s10, v0;
	s9 =	sadd.s32 $0x50, s7;
	s10 =	sadd.s32 $0x60, s7;
	v12 =	vor.u32 s8, v0;
	s8 =	sadd.s32 $0x40, s7;
	v14 =	vmul.u32 $0x3B5D, v11  }
0x1f1: {  	v16 =	vor.u32 s9, v0;
	v17 =	vor.u32 s10, v0;
	v15 =	vor.u32 s8, v0;
	v7 =	vld.idx.msk [tilespmem:v7+s24+$0x0], $0xffff  }
0x1f2: {  	v18 =	vmul.u32 $0x3B5D, v10;
	v19 =	vmul.u32 $0x3B5D, v12;
	v14 =	vshrl.u32 v14, $0x16;
	v5 =	vld.idx.msk [tilespmem:v5+s24+$0x0], $0xffff  }
0x1f3: {  	v20 =	vmul.u32 $0x3B5D, v13;
	v21 =	vmul.u32 $0x3B5D, v15;
	v22 =	vmul.u32 $0xFFFFFEEC, v14;
	v4 =	vld.idx.msk [tilespmem:v4+s24+$0x0], $0xffff  }
0x1f4: {  	v23 =	vmul.u32 $0x3B5D, v16;
	v24 =	vmul.u32 $0x3B5D, v17;
	v18 =	vshrl.u32 v18, $0x16;
	v3 =	vld.idx.msk [tilespmem:v3+s24+$0x0], $0xffff  }
0x1f5: {  	v19 =	vshrl.u32 v19, $0x16;
	v14 =	vmul.u32 $0x120, v14;
	v11 =	vadd.s32 v11, v22;
	v2 =	vld.idx.msk [tilespmem:v2+s24+$0x0], $0xffff  }
0x1f6: {  	v20 =	vshrl.u32 v20, $0x16;
	v21 =	vshrl.u32 v21, $0x16;
	v22 =	vand.u32 $0xFFFFFFF8, v11;
	v1 =	vld.idx.msk [tilespmem:v1+s24+$0x0], $0xffff  }
0x1f7: {  	v23 =	vshrl.u32 v23, $0x16;
	v11 =	vand.u32 $0x7, v11;
	v14 =	vadd.s32 v14, v22;
	v6 =	vld.idx.msk [tilespmem:v6+s24+$0x0], $0xffff;
	[tilespmem:s5+$0xFFFFFFD0] =	vst v7  }
0x1f8: {  	v7 =	vshrl.u32 v8, $0x16;
	v8 =	vshrl.u32 v24, $0x16;
	v11 =	vor.u32 v11, v14;
	[tilespmem:s5+$0xFFFFFFE0] =	vst v5  }
0x1f9: {  	v22 =	vmul.u32 $0xFFFFFEEC, v20;
	v5 =	vmul.u32 $0xFFFFFEEC, v18;
	v14 =	vmul.u32 $0xFFFFFEEC, v19;
	[tilespmem:s5+$0xFFFFFFF0] =	vst v4  }
0x1fa: {  	v24 =	vmul.u32 $0xFFFFFEEC, v23;
	v25 =	vmul.u32 $0xFFFFFEEC, v8;
	v4 =	vmul.u32 $0xFFFFFEEC, v21;
	[tilespmem:s5+$0x0] =	vst v3  }
0x1fb: {  	v3 =	vmul.u32 $0xFFFFFEEC, v7;
	v5 =	vadd.s32 v10, v5;
	v10 =	vadd.s32 v12, v14;
	[tilespmem:s5+$0x10] =	vst v2  }
0x1fc: {  	v12 =	vadd.s32 v16, v24;
	v2 =	vadd.s32 v13, v22;
	v4 =	vadd.s32 v15, v4;
	[tilespmem:s5+$0x20] =	vst v1  }
0x1fd: {  	v1 =	vadd.s32 v9, v3;
	v3 =	vmul.u32 $0x120, v18;
	v9 =	vadd.s32 v17, v25;
	v11 =	vld.idx.msk [tilespmem:v11+s24+$0x0], $0xffff;
	[tilespmem:s5+$0xFFFFFFC0] =	vst v6  }
0x1fe: {  	v14 =	vmul.u32 $0x120, v21;
	v13 =	vmul.u32 $0x120, v20;
	v6 =	vmul.u32 $0x120, v19  }
0x1ff: {  	v8 =	vmul.u32 $0x120, v8;
	v7 =	vmul.u32 $0x120, v7;
	v15 =	vmul.u32 $0x120, v23  }
0x200: {  	v16 =	vand.u32 $0xFFFFFFF8, v5;
	v17 =	vand.u32 $0xFFFFFFF8, v10;
	v18 =	vand.u32 $0xFFFFFFF8, v2  }
0x201: {  	v20 =	vand.u32 $0xFFFFFFF8, v12;
	v19 =	vand.u32 $0xFFFFFFF8, v4;
	v21 =	vand.u32 $0xFFFFFFF8, v9  }
0x202: {  	v22 =	vand.u32 $0xFFFFFFF8, v1;
	s5 =	sadd.s32 $0x80, s5;
	v3 =	vadd.s32 v3, v16;
	v16 =	vadd.s32 v6, v17  }
0x203: {  	v13 =	vadd.s32 v13, v18;
	v15 =	vadd.s32 v15, v20;
	v14 =	vadd.s32 v14, v19;
	[tilespmem:s5+$0x30] =	vst v11  }
.Ltmp8:
0x204: {  	v5 =	vand.u32 $0x7, v5;
	v6 =	vadd.s32 v7, v22;
	v11 =	vadd.s32 v8, v21;
	(pc) =	sbr.rel @p0 .LBB2_18-.Ltmp8, $4  }
0x205: {  	v10 =	vand.u32 $0x7, v10;
	v2 =	vand.u32 $0x7, v2;
	v17 =	vand.u32 $0x7, v4  }
0x206: {  	v9 =	vand.u32 $0x7, v9;
	v8 =	vand.u32 $0x7, v1;
	v1 =	vand.u32 $0x7, v12  }
0x207: {  	v7 =	vor.u32 v5, v3;
	v4 =	vor.u32 v2, v13;
	v5 =	vor.u32 v10, v16  }
0x208: {  	s7 =	sadd.s32 $0x80, s7;
	v3 =	vor.u32 v17, v14;
	v2 =	vor.u32 v1, v15;
	v1 =	vor.u32 v9, v11  }
0x209: {  	_ =	sdelay $0x3  }
0x20a: {  	s6 =	simm.s32 $0x0;
	v7 =	vld.idx.msk [tilespmem:v7+s24+$0x0], $0xffff  }
0x20b: {  	v6 =	vor.u32 v8, v6;
	s7 =	simm.s32 $0x10;
	s8 =	simm.s32 $0x70;
	v5 =	vld.idx.msk [tilespmem:v5+s24+$0x0], $0xffff;
	s10 =	simm.s32 $0x20;
	v8 =	vor.u32 s6, v0  }
0x20c: {  	s9 =	simm.s32 $0x30;
	v4 =	vld.idx.msk [tilespmem:v4+s24+$0x0], $0xffff;
	v10 =	vor.u32 s7, v0;
	v11 =	vor.u32 s8, v0;
	v12 =	vor.u32 s10, v0  }
0x20d: {  	v2 =	vld.idx.msk [tilespmem:v2+s24+$0x0], $0xffff;
	v13 =	vor.u32 s9, v0;
	s8 =	simm.s32 $0x40;
	s9 =	simm.s32 $0x50;
	s10 =	simm.s32 $0x60;
	v9 =	vmul.u32 $0x3B5D, v8;
	v14 =	vmul.u32 $0x3B5D, v11  }
0x20e: {  	v1 =	vld.idx.msk [tilespmem:v1+s24+$0x0], $0xffff;
	v15 =	vor.u32 s8, v0;
	v16 =	vor.u32 s9, v0;
	v17 =	vor.u32 s10, v0  }
0x20f: {  	v18 =	vmul.u32 $0x3B5D, v10;
	v19 =	vmul.u32 $0x3B5D, v12;
	v20 =	vmul.u32 $0x3B5D, v15;
	[tilespmem:s5+$0xFFFFFFD0] =	vst v7  }
0x210: {  	v3 =	vld.idx.msk [tilespmem:v3+s24+$0x0], $0xffff;
	v52 =	vmul.u32 $0x3B5D, v16;
	v22 =	vmul.u32 $0x3B5D, v17;
	v14 =	vshrl.u32 v14, $0x16;
	[tilespmem:s5+$0xFFFFFFE0] =	vst v5  }
0x211: {  	v7 =	vmul.u32 $0x3B5D, v13;
	v21 =	vmul.u32 $0xFFFFFEEC, v14;
	v6 =	vld.idx.msk [tilespmem:v6+s24+$0x0], $0xffff;
	v5 =	vshrl.u32 v18, $0x16;
	[tilespmem:s5+$0xFFFFFFF0] =	vst v4  }
0x212: {  	v4 =	vshrl.u32 v19, $0x16;
	v14 =	vmul.u32 $0x120, v14;
	[tilespmem:s5+$0x10] =	vst v2;
	v2 =	vshrl.u32 v52, $0x16  }
0x213: {  	[tilespmem:s5+$0x20] =	vst v1;
	v1 =	vshrl.u32 v9, $0x16;
	v9 =	vshrl.u32 v22, $0x16;
	v54 =	vmul.u32 $0xFFFFFEEC, v4  }
0x214: {  	v57 =	vmul.u32 $0xFFFFFEEC, v2;
	v58 =	vmul.u32 $0xFFFFFEEC, v9;
	v59 =	vmul.u32 $0xFFFFFEEC, v1  }
0x215: {  	[tilespmem:s5+$0x0] =	vst v3;
	v4 =	vmul.u32 $0x120, v4;
	v1 =	vmul.u32 $0x120, v1;
	v2 =	vmul.u32 $0x120, v2  }
0x216: {  	v11 =	vadd.s32 v11, v21;
	v3 =	vshrl.u32 v7, $0x16;
	v7 =	vshrl.u32 v20, $0x16;
	[tilespmem:s5+$0xFFFFFFC0] =	vst v6  }
0x217: {  	v53 =	vand.u32 $0xFFFFFFF8, v11;
	v11 =	vand.u32 $0x7, v11;
	v55 =	vmul.u32 $0xFFFFFEEC, v3;
	[hbm4b:s13+s6] =	stream.linear.scatter [tilespmem:s28], [sflag:$0x3], $0x4500, $0x38;
	[tilespmem:$0x11E00] =	vst v63  }
0x218: {  	s10 =	simm.s32 $0x280;
	v56 =	vmul.u32 $0xFFFFFEEC, v7;
	v12 =	vadd.s32 v12, v54;
	v61 =	vadd.s32 v16, v57  }
0x219: {  	v8 =	vadd.s32 v8, v59;
	v62 =	vadd.s32 v17, v58;
	v3 =	vmul.u32 $0x120, v3;
	[tilespmem:s24], [sflag:$0x1] =	stream.indirect.gather [hbm4b:s3+s23], $0x120, s10, s23, $0xb8;
	[tilespmem:$0x11E00] =	vst v63  }
0x21a: {  	v14 =	vadd.s32 v14, v53;
	v63 =	vand.u32 $0xFFFFFFF8, v12;
	v20 =	vand.u32 $0xFFFFFFF8, v61;
	_ =	swait.ge [sflag:s1], $0x4500  }
0x21b: {  	v21 =	vand.u32 $0xFFFFFFF8, v62;
	v22 =	vand.u32 $0xFFFFFFF8, v8;
	v11 =	vor.u32 v11, v14;
	[sflag:s1] =	ssyncset.done $0x0  }
0x21c: {  	v12 =	vand.u32 $0x7, v12;
	v8 =	vand.u32 $0x7, v8;
	v6 =	vmul.u32 $0xFFFFFEEC, v5;
	[sflag:s1] =	ssyncadd.s32 $0xFFFFBB00  }
0x21d: {  	v16 =	vand.u32 $0x7, v62;
	v13 =	vadd.s32 v13, v55;
	v60 =	vadd.s32 v15, v56;
	_ =	swait.ge [sflag:s30], $0x4800  }
0x21e: {  	v5 =	vmul.u32 $0x120, v5;
	v4 =	vadd.s32 v4, v63;
	v10 =	vadd.s32 v10, v6;
	[sflag:s30] =	ssyncset.done $0x0  }
0x21f: {  	v6 =	vmul.u32 $0x120, v7;
	v7 =	vmul.u32 $0x120, v9;
	v9 =	vand.u32 $0xFFFFFFF8, v10;
	[sflag:s30] =	ssyncadd.s32 $0xFFFFB800  }
0x220: {  	v2 =	vadd.s32 v2, v20;
	v15 =	vand.u32 $0x7, v61;
	v5 =	vadd.s32 v5, v9;
	v9 =	vld.idx.msk [tilespmem:v11+s25+$0x0], $0xffff  }
0x221: {  	v18 =	vand.u32 $0xFFFFFFF8, v13;
	v19 =	vand.u32 $0xFFFFFFF8, v60;
	v13 =	vand.u32 $0x7, v13  }
0x222: {  	v14 =	vand.u32 $0x7, v60;
	v2 =	vor.u32 v15, v2;
	v3 =	vadd.s32 v3, v18  }
0x223: {  	v11 =	vadd.s32 v6, v19;
	v6 =	vadd.s32 v1, v22;
	v1 =	vand.u32 $0x7, v10  }
0x224: {  	s5 =	simm.s32 $0xD940;
	v10 =	vadd.s32 v7, v21;
	v7 =	vor.u32 v1, v5;
	v5 =	vor.u32 v12, v4  }
0x225: {  	s7 =	simm.s32 $0x80;
	s6 =	simm.s32 $0x0;
	v4 =	vor.u32 v13, v3;
	v3 =	vor.u32 v14, v11;
	v1 =	vor.u32 v16, v10;
	[tilespmem:s5+$0x30] =	vst v9  }
.LBB2_20:
0x226: {  	v9 =	vor.u32 s7, v0;
	s8 =	sadd.s32 $0x10, s7;
	s9 =	sadd.s32 $0x70, s7;
	s6 =	sadd.s32 $0x8, s6;
	v6 =	vor.u32 v8, v6  }
0x227: {  	s10 =	sadd.s32 $0x30, s7;
	v8 =	vmul.u32 $0x3B5D, v9;
	v10 =	vor.u32 s8, v0;
	s8 =	sadd.s32 $0x20, s7;
	v11 =	vor.u32 s9, v0;
	p0 =	slt.u32 s6, $0x448  }
0x228: {  	v13 =	vor.u32 s10, v0;
	s9 =	sadd.s32 $0x50, s7;
	s10 =	sadd.s32 $0x60, s7;
	v12 =	vor.u32 s8, v0;
	s8 =	sadd.s32 $0x40, s7;
	v14 =	vmul.u32 $0x3B5D, v11  }
0x229: {  	v16 =	vor.u32 s9, v0;
	v17 =	vor.u32 s10, v0;
	v15 =	vor.u32 s8, v0;
	v7 =	vld.idx.msk [tilespmem:v7+s25+$0x0], $0xffff  }
0x22a: {  	v18 =	vmul.u32 $0x3B5D, v10;
	v19 =	vmul.u32 $0x3B5D, v12;
	v14 =	vshrl.u32 v14, $0x16;
	v5 =	vld.idx.msk [tilespmem:v5+s25+$0x0], $0xffff  }
0x22b: {  	v20 =	vmul.u32 $0x3B5D, v13;
	v21 =	vmul.u32 $0x3B5D, v15;
	v22 =	vmul.u32 $0xFFFFFEEC, v14;
	v4 =	vld.idx.msk [tilespmem:v4+s25+$0x0], $0xffff  }
0x22c: {  	v23 =	vmul.u32 $0x3B5D, v16;
	v24 =	vmul.u32 $0x3B5D, v17;
	v18 =	vshrl.u32 v18, $0x16;
	v3 =	vld.idx.msk [tilespmem:v3+s25+$0x0], $0xffff  }
0x22d: {  	v19 =	vshrl.u32 v19, $0x16;
	v14 =	vmul.u32 $0x120, v14;
	v11 =	vadd.s32 v11, v22;
	v2 =	vld.idx.msk [tilespmem:v2+s25+$0x0], $0xffff  }
0x22e: {  	v20 =	vshrl.u32 v20, $0x16;
	v21 =	vshrl.u32 v21, $0x16;
	v22 =	vand.u32 $0xFFFFFFF8, v11;
	v1 =	vld.idx.msk [tilespmem:v1+s25+$0x0], $0xffff  }
0x22f: {  	v23 =	vshrl.u32 v23, $0x16;
	v11 =	vand.u32 $0x7, v11;
	v14 =	vadd.s32 v14, v22;
	v6 =	vld.idx.msk [tilespmem:v6+s25+$0x0], $0xffff;
	[tilespmem:s5+$0xFFFFFFD0] =	vst v7  }
0x230: {  	v7 =	vshrl.u32 v8, $0x16;
	v8 =	vshrl.u32 v24, $0x16;
	v11 =	vor.u32 v11, v14;
	[tilespmem:s5+$0xFFFFFFE0] =	vst v5  }
0x231: {  	v22 =	vmul.u32 $0xFFFFFEEC, v20;
	v5 =	vmul.u32 $0xFFFFFEEC, v18;
	v14 =	vmul.u32 $0xFFFFFEEC, v19;
	[tilespmem:s5+$0xFFFFFFF0] =	vst v4  }
0x232: {  	v24 =	vmul.u32 $0xFFFFFEEC, v23;
	v25 =	vmul.u32 $0xFFFFFEEC, v8;
	v4 =	vmul.u32 $0xFFFFFEEC, v21;
	[tilespmem:s5+$0x0] =	vst v3  }
0x233: {  	v3 =	vmul.u32 $0xFFFFFEEC, v7;
	v5 =	vadd.s32 v10, v5;
	v10 =	vadd.s32 v12, v14;
	[tilespmem:s5+$0x10] =	vst v2  }
0x234: {  	v12 =	vadd.s32 v16, v24;
	v2 =	vadd.s32 v13, v22;
	v4 =	vadd.s32 v15, v4;
	[tilespmem:s5+$0x20] =	vst v1  }
0x235: {  	v1 =	vadd.s32 v9, v3;
	v3 =	vmul.u32 $0x120, v18;
	v9 =	vadd.s32 v17, v25;
	v11 =	vld.idx.msk [tilespmem:v11+s25+$0x0], $0xffff;
	[tilespmem:s5+$0xFFFFFFC0] =	vst v6  }
0x236: {  	v14 =	vmul.u32 $0x120, v21;
	v13 =	vmul.u32 $0x120, v20;
	v6 =	vmul.u32 $0x120, v19  }
0x237: {  	v8 =	vmul.u32 $0x120, v8;
	v7 =	vmul.u32 $0x120, v7;
	v15 =	vmul.u32 $0x120, v23  }
0x238: {  	v16 =	vand.u32 $0xFFFFFFF8, v5;
	v17 =	vand.u32 $0xFFFFFFF8, v10;
	v18 =	vand.u32 $0xFFFFFFF8, v2  }
0x239: {  	v20 =	vand.u32 $0xFFFFFFF8, v12;
	v19 =	vand.u32 $0xFFFFFFF8, v4;
	v21 =	vand.u32 $0xFFFFFFF8, v9  }
0x23a: {  	v22 =	vand.u32 $0xFFFFFFF8, v1;
	s5 =	sadd.s32 $0x80, s5;
	v3 =	vadd.s32 v3, v16;
	v16 =	vadd.s32 v6, v17  }
0x23b: {  	v13 =	vadd.s32 v13, v18;
	v15 =	vadd.s32 v15, v20;
	v14 =	vadd.s32 v14, v19;
	[tilespmem:s5+$0x30] =	vst v11  }
.Ltmp9:
0x23c: {  	v5 =	vand.u32 $0x7, v5;
	v6 =	vadd.s32 v7, v22;
	v11 =	vadd.s32 v8, v21;
	(pc) =	sbr.rel @p0 .LBB2_20-.Ltmp9, $4  }
0x23d: {  	v10 =	vand.u32 $0x7, v10;
	v2 =	vand.u32 $0x7, v2;
	v17 =	vand.u32 $0x7, v4  }
0x23e: {  	v9 =	vand.u32 $0x7, v9;
	v8 =	vand.u32 $0x7, v1;
	v1 =	vand.u32 $0x7, v12  }
0x23f: {  	v7 =	vor.u32 v5, v3;
	v4 =	vor.u32 v2, v13;
	v5 =	vor.u32 v10, v16  }
0x240: {  	s7 =	sadd.s32 $0x80, s7;
	v3 =	vor.u32 v17, v14;
	v2 =	vor.u32 v1, v15;
	v1 =	vor.u32 v9, v11  }
0x241: {  	_ =	sdelay $0x3  }
0x242: {  	s6 =	simm.s32 $0x0;
	v7 =	vld.idx.msk [tilespmem:v7+s25+$0x0], $0xffff  }
0x243: {  	v6 =	vor.u32 v8, v6;
	s7 =	simm.s32 $0x10;
	s8 =	simm.s32 $0x70;
	v5 =	vld.idx.msk [tilespmem:v5+s25+$0x0], $0xffff;
	s10 =	simm.s32 $0x20;
	v8 =	vor.u32 s6, v0  }
0x244: {  	s9 =	simm.s32 $0x30;
	v4 =	vld.idx.msk [tilespmem:v4+s25+$0x0], $0xffff;
	v10 =	vor.u32 s7, v0;
	v11 =	vor.u32 s8, v0;
	v12 =	vor.u32 s10, v0  }
0x245: {  	v2 =	vld.idx.msk [tilespmem:v2+s25+$0x0], $0xffff;
	v13 =	vor.u32 s9, v0;
	s8 =	simm.s32 $0x40;
	s9 =	simm.s32 $0x50;
	s10 =	simm.s32 $0x60;
	v9 =	vmul.u32 $0x3B5D, v8;
	v14 =	vmul.u32 $0x3B5D, v11  }
0x246: {  	v1 =	vld.idx.msk [tilespmem:v1+s25+$0x0], $0xffff;
	v15 =	vor.u32 s8, v0;
	v16 =	vor.u32 s9, v0;
	v17 =	vor.u32 s10, v0  }
0x247: {  	v18 =	vmul.u32 $0x3B5D, v10;
	v19 =	vmul.u32 $0x3B5D, v12;
	v20 =	vmul.u32 $0x3B5D, v15;
	[tilespmem:s5+$0xFFFFFFD0] =	vst v7  }
0x248: {  	v3 =	vld.idx.msk [tilespmem:v3+s25+$0x0], $0xffff;
	v52 =	vmul.u32 $0x3B5D, v16;
	v22 =	vmul.u32 $0x3B5D, v17;
	v14 =	vshrl.u32 v14, $0x16;
	[tilespmem:s5+$0xFFFFFFE0] =	vst v5  }
0x249: {  	v7 =	vmul.u32 $0x3B5D, v13;
	v21 =	vmul.u32 $0xFFFFFEEC, v14;
	v6 =	vld.idx.msk [tilespmem:v6+s25+$0x0], $0xffff;
	v5 =	vshrl.u32 v18, $0x16;
	[tilespmem:s5+$0xFFFFFFF0] =	vst v4  }
0x24a: {  	v4 =	vshrl.u32 v19, $0x16;
	v14 =	vmul.u32 $0x120, v14;
	[tilespmem:s5+$0x10] =	vst v2;
	v2 =	vshrl.u32 v52, $0x16  }
0x24b: {  	[tilespmem:s5+$0x20] =	vst v1;
	v1 =	vshrl.u32 v9, $0x16;
	v9 =	vshrl.u32 v22, $0x16;
	v54 =	vmul.u32 $0xFFFFFEEC, v4  }
0x24c: {  	v57 =	vmul.u32 $0xFFFFFEEC, v2;
	v58 =	vmul.u32 $0xFFFFFEEC, v9;
	v59 =	vmul.u32 $0xFFFFFEEC, v1  }
0x24d: {  	[tilespmem:s5+$0x0] =	vst v3;
	v4 =	vmul.u32 $0x120, v4;
	v1 =	vmul.u32 $0x120, v1;
	v2 =	vmul.u32 $0x120, v2  }
0x24e: {  	v11 =	vadd.s32 v11, v21;
	v3 =	vshrl.u32 v7, $0x16;
	v7 =	vshrl.u32 v20, $0x16;
	[tilespmem:s5+$0xFFFFFFC0] =	vst v6  }
0x24f: {  	v53 =	vand.u32 $0xFFFFFFF8, v11;
	v11 =	vand.u32 $0x7, v11;
	v55 =	vmul.u32 $0xFFFFFEEC, v3;
	[hbm4b:s14+s6] =	stream.linear.scatter [tilespmem:s31], [sflag:$0x4], $0x4500, $0x38;
	[tilespmem:$0x11E00] =	vst v63  }
0x250: {  	s10 =	simm.s32 $0x2C0;
	v56 =	vmul.u32 $0xFFFFFEEC, v7;
	v12 =	vadd.s32 v12, v54;
	v61 =	vadd.s32 v16, v57  }
0x251: {  	v8 =	vadd.s32 v8, v59;
	v62 =	vadd.s32 v17, v58;
	v3 =	vmul.u32 $0x120, v3;
	[tilespmem:s25], [sflag:$0x2] =	stream.indirect.gather [hbm4b:s3+s23], $0x120, s10, s23, $0xb8;
	[tilespmem:$0x11E00] =	vst v63  }
0x252: {  	v14 =	vadd.s32 v14, v53;
	v63 =	vand.u32 $0xFFFFFFF8, v12;
	v20 =	vand.u32 $0xFFFFFFF8, v61;
	_ =	swait.ge [sflag:s0], $0x4500  }
0x253: {  	v21 =	vand.u32 $0xFFFFFFF8, v62;
	v22 =	vand.u32 $0xFFFFFFF8, v8;
	v11 =	vor.u32 v11, v14;
	[sflag:s0] =	ssyncset.done $0x0  }
0x254: {  	v12 =	vand.u32 $0x7, v12;
	v8 =	vand.u32 $0x7, v8;
	v6 =	vmul.u32 $0xFFFFFEEC, v5;
	[sflag:s0] =	ssyncadd.s32 $0xFFFFBB00  }
0x255: {  	v16 =	vand.u32 $0x7, v62;
	v13 =	vadd.s32 v13, v55;
	v60 =	vadd.s32 v15, v56;
	_ =	swait.ge [sflag:s26], $0x4800  }
0x256: {  	v5 =	vmul.u32 $0x120, v5;
	v4 =	vadd.s32 v4, v63;
	v10 =	vadd.s32 v10, v6;
	[sflag:s26] =	ssyncset.done $0x0  }
0x257: {  	v6 =	vmul.u32 $0x120, v7;
	v7 =	vmul.u32 $0x120, v9;
	v9 =	vand.u32 $0xFFFFFFF8, v10;
	[sflag:s26] =	ssyncadd.s32 $0xFFFFB800  }
0x258: {  	v2 =	vadd.s32 v2, v20;
	v15 =	vand.u32 $0x7, v61;
	v5 =	vadd.s32 v5, v9;
	v9 =	vld.idx.msk [tilespmem:v11+s24+$0x0], $0xffff  }
0x259: {  	v18 =	vand.u32 $0xFFFFFFF8, v13;
	v19 =	vand.u32 $0xFFFFFFF8, v60;
	v13 =	vand.u32 $0x7, v13  }
0x25a: {  	v14 =	vand.u32 $0x7, v60;
	v2 =	vor.u32 v15, v2;
	v3 =	vadd.s32 v3, v18  }
0x25b: {  	v11 =	vadd.s32 v6, v19;
	v6 =	vadd.s32 v1, v22;
	v1 =	vand.u32 $0x7, v10  }
0x25c: {  	s5 =	simm.s32 $0x9440;
	v10 =	vadd.s32 v7, v21;
	v7 =	vor.u32 v1, v5;
	v5 =	vor.u32 v12, v4  }
0x25d: {  	s7 =	simm.s32 $0x80;
	s6 =	simm.s32 $0x0;
	v4 =	vor.u32 v13, v3;
	v3 =	vor.u32 v14, v11;
	v1 =	vor.u32 v16, v10;
	[tilespmem:s5+$0x30] =	vst v9  }
.LBB2_22:
0x25e: {  	v9 =	vor.u32 s7, v0;
	s8 =	sadd.s32 $0x10, s7;
	s9 =	sadd.s32 $0x70, s7;
	s6 =	sadd.s32 $0x8, s6;
	v6 =	vor.u32 v8, v6  }
0x25f: {  	s10 =	sadd.s32 $0x30, s7;
	v8 =	vmul.u32 $0x3B5D, v9;
	v10 =	vor.u32 s8, v0;
	s8 =	sadd.s32 $0x20, s7;
	v11 =	vor.u32 s9, v0;
	p0 =	slt.u32 s6, $0x448  }
0x260: {  	v13 =	vor.u32 s10, v0;
	s9 =	sadd.s32 $0x50, s7;
	s10 =	sadd.s32 $0x60, s7;
	v12 =	vor.u32 s8, v0;
	s8 =	sadd.s32 $0x40, s7;
	v14 =	vmul.u32 $0x3B5D, v11  }
0x261: {  	v16 =	vor.u32 s9, v0;
	v17 =	vor.u32 s10, v0;
	v15 =	vor.u32 s8, v0;
	v7 =	vld.idx.msk [tilespmem:v7+s24+$0x0], $0xffff  }
0x262: {  	v18 =	vmul.u32 $0x3B5D, v10;
	v19 =	vmul.u32 $0x3B5D, v12;
	v14 =	vshrl.u32 v14, $0x16;
	v5 =	vld.idx.msk [tilespmem:v5+s24+$0x0], $0xffff  }
0x263: {  	v20 =	vmul.u32 $0x3B5D, v13;
	v21 =	vmul.u32 $0x3B5D, v15;
	v22 =	vmul.u32 $0xFFFFFEEC, v14;
	v4 =	vld.idx.msk [tilespmem:v4+s24+$0x0], $0xffff  }
0x264: {  	v23 =	vmul.u32 $0x3B5D, v16;
	v24 =	vmul.u32 $0x3B5D, v17;
	v18 =	vshrl.u32 v18, $0x16;
	v3 =	vld.idx.msk [tilespmem:v3+s24+$0x0], $0xffff  }
0x265: {  	v19 =	vshrl.u32 v19, $0x16;
	v14 =	vmul.u32 $0x120, v14;
	v11 =	vadd.s32 v11, v22;
	v2 =	vld.idx.msk [tilespmem:v2+s24+$0x0], $0xffff  }
0x266: {  	v20 =	vshrl.u32 v20, $0x16;
	v21 =	vshrl.u32 v21, $0x16;
	v22 =	vand.u32 $0xFFFFFFF8, v11;
	v1 =	vld.idx.msk [tilespmem:v1+s24+$0x0], $0xffff  }
0x267: {  	v23 =	vshrl.u32 v23, $0x16;
	v11 =	vand.u32 $0x7, v11;
	v14 =	vadd.s32 v14, v22;
	v6 =	vld.idx.msk [tilespmem:v6+s24+$0x0], $0xffff;
	[tilespmem:s5+$0xFFFFFFD0] =	vst v7  }
0x268: {  	v7 =	vshrl.u32 v8, $0x16;
	v8 =	vshrl.u32 v24, $0x16;
	v11 =	vor.u32 v11, v14;
	[tilespmem:s5+$0xFFFFFFE0] =	vst v5  }
0x269: {  	v22 =	vmul.u32 $0xFFFFFEEC, v20;
	v5 =	vmul.u32 $0xFFFFFEEC, v18;
	v14 =	vmul.u32 $0xFFFFFEEC, v19;
	[tilespmem:s5+$0xFFFFFFF0] =	vst v4  }
0x26a: {  	v24 =	vmul.u32 $0xFFFFFEEC, v23;
	v25 =	vmul.u32 $0xFFFFFEEC, v8;
	v4 =	vmul.u32 $0xFFFFFEEC, v21;
	[tilespmem:s5+$0x0] =	vst v3  }
0x26b: {  	v3 =	vmul.u32 $0xFFFFFEEC, v7;
	v5 =	vadd.s32 v10, v5;
	v10 =	vadd.s32 v12, v14;
	[tilespmem:s5+$0x10] =	vst v2  }
0x26c: {  	v12 =	vadd.s32 v16, v24;
	v2 =	vadd.s32 v13, v22;
	v4 =	vadd.s32 v15, v4;
	[tilespmem:s5+$0x20] =	vst v1  }
0x26d: {  	v1 =	vadd.s32 v9, v3;
	v3 =	vmul.u32 $0x120, v18;
	v9 =	vadd.s32 v17, v25;
	v11 =	vld.idx.msk [tilespmem:v11+s24+$0x0], $0xffff;
	[tilespmem:s5+$0xFFFFFFC0] =	vst v6  }
0x26e: {  	v14 =	vmul.u32 $0x120, v21;
	v13 =	vmul.u32 $0x120, v20;
	v6 =	vmul.u32 $0x120, v19  }
0x26f: {  	v8 =	vmul.u32 $0x120, v8;
	v7 =	vmul.u32 $0x120, v7;
	v15 =	vmul.u32 $0x120, v23  }
0x270: {  	v16 =	vand.u32 $0xFFFFFFF8, v5;
	v17 =	vand.u32 $0xFFFFFFF8, v10;
	v18 =	vand.u32 $0xFFFFFFF8, v2  }
0x271: {  	v20 =	vand.u32 $0xFFFFFFF8, v12;
	v19 =	vand.u32 $0xFFFFFFF8, v4;
	v21 =	vand.u32 $0xFFFFFFF8, v9  }
0x272: {  	v22 =	vand.u32 $0xFFFFFFF8, v1;
	s5 =	sadd.s32 $0x80, s5;
	v3 =	vadd.s32 v3, v16;
	v16 =	vadd.s32 v6, v17  }
0x273: {  	v13 =	vadd.s32 v13, v18;
	v15 =	vadd.s32 v15, v20;
	v14 =	vadd.s32 v14, v19;
	[tilespmem:s5+$0x30] =	vst v11  }
.Ltmp10:
0x274: {  	v5 =	vand.u32 $0x7, v5;
	v6 =	vadd.s32 v7, v22;
	v11 =	vadd.s32 v8, v21;
	(pc) =	sbr.rel @p0 .LBB2_22-.Ltmp10, $4  }
0x275: {  	v10 =	vand.u32 $0x7, v10;
	v2 =	vand.u32 $0x7, v2;
	v17 =	vand.u32 $0x7, v4  }
0x276: {  	v9 =	vand.u32 $0x7, v9;
	v8 =	vand.u32 $0x7, v1;
	v1 =	vand.u32 $0x7, v12  }
0x277: {  	v7 =	vor.u32 v5, v3;
	v4 =	vor.u32 v2, v13;
	v5 =	vor.u32 v10, v16  }
0x278: {  	s7 =	sadd.s32 $0x80, s7;
	v3 =	vor.u32 v17, v14;
	v2 =	vor.u32 v1, v15;
	v1 =	vor.u32 v9, v11  }
0x279: {  	_ =	sdelay $0x3  }
0x27a: {  	s6 =	simm.s32 $0x0;
	v7 =	vld.idx.msk [tilespmem:v7+s24+$0x0], $0xffff  }
0x27b: {  	v6 =	vor.u32 v8, v6;
	s7 =	simm.s32 $0x10;
	s8 =	simm.s32 $0x70;
	v5 =	vld.idx.msk [tilespmem:v5+s24+$0x0], $0xffff;
	s10 =	simm.s32 $0x20;
	v8 =	vor.u32 s6, v0  }
0x27c: {  	s9 =	simm.s32 $0x30;
	v4 =	vld.idx.msk [tilespmem:v4+s24+$0x0], $0xffff;
	v10 =	vor.u32 s7, v0;
	v11 =	vor.u32 s8, v0;
	v12 =	vor.u32 s10, v0  }
0x27d: {  	v2 =	vld.idx.msk [tilespmem:v2+s24+$0x0], $0xffff;
	v13 =	vor.u32 s9, v0;
	s8 =	simm.s32 $0x40;
	s9 =	simm.s32 $0x50;
	s10 =	simm.s32 $0x60;
	v9 =	vmul.u32 $0x3B5D, v8;
	v14 =	vmul.u32 $0x3B5D, v11  }
0x27e: {  	v1 =	vld.idx.msk [tilespmem:v1+s24+$0x0], $0xffff;
	v15 =	vor.u32 s8, v0;
	v16 =	vor.u32 s9, v0;
	v17 =	vor.u32 s10, v0  }
0x27f: {  	v18 =	vmul.u32 $0x3B5D, v10;
	v19 =	vmul.u32 $0x3B5D, v12;
	v20 =	vmul.u32 $0x3B5D, v15;
	[tilespmem:s5+$0xFFFFFFD0] =	vst v7  }
0x280: {  	v3 =	vld.idx.msk [tilespmem:v3+s24+$0x0], $0xffff;
	v52 =	vmul.u32 $0x3B5D, v16;
	v22 =	vmul.u32 $0x3B5D, v17;
	v14 =	vshrl.u32 v14, $0x16;
	[tilespmem:s5+$0xFFFFFFE0] =	vst v5  }
0x281: {  	v7 =	vmul.u32 $0x3B5D, v13;
	v21 =	vmul.u32 $0xFFFFFEEC, v14;
	v6 =	vld.idx.msk [tilespmem:v6+s24+$0x0], $0xffff;
	v5 =	vshrl.u32 v18, $0x16;
	[tilespmem:s5+$0xFFFFFFF0] =	vst v4  }
0x282: {  	v4 =	vshrl.u32 v19, $0x16;
	v14 =	vmul.u32 $0x120, v14;
	[tilespmem:s5+$0x10] =	vst v2;
	v2 =	vshrl.u32 v52, $0x16  }
0x283: {  	[tilespmem:s5+$0x20] =	vst v1;
	v1 =	vshrl.u32 v9, $0x16;
	v9 =	vshrl.u32 v22, $0x16;
	v54 =	vmul.u32 $0xFFFFFEEC, v4  }
0x284: {  	v57 =	vmul.u32 $0xFFFFFEEC, v2;
	v58 =	vmul.u32 $0xFFFFFEEC, v9;
	v59 =	vmul.u32 $0xFFFFFEEC, v1  }
0x285: {  	[tilespmem:s5+$0x0] =	vst v3;
	v4 =	vmul.u32 $0x120, v4;
	v1 =	vmul.u32 $0x120, v1;
	v2 =	vmul.u32 $0x120, v2  }
0x286: {  	v11 =	vadd.s32 v11, v21;
	v3 =	vshrl.u32 v7, $0x16;
	v7 =	vshrl.u32 v20, $0x16;
	[tilespmem:s5+$0xFFFFFFC0] =	vst v6  }
0x287: {  	v53 =	vand.u32 $0xFFFFFFF8, v11;
	v11 =	vand.u32 $0x7, v11;
	v55 =	vmul.u32 $0xFFFFFEEC, v3;
	[hbm4b:s15+s6] =	stream.linear.scatter [tilespmem:s28], [sflag:$0x3], $0x4500, $0x38;
	[tilespmem:$0x11E00] =	vst v63  }
0x288: {  	s10 =	simm.s32 $0x300;
	v56 =	vmul.u32 $0xFFFFFEEC, v7;
	v12 =	vadd.s32 v12, v54;
	v61 =	vadd.s32 v16, v57  }
0x289: {  	v8 =	vadd.s32 v8, v59;
	v62 =	vadd.s32 v17, v58;
	v3 =	vmul.u32 $0x120, v3;
	[tilespmem:s24], [sflag:$0x1] =	stream.indirect.gather [hbm4b:s3+s23], $0x120, s10, s23, $0xb8;
	[tilespmem:$0x11E00] =	vst v63  }
0x28a: {  	v14 =	vadd.s32 v14, v53;
	v63 =	vand.u32 $0xFFFFFFF8, v12;
	v20 =	vand.u32 $0xFFFFFFF8, v61;
	_ =	swait.ge [sflag:s1], $0x4500  }
0x28b: {  	v21 =	vand.u32 $0xFFFFFFF8, v62;
	v22 =	vand.u32 $0xFFFFFFF8, v8;
	v11 =	vor.u32 v11, v14;
	[sflag:s1] =	ssyncset.done $0x0  }
0x28c: {  	v12 =	vand.u32 $0x7, v12;
	v8 =	vand.u32 $0x7, v8;
	v6 =	vmul.u32 $0xFFFFFEEC, v5;
	[sflag:s1] =	ssyncadd.s32 $0xFFFFBB00  }
0x28d: {  	v16 =	vand.u32 $0x7, v62;
	v13 =	vadd.s32 v13, v55;
	v60 =	vadd.s32 v15, v56;
	_ =	swait.ge [sflag:s30], $0x4800  }
0x28e: {  	v5 =	vmul.u32 $0x120, v5;
	v4 =	vadd.s32 v4, v63;
	v10 =	vadd.s32 v10, v6;
	[sflag:s30] =	ssyncset.done $0x0  }
0x28f: {  	v6 =	vmul.u32 $0x120, v7;
	v7 =	vmul.u32 $0x120, v9;
	v9 =	vand.u32 $0xFFFFFFF8, v10;
	[sflag:s30] =	ssyncadd.s32 $0xFFFFB800  }
0x290: {  	v2 =	vadd.s32 v2, v20;
	v15 =	vand.u32 $0x7, v61;
	v5 =	vadd.s32 v5, v9;
	v9 =	vld.idx.msk [tilespmem:v11+s25+$0x0], $0xffff  }
0x291: {  	v18 =	vand.u32 $0xFFFFFFF8, v13;
	v19 =	vand.u32 $0xFFFFFFF8, v60;
	v13 =	vand.u32 $0x7, v13  }
0x292: {  	v14 =	vand.u32 $0x7, v60;
	v2 =	vor.u32 v15, v2;
	v3 =	vadd.s32 v3, v18  }
0x293: {  	v11 =	vadd.s32 v6, v19;
	v6 =	vadd.s32 v1, v22;
	v1 =	vand.u32 $0x7, v10  }
0x294: {  	s5 =	simm.s32 $0xD940;
	v10 =	vadd.s32 v7, v21;
	v7 =	vor.u32 v1, v5;
	v5 =	vor.u32 v12, v4  }
0x295: {  	s7 =	simm.s32 $0x80;
	s6 =	simm.s32 $0x0;
	v4 =	vor.u32 v13, v3;
	v3 =	vor.u32 v14, v11;
	v1 =	vor.u32 v16, v10;
	[tilespmem:s5+$0x30] =	vst v9  }
.LBB2_24:
0x296: {  	v9 =	vor.u32 s7, v0;
	s8 =	sadd.s32 $0x10, s7;
	s9 =	sadd.s32 $0x70, s7;
	s6 =	sadd.s32 $0x8, s6;
	v6 =	vor.u32 v8, v6  }
0x297: {  	s10 =	sadd.s32 $0x30, s7;
	v8 =	vmul.u32 $0x3B5D, v9;
	v10 =	vor.u32 s8, v0;
	s8 =	sadd.s32 $0x20, s7;
	v11 =	vor.u32 s9, v0;
	p0 =	slt.u32 s6, $0x448  }
0x298: {  	v13 =	vor.u32 s10, v0;
	s9 =	sadd.s32 $0x50, s7;
	s10 =	sadd.s32 $0x60, s7;
	v12 =	vor.u32 s8, v0;
	s8 =	sadd.s32 $0x40, s7;
	v14 =	vmul.u32 $0x3B5D, v11  }
0x299: {  	v16 =	vor.u32 s9, v0;
	v17 =	vor.u32 s10, v0;
	v15 =	vor.u32 s8, v0;
	v7 =	vld.idx.msk [tilespmem:v7+s25+$0x0], $0xffff  }
0x29a: {  	v18 =	vmul.u32 $0x3B5D, v10;
	v19 =	vmul.u32 $0x3B5D, v12;
	v14 =	vshrl.u32 v14, $0x16;
	v5 =	vld.idx.msk [tilespmem:v5+s25+$0x0], $0xffff  }
0x29b: {  	v20 =	vmul.u32 $0x3B5D, v13;
	v21 =	vmul.u32 $0x3B5D, v15;
	v22 =	vmul.u32 $0xFFFFFEEC, v14;
	v4 =	vld.idx.msk [tilespmem:v4+s25+$0x0], $0xffff  }
0x29c: {  	v23 =	vmul.u32 $0x3B5D, v16;
	v24 =	vmul.u32 $0x3B5D, v17;
	v18 =	vshrl.u32 v18, $0x16;
	v3 =	vld.idx.msk [tilespmem:v3+s25+$0x0], $0xffff  }
0x29d: {  	v19 =	vshrl.u32 v19, $0x16;
	v14 =	vmul.u32 $0x120, v14;
	v11 =	vadd.s32 v11, v22;
	v2 =	vld.idx.msk [tilespmem:v2+s25+$0x0], $0xffff  }
0x29e: {  	v20 =	vshrl.u32 v20, $0x16;
	v21 =	vshrl.u32 v21, $0x16;
	v22 =	vand.u32 $0xFFFFFFF8, v11;
	v1 =	vld.idx.msk [tilespmem:v1+s25+$0x0], $0xffff  }
0x29f: {  	v23 =	vshrl.u32 v23, $0x16;
	v11 =	vand.u32 $0x7, v11;
	v14 =	vadd.s32 v14, v22;
	v6 =	vld.idx.msk [tilespmem:v6+s25+$0x0], $0xffff;
	[tilespmem:s5+$0xFFFFFFD0] =	vst v7  }
0x2a0: {  	v7 =	vshrl.u32 v8, $0x16;
	v8 =	vshrl.u32 v24, $0x16;
	v11 =	vor.u32 v11, v14;
	[tilespmem:s5+$0xFFFFFFE0] =	vst v5  }
0x2a1: {  	v22 =	vmul.u32 $0xFFFFFEEC, v20;
	v5 =	vmul.u32 $0xFFFFFEEC, v18;
	v14 =	vmul.u32 $0xFFFFFEEC, v19;
	[tilespmem:s5+$0xFFFFFFF0] =	vst v4  }
0x2a2: {  	v24 =	vmul.u32 $0xFFFFFEEC, v23;
	v25 =	vmul.u32 $0xFFFFFEEC, v8;
	v4 =	vmul.u32 $0xFFFFFEEC, v21;
	[tilespmem:s5+$0x0] =	vst v3  }
0x2a3: {  	v3 =	vmul.u32 $0xFFFFFEEC, v7;
	v5 =	vadd.s32 v10, v5;
	v10 =	vadd.s32 v12, v14;
	[tilespmem:s5+$0x10] =	vst v2  }
0x2a4: {  	v12 =	vadd.s32 v16, v24;
	v2 =	vadd.s32 v13, v22;
	v4 =	vadd.s32 v15, v4;
	[tilespmem:s5+$0x20] =	vst v1  }
0x2a5: {  	v1 =	vadd.s32 v9, v3;
	v3 =	vmul.u32 $0x120, v18;
	v9 =	vadd.s32 v17, v25;
	v11 =	vld.idx.msk [tilespmem:v11+s25+$0x0], $0xffff;
	[tilespmem:s5+$0xFFFFFFC0] =	vst v6  }
0x2a6: {  	v14 =	vmul.u32 $0x120, v21;
	v13 =	vmul.u32 $0x120, v20;
	v6 =	vmul.u32 $0x120, v19  }
0x2a7: {  	v8 =	vmul.u32 $0x120, v8;
	v7 =	vmul.u32 $0x120, v7;
	v15 =	vmul.u32 $0x120, v23  }
0x2a8: {  	v16 =	vand.u32 $0xFFFFFFF8, v5;
	v17 =	vand.u32 $0xFFFFFFF8, v10;
	v18 =	vand.u32 $0xFFFFFFF8, v2  }
0x2a9: {  	v20 =	vand.u32 $0xFFFFFFF8, v12;
	v19 =	vand.u32 $0xFFFFFFF8, v4;
	v21 =	vand.u32 $0xFFFFFFF8, v9  }
0x2aa: {  	v22 =	vand.u32 $0xFFFFFFF8, v1;
	s5 =	sadd.s32 $0x80, s5;
	v3 =	vadd.s32 v3, v16;
	v16 =	vadd.s32 v6, v17  }
0x2ab: {  	v13 =	vadd.s32 v13, v18;
	v15 =	vadd.s32 v15, v20;
	v14 =	vadd.s32 v14, v19;
	[tilespmem:s5+$0x30] =	vst v11  }
.Ltmp11:
0x2ac: {  	v5 =	vand.u32 $0x7, v5;
	v6 =	vadd.s32 v7, v22;
	v11 =	vadd.s32 v8, v21;
	(pc) =	sbr.rel @p0 .LBB2_24-.Ltmp11, $4  }
0x2ad: {  	v10 =	vand.u32 $0x7, v10;
	v2 =	vand.u32 $0x7, v2;
	v17 =	vand.u32 $0x7, v4  }
0x2ae: {  	v9 =	vand.u32 $0x7, v9;
	v8 =	vand.u32 $0x7, v1;
	v1 =	vand.u32 $0x7, v12  }
0x2af: {  	v7 =	vor.u32 v5, v3;
	v4 =	vor.u32 v2, v13;
	v5 =	vor.u32 v10, v16  }
0x2b0: {  	s7 =	sadd.s32 $0x80, s7;
	v3 =	vor.u32 v17, v14;
	v2 =	vor.u32 v1, v15;
	v1 =	vor.u32 v9, v11  }
0x2b1: {  	_ =	sdelay $0x3  }
0x2b2: {  	s6 =	simm.s32 $0x0;
	v7 =	vld.idx.msk [tilespmem:v7+s25+$0x0], $0xffff  }
0x2b3: {  	v6 =	vor.u32 v8, v6;
	s7 =	simm.s32 $0x10;
	s8 =	simm.s32 $0x70;
	v5 =	vld.idx.msk [tilespmem:v5+s25+$0x0], $0xffff;
	s10 =	simm.s32 $0x20;
	v8 =	vor.u32 s6, v0  }
0x2b4: {  	s9 =	simm.s32 $0x30;
	v4 =	vld.idx.msk [tilespmem:v4+s25+$0x0], $0xffff;
	v10 =	vor.u32 s7, v0;
	v11 =	vor.u32 s8, v0;
	v12 =	vor.u32 s10, v0  }
0x2b5: {  	v2 =	vld.idx.msk [tilespmem:v2+s25+$0x0], $0xffff;
	v13 =	vor.u32 s9, v0;
	s8 =	simm.s32 $0x40;
	s9 =	simm.s32 $0x50;
	s10 =	simm.s32 $0x60;
	v9 =	vmul.u32 $0x3B5D, v8;
	v14 =	vmul.u32 $0x3B5D, v11  }
0x2b6: {  	v1 =	vld.idx.msk [tilespmem:v1+s25+$0x0], $0xffff;
	v15 =	vor.u32 s8, v0;
	v16 =	vor.u32 s9, v0;
	v17 =	vor.u32 s10, v0  }
0x2b7: {  	v18 =	vmul.u32 $0x3B5D, v10;
	v19 =	vmul.u32 $0x3B5D, v12;
	v20 =	vmul.u32 $0x3B5D, v15;
	[tilespmem:s5+$0xFFFFFFD0] =	vst v7  }
0x2b8: {  	v3 =	vld.idx.msk [tilespmem:v3+s25+$0x0], $0xffff;
	v52 =	vmul.u32 $0x3B5D, v16;
	v22 =	vmul.u32 $0x3B5D, v17;
	v14 =	vshrl.u32 v14, $0x16;
	[tilespmem:s5+$0xFFFFFFE0] =	vst v5  }
0x2b9: {  	v7 =	vmul.u32 $0x3B5D, v13;
	v21 =	vmul.u32 $0xFFFFFEEC, v14;
	v6 =	vld.idx.msk [tilespmem:v6+s25+$0x0], $0xffff;
	v5 =	vshrl.u32 v18, $0x16;
	[tilespmem:s5+$0xFFFFFFF0] =	vst v4  }
0x2ba: {  	v4 =	vshrl.u32 v19, $0x16;
	v14 =	vmul.u32 $0x120, v14;
	[tilespmem:s5+$0x10] =	vst v2;
	v2 =	vshrl.u32 v52, $0x16  }
0x2bb: {  	[tilespmem:s5+$0x20] =	vst v1;
	v1 =	vshrl.u32 v9, $0x16;
	v9 =	vshrl.u32 v22, $0x16;
	v54 =	vmul.u32 $0xFFFFFEEC, v4  }
0x2bc: {  	v57 =	vmul.u32 $0xFFFFFEEC, v2;
	v58 =	vmul.u32 $0xFFFFFEEC, v9;
	v59 =	vmul.u32 $0xFFFFFEEC, v1  }
0x2bd: {  	[tilespmem:s5+$0x0] =	vst v3;
	v4 =	vmul.u32 $0x120, v4;
	v1 =	vmul.u32 $0x120, v1;
	v2 =	vmul.u32 $0x120, v2  }
0x2be: {  	v11 =	vadd.s32 v11, v21;
	v3 =	vshrl.u32 v7, $0x16;
	v7 =	vshrl.u32 v20, $0x16;
	[tilespmem:s5+$0xFFFFFFC0] =	vst v6  }
0x2bf: {  	v53 =	vand.u32 $0xFFFFFFF8, v11;
	v11 =	vand.u32 $0x7, v11;
	v55 =	vmul.u32 $0xFFFFFEEC, v3;
	[hbm4b:s16+s6] =	stream.linear.scatter [tilespmem:s31], [sflag:$0x4], $0x4500, $0x38;
	[tilespmem:$0x11E00] =	vst v63  }
0x2c0: {  	s10 =	simm.s32 $0x340;
	v56 =	vmul.u32 $0xFFFFFEEC, v7;
	v12 =	vadd.s32 v12, v54;
	v61 =	vadd.s32 v16, v57  }
0x2c1: {  	v8 =	vadd.s32 v8, v59;
	v62 =	vadd.s32 v17, v58;
	v3 =	vmul.u32 $0x120, v3;
	[tilespmem:s25], [sflag:$0x2] =	stream.indirect.gather [hbm4b:s3+s23], $0x120, s10, s23, $0xb8;
	[tilespmem:$0x11E00] =	vst v63  }
0x2c2: {  	v14 =	vadd.s32 v14, v53;
	v63 =	vand.u32 $0xFFFFFFF8, v12;
	v20 =	vand.u32 $0xFFFFFFF8, v61;
	_ =	swait.ge [sflag:s0], $0x4500  }
0x2c3: {  	v21 =	vand.u32 $0xFFFFFFF8, v62;
	v22 =	vand.u32 $0xFFFFFFF8, v8;
	v11 =	vor.u32 v11, v14;
	[sflag:s0] =	ssyncset.done $0x0  }
0x2c4: {  	v12 =	vand.u32 $0x7, v12;
	v8 =	vand.u32 $0x7, v8;
	v6 =	vmul.u32 $0xFFFFFEEC, v5;
	[sflag:s0] =	ssyncadd.s32 $0xFFFFBB00  }
0x2c5: {  	v16 =	vand.u32 $0x7, v62;
	v13 =	vadd.s32 v13, v55;
	v60 =	vadd.s32 v15, v56;
	_ =	swait.ge [sflag:s26], $0x4800  }
0x2c6: {  	v5 =	vmul.u32 $0x120, v5;
	v4 =	vadd.s32 v4, v63;
	v10 =	vadd.s32 v10, v6;
	[sflag:s26] =	ssyncset.done $0x0  }
0x2c7: {  	v6 =	vmul.u32 $0x120, v7;
	v7 =	vmul.u32 $0x120, v9;
	v9 =	vand.u32 $0xFFFFFFF8, v10;
	[sflag:s26] =	ssyncadd.s32 $0xFFFFB800  }
0x2c8: {  	v2 =	vadd.s32 v2, v20;
	v15 =	vand.u32 $0x7, v61;
	v5 =	vadd.s32 v5, v9;
	v9 =	vld.idx.msk [tilespmem:v11+s24+$0x0], $0xffff  }
0x2c9: {  	v18 =	vand.u32 $0xFFFFFFF8, v13;
	v19 =	vand.u32 $0xFFFFFFF8, v60;
	v13 =	vand.u32 $0x7, v13  }
0x2ca: {  	v14 =	vand.u32 $0x7, v60;
	v2 =	vor.u32 v15, v2;
	v3 =	vadd.s32 v3, v18  }
0x2cb: {  	v11 =	vadd.s32 v6, v19;
	v6 =	vadd.s32 v1, v22;
	v1 =	vand.u32 $0x7, v10  }
0x2cc: {  	s5 =	simm.s32 $0x9440;
	v10 =	vadd.s32 v7, v21;
	v7 =	vor.u32 v1, v5;
	v5 =	vor.u32 v12, v4  }
0x2cd: {  	s7 =	simm.s32 $0x80;
	s6 =	simm.s32 $0x0;
	v4 =	vor.u32 v13, v3;
	v3 =	vor.u32 v14, v11;
	v1 =	vor.u32 v16, v10;
	[tilespmem:s5+$0x30] =	vst v9  }
.LBB2_26:
0x2ce: {  	v9 =	vor.u32 s7, v0;
	s8 =	sadd.s32 $0x10, s7;
	s9 =	sadd.s32 $0x70, s7;
	s6 =	sadd.s32 $0x8, s6;
	v6 =	vor.u32 v8, v6  }
0x2cf: {  	s10 =	sadd.s32 $0x30, s7;
	v8 =	vmul.u32 $0x3B5D, v9;
	v10 =	vor.u32 s8, v0;
	s8 =	sadd.s32 $0x20, s7;
	v11 =	vor.u32 s9, v0;
	p0 =	slt.u32 s6, $0x448  }
0x2d0: {  	v13 =	vor.u32 s10, v0;
	s9 =	sadd.s32 $0x50, s7;
	s10 =	sadd.s32 $0x60, s7;
	v12 =	vor.u32 s8, v0;
	s8 =	sadd.s32 $0x40, s7;
	v14 =	vmul.u32 $0x3B5D, v11  }
0x2d1: {  	v16 =	vor.u32 s9, v0;
	v17 =	vor.u32 s10, v0;
	v15 =	vor.u32 s8, v0;
	v7 =	vld.idx.msk [tilespmem:v7+s24+$0x0], $0xffff  }
0x2d2: {  	v18 =	vmul.u32 $0x3B5D, v10;
	v19 =	vmul.u32 $0x3B5D, v12;
	v14 =	vshrl.u32 v14, $0x16;
	v5 =	vld.idx.msk [tilespmem:v5+s24+$0x0], $0xffff  }
0x2d3: {  	v20 =	vmul.u32 $0x3B5D, v13;
	v21 =	vmul.u32 $0x3B5D, v15;
	v22 =	vmul.u32 $0xFFFFFEEC, v14;
	v4 =	vld.idx.msk [tilespmem:v4+s24+$0x0], $0xffff  }
0x2d4: {  	v23 =	vmul.u32 $0x3B5D, v16;
	v24 =	vmul.u32 $0x3B5D, v17;
	v18 =	vshrl.u32 v18, $0x16;
	v3 =	vld.idx.msk [tilespmem:v3+s24+$0x0], $0xffff  }
0x2d5: {  	v19 =	vshrl.u32 v19, $0x16;
	v14 =	vmul.u32 $0x120, v14;
	v11 =	vadd.s32 v11, v22;
	v2 =	vld.idx.msk [tilespmem:v2+s24+$0x0], $0xffff  }
0x2d6: {  	v20 =	vshrl.u32 v20, $0x16;
	v21 =	vshrl.u32 v21, $0x16;
	v22 =	vand.u32 $0xFFFFFFF8, v11;
	v1 =	vld.idx.msk [tilespmem:v1+s24+$0x0], $0xffff  }
0x2d7: {  	v23 =	vshrl.u32 v23, $0x16;
	v11 =	vand.u32 $0x7, v11;
	v14 =	vadd.s32 v14, v22;
	v6 =	vld.idx.msk [tilespmem:v6+s24+$0x0], $0xffff;
	[tilespmem:s5+$0xFFFFFFD0] =	vst v7  }
0x2d8: {  	v7 =	vshrl.u32 v8, $0x16;
	v8 =	vshrl.u32 v24, $0x16;
	v11 =	vor.u32 v11, v14;
	[tilespmem:s5+$0xFFFFFFE0] =	vst v5  }
0x2d9: {  	v22 =	vmul.u32 $0xFFFFFEEC, v20;
	v5 =	vmul.u32 $0xFFFFFEEC, v18;
	v14 =	vmul.u32 $0xFFFFFEEC, v19;
	[tilespmem:s5+$0xFFFFFFF0] =	vst v4  }
0x2da: {  	v24 =	vmul.u32 $0xFFFFFEEC, v23;
	v25 =	vmul.u32 $0xFFFFFEEC, v8;
	v4 =	vmul.u32 $0xFFFFFEEC, v21;
	[tilespmem:s5+$0x0] =	vst v3  }
0x2db: {  	v3 =	vmul.u32 $0xFFFFFEEC, v7;
	v5 =	vadd.s32 v10, v5;
	v10 =	vadd.s32 v12, v14;
	[tilespmem:s5+$0x10] =	vst v2  }
0x2dc: {  	v12 =	vadd.s32 v16, v24;
	v2 =	vadd.s32 v13, v22;
	v4 =	vadd.s32 v15, v4;
	[tilespmem:s5+$0x20] =	vst v1  }
0x2dd: {  	v1 =	vadd.s32 v9, v3;
	v3 =	vmul.u32 $0x120, v18;
	v9 =	vadd.s32 v17, v25;
	v11 =	vld.idx.msk [tilespmem:v11+s24+$0x0], $0xffff;
	[tilespmem:s5+$0xFFFFFFC0] =	vst v6  }
0x2de: {  	v14 =	vmul.u32 $0x120, v21;
	v13 =	vmul.u32 $0x120, v20;
	v6 =	vmul.u32 $0x120, v19  }
0x2df: {  	v8 =	vmul.u32 $0x120, v8;
	v7 =	vmul.u32 $0x120, v7;
	v15 =	vmul.u32 $0x120, v23  }
0x2e0: {  	v16 =	vand.u32 $0xFFFFFFF8, v5;
	v17 =	vand.u32 $0xFFFFFFF8, v10;
	v18 =	vand.u32 $0xFFFFFFF8, v2  }
0x2e1: {  	v20 =	vand.u32 $0xFFFFFFF8, v12;
	v19 =	vand.u32 $0xFFFFFFF8, v4;
	v21 =	vand.u32 $0xFFFFFFF8, v9  }
0x2e2: {  	v22 =	vand.u32 $0xFFFFFFF8, v1;
	s5 =	sadd.s32 $0x80, s5;
	v3 =	vadd.s32 v3, v16;
	v16 =	vadd.s32 v6, v17  }
0x2e3: {  	v13 =	vadd.s32 v13, v18;
	v15 =	vadd.s32 v15, v20;
	v14 =	vadd.s32 v14, v19;
	[tilespmem:s5+$0x30] =	vst v11  }
.Ltmp12:
0x2e4: {  	v5 =	vand.u32 $0x7, v5;
	v6 =	vadd.s32 v7, v22;
	v11 =	vadd.s32 v8, v21;
	(pc) =	sbr.rel @p0 .LBB2_26-.Ltmp12, $4  }
0x2e5: {  	v10 =	vand.u32 $0x7, v10;
	v2 =	vand.u32 $0x7, v2;
	v17 =	vand.u32 $0x7, v4  }
0x2e6: {  	v9 =	vand.u32 $0x7, v9;
	v8 =	vand.u32 $0x7, v1;
	v1 =	vand.u32 $0x7, v12  }
0x2e7: {  	v7 =	vor.u32 v5, v3;
	v4 =	vor.u32 v2, v13;
	v5 =	vor.u32 v10, v16  }
0x2e8: {  	s7 =	sadd.s32 $0x80, s7;
	v3 =	vor.u32 v17, v14;
	v2 =	vor.u32 v1, v15;
	v1 =	vor.u32 v9, v11  }
0x2e9: {  	_ =	sdelay $0x3  }
0x2ea: {  	s6 =	simm.s32 $0x0;
	v7 =	vld.idx.msk [tilespmem:v7+s24+$0x0], $0xffff  }
0x2eb: {  	v6 =	vor.u32 v8, v6;
	s7 =	simm.s32 $0x10;
	s8 =	simm.s32 $0x70;
	v5 =	vld.idx.msk [tilespmem:v5+s24+$0x0], $0xffff;
	s10 =	simm.s32 $0x20;
	v8 =	vor.u32 s6, v0  }
0x2ec: {  	s9 =	simm.s32 $0x30;
	v4 =	vld.idx.msk [tilespmem:v4+s24+$0x0], $0xffff;
	v10 =	vor.u32 s7, v0;
	v11 =	vor.u32 s8, v0;
	v12 =	vor.u32 s10, v0  }
0x2ed: {  	v2 =	vld.idx.msk [tilespmem:v2+s24+$0x0], $0xffff;
	v13 =	vor.u32 s9, v0;
	s8 =	simm.s32 $0x40;
	s9 =	simm.s32 $0x50;
	s10 =	simm.s32 $0x60;
	v9 =	vmul.u32 $0x3B5D, v8;
	v14 =	vmul.u32 $0x3B5D, v11  }
0x2ee: {  	v1 =	vld.idx.msk [tilespmem:v1+s24+$0x0], $0xffff;
	v15 =	vor.u32 s8, v0;
	v16 =	vor.u32 s9, v0;
	v17 =	vor.u32 s10, v0  }
0x2ef: {  	v18 =	vmul.u32 $0x3B5D, v10;
	v19 =	vmul.u32 $0x3B5D, v12;
	v20 =	vmul.u32 $0x3B5D, v15;
	[tilespmem:s5+$0xFFFFFFD0] =	vst v7  }
0x2f0: {  	v3 =	vld.idx.msk [tilespmem:v3+s24+$0x0], $0xffff;
	v52 =	vmul.u32 $0x3B5D, v16;
	v22 =	vmul.u32 $0x3B5D, v17;
	v14 =	vshrl.u32 v14, $0x16;
	[tilespmem:s5+$0xFFFFFFE0] =	vst v5  }
0x2f1: {  	v7 =	vmul.u32 $0x3B5D, v13;
	v21 =	vmul.u32 $0xFFFFFEEC, v14;
	v6 =	vld.idx.msk [tilespmem:v6+s24+$0x0], $0xffff;
	v5 =	vshrl.u32 v18, $0x16;
	[tilespmem:s5+$0xFFFFFFF0] =	vst v4  }
0x2f2: {  	v4 =	vshrl.u32 v19, $0x16;
	v14 =	vmul.u32 $0x120, v14;
	[tilespmem:s5+$0x10] =	vst v2;
	v2 =	vshrl.u32 v52, $0x16  }
0x2f3: {  	[tilespmem:s5+$0x20] =	vst v1;
	v1 =	vshrl.u32 v9, $0x16;
	v9 =	vshrl.u32 v22, $0x16;
	v54 =	vmul.u32 $0xFFFFFEEC, v4  }
0x2f4: {  	v57 =	vmul.u32 $0xFFFFFEEC, v2;
	v58 =	vmul.u32 $0xFFFFFEEC, v9;
	v59 =	vmul.u32 $0xFFFFFEEC, v1  }
0x2f5: {  	[tilespmem:s5+$0x0] =	vst v3;
	v4 =	vmul.u32 $0x120, v4;
	v1 =	vmul.u32 $0x120, v1;
	v2 =	vmul.u32 $0x120, v2  }
0x2f6: {  	v11 =	vadd.s32 v11, v21;
	v3 =	vshrl.u32 v7, $0x16;
	v7 =	vshrl.u32 v20, $0x16;
	[tilespmem:s5+$0xFFFFFFC0] =	vst v6  }
0x2f7: {  	v53 =	vand.u32 $0xFFFFFFF8, v11;
	v11 =	vand.u32 $0x7, v11;
	v55 =	vmul.u32 $0xFFFFFEEC, v3;
	[hbm4b:s17+s6] =	stream.linear.scatter [tilespmem:s28], [sflag:$0x3], $0x4500, $0x38;
	[tilespmem:$0x11E00] =	vst v63  }
0x2f8: {  	s10 =	simm.s32 $0x380;
	v56 =	vmul.u32 $0xFFFFFEEC, v7;
	v12 =	vadd.s32 v12, v54;
	v61 =	vadd.s32 v16, v57  }
0x2f9: {  	v8 =	vadd.s32 v8, v59;
	v62 =	vadd.s32 v17, v58;
	v3 =	vmul.u32 $0x120, v3;
	[tilespmem:s24], [sflag:$0x1] =	stream.indirect.gather [hbm4b:s3+s23], $0x120, s10, s23, $0xb8;
	[tilespmem:$0x11E00] =	vst v63  }
0x2fa: {  	v14 =	vadd.s32 v14, v53;
	v63 =	vand.u32 $0xFFFFFFF8, v12;
	v20 =	vand.u32 $0xFFFFFFF8, v61;
	_ =	swait.ge [sflag:s1], $0x4500  }
0x2fb: {  	v21 =	vand.u32 $0xFFFFFFF8, v62;
	v22 =	vand.u32 $0xFFFFFFF8, v8;
	v11 =	vor.u32 v11, v14;
	[sflag:s1] =	ssyncset.done $0x0  }
0x2fc: {  	v12 =	vand.u32 $0x7, v12;
	v8 =	vand.u32 $0x7, v8;
	v6 =	vmul.u32 $0xFFFFFEEC, v5;
	[sflag:s1] =	ssyncadd.s32 $0xFFFFBB00  }
0x2fd: {  	v16 =	vand.u32 $0x7, v62;
	v13 =	vadd.s32 v13, v55;
	v60 =	vadd.s32 v15, v56;
	_ =	swait.ge [sflag:s30], $0x4800  }
0x2fe: {  	v5 =	vmul.u32 $0x120, v5;
	v4 =	vadd.s32 v4, v63;
	v10 =	vadd.s32 v10, v6;
	[sflag:s30] =	ssyncset.done $0x0  }
0x2ff: {  	v6 =	vmul.u32 $0x120, v7;
	v7 =	vmul.u32 $0x120, v9;
	v9 =	vand.u32 $0xFFFFFFF8, v10;
	[sflag:s30] =	ssyncadd.s32 $0xFFFFB800  }
0x300: {  	v2 =	vadd.s32 v2, v20;
	v15 =	vand.u32 $0x7, v61;
	v5 =	vadd.s32 v5, v9;
	v9 =	vld.idx.msk [tilespmem:v11+s25+$0x0], $0xffff  }
0x301: {  	v18 =	vand.u32 $0xFFFFFFF8, v13;
	v19 =	vand.u32 $0xFFFFFFF8, v60;
	v13 =	vand.u32 $0x7, v13  }
0x302: {  	v14 =	vand.u32 $0x7, v60;
	v2 =	vor.u32 v15, v2;
	v3 =	vadd.s32 v3, v18  }
0x303: {  	v11 =	vadd.s32 v6, v19;
	v6 =	vadd.s32 v1, v22;
	v1 =	vand.u32 $0x7, v10  }
0x304: {  	s5 =	simm.s32 $0xD940;
	v10 =	vadd.s32 v7, v21;
	v7 =	vor.u32 v1, v5;
	v5 =	vor.u32 v12, v4  }
0x305: {  	s7 =	simm.s32 $0x80;
	s6 =	simm.s32 $0x0;
	v4 =	vor.u32 v13, v3;
	v3 =	vor.u32 v14, v11;
	v1 =	vor.u32 v16, v10;
	[tilespmem:s5+$0x30] =	vst v9  }
.LBB2_28:
0x306: {  	v9 =	vor.u32 s7, v0;
	s8 =	sadd.s32 $0x10, s7;
	s9 =	sadd.s32 $0x70, s7;
	s6 =	sadd.s32 $0x8, s6;
	v6 =	vor.u32 v8, v6  }
0x307: {  	s10 =	sadd.s32 $0x30, s7;
	v8 =	vmul.u32 $0x3B5D, v9;
	v10 =	vor.u32 s8, v0;
	s8 =	sadd.s32 $0x20, s7;
	v11 =	vor.u32 s9, v0;
	p0 =	slt.u32 s6, $0x448  }
0x308: {  	v13 =	vor.u32 s10, v0;
	s9 =	sadd.s32 $0x50, s7;
	s10 =	sadd.s32 $0x60, s7;
	v12 =	vor.u32 s8, v0;
	s8 =	sadd.s32 $0x40, s7;
	v14 =	vmul.u32 $0x3B5D, v11  }
0x309: {  	v16 =	vor.u32 s9, v0;
	v17 =	vor.u32 s10, v0;
	v15 =	vor.u32 s8, v0;
	v7 =	vld.idx.msk [tilespmem:v7+s25+$0x0], $0xffff  }
0x30a: {  	v18 =	vmul.u32 $0x3B5D, v10;
	v19 =	vmul.u32 $0x3B5D, v12;
	v14 =	vshrl.u32 v14, $0x16;
	v5 =	vld.idx.msk [tilespmem:v5+s25+$0x0], $0xffff  }
0x30b: {  	v20 =	vmul.u32 $0x3B5D, v13;
	v21 =	vmul.u32 $0x3B5D, v15;
	v22 =	vmul.u32 $0xFFFFFEEC, v14;
	v4 =	vld.idx.msk [tilespmem:v4+s25+$0x0], $0xffff  }
0x30c: {  	v23 =	vmul.u32 $0x3B5D, v16;
	v24 =	vmul.u32 $0x3B5D, v17;
	v18 =	vshrl.u32 v18, $0x16;
	v3 =	vld.idx.msk [tilespmem:v3+s25+$0x0], $0xffff  }
0x30d: {  	v19 =	vshrl.u32 v19, $0x16;
	v14 =	vmul.u32 $0x120, v14;
	v11 =	vadd.s32 v11, v22;
	v2 =	vld.idx.msk [tilespmem:v2+s25+$0x0], $0xffff  }
0x30e: {  	v20 =	vshrl.u32 v20, $0x16;
	v21 =	vshrl.u32 v21, $0x16;
	v22 =	vand.u32 $0xFFFFFFF8, v11;
	v1 =	vld.idx.msk [tilespmem:v1+s25+$0x0], $0xffff  }
0x30f: {  	v23 =	vshrl.u32 v23, $0x16;
	v11 =	vand.u32 $0x7, v11;
	v14 =	vadd.s32 v14, v22;
	v6 =	vld.idx.msk [tilespmem:v6+s25+$0x0], $0xffff;
	[tilespmem:s5+$0xFFFFFFD0] =	vst v7  }
0x310: {  	v7 =	vshrl.u32 v8, $0x16;
	v8 =	vshrl.u32 v24, $0x16;
	v11 =	vor.u32 v11, v14;
	[tilespmem:s5+$0xFFFFFFE0] =	vst v5  }
0x311: {  	v22 =	vmul.u32 $0xFFFFFEEC, v20;
	v5 =	vmul.u32 $0xFFFFFEEC, v18;
	v14 =	vmul.u32 $0xFFFFFEEC, v19;
	[tilespmem:s5+$0xFFFFFFF0] =	vst v4  }
0x312: {  	v24 =	vmul.u32 $0xFFFFFEEC, v23;
	v25 =	vmul.u32 $0xFFFFFEEC, v8;
	v4 =	vmul.u32 $0xFFFFFEEC, v21;
	[tilespmem:s5+$0x0] =	vst v3  }
0x313: {  	v3 =	vmul.u32 $0xFFFFFEEC, v7;
	v5 =	vadd.s32 v10, v5;
	v10 =	vadd.s32 v12, v14;
	[tilespmem:s5+$0x10] =	vst v2  }
0x314: {  	v12 =	vadd.s32 v16, v24;
	v2 =	vadd.s32 v13, v22;
	v4 =	vadd.s32 v15, v4;
	[tilespmem:s5+$0x20] =	vst v1  }
0x315: {  	v1 =	vadd.s32 v9, v3;
	v3 =	vmul.u32 $0x120, v18;
	v9 =	vadd.s32 v17, v25;
	v11 =	vld.idx.msk [tilespmem:v11+s25+$0x0], $0xffff;
	[tilespmem:s5+$0xFFFFFFC0] =	vst v6  }
0x316: {  	v14 =	vmul.u32 $0x120, v21;
	v13 =	vmul.u32 $0x120, v20;
	v6 =	vmul.u32 $0x120, v19  }
0x317: {  	v8 =	vmul.u32 $0x120, v8;
	v7 =	vmul.u32 $0x120, v7;
	v15 =	vmul.u32 $0x120, v23  }
0x318: {  	v16 =	vand.u32 $0xFFFFFFF8, v5;
	v17 =	vand.u32 $0xFFFFFFF8, v10;
	v18 =	vand.u32 $0xFFFFFFF8, v2  }
0x319: {  	v20 =	vand.u32 $0xFFFFFFF8, v12;
	v19 =	vand.u32 $0xFFFFFFF8, v4;
	v21 =	vand.u32 $0xFFFFFFF8, v9  }
0x31a: {  	v22 =	vand.u32 $0xFFFFFFF8, v1;
	s5 =	sadd.s32 $0x80, s5;
	v3 =	vadd.s32 v3, v16;
	v16 =	vadd.s32 v6, v17  }
0x31b: {  	v13 =	vadd.s32 v13, v18;
	v15 =	vadd.s32 v15, v20;
	v14 =	vadd.s32 v14, v19;
	[tilespmem:s5+$0x30] =	vst v11  }
.Ltmp13:
0x31c: {  	v5 =	vand.u32 $0x7, v5;
	v6 =	vadd.s32 v7, v22;
	v11 =	vadd.s32 v8, v21;
	(pc) =	sbr.rel @p0 .LBB2_28-.Ltmp13, $4  }
0x31d: {  	v10 =	vand.u32 $0x7, v10;
	v2 =	vand.u32 $0x7, v2;
	v17 =	vand.u32 $0x7, v4  }
0x31e: {  	v9 =	vand.u32 $0x7, v9;
	v8 =	vand.u32 $0x7, v1;
	v1 =	vand.u32 $0x7, v12  }
0x31f: {  	v7 =	vor.u32 v5, v3;
	v4 =	vor.u32 v2, v13;
	v5 =	vor.u32 v10, v16  }
0x320: {  	s7 =	sadd.s32 $0x80, s7;
	v3 =	vor.u32 v17, v14;
	v2 =	vor.u32 v1, v15;
	v1 =	vor.u32 v9, v11  }
0x321: {  	_ =	sdelay $0x3  }
0x322: {  	s6 =	simm.s32 $0x0;
	v7 =	vld.idx.msk [tilespmem:v7+s25+$0x0], $0xffff  }
0x323: {  	v6 =	vor.u32 v8, v6;
	s7 =	simm.s32 $0x10;
	s8 =	simm.s32 $0x70;
	v5 =	vld.idx.msk [tilespmem:v5+s25+$0x0], $0xffff;
	s10 =	simm.s32 $0x20;
	v8 =	vor.u32 s6, v0  }
0x324: {  	s9 =	simm.s32 $0x30;
	v4 =	vld.idx.msk [tilespmem:v4+s25+$0x0], $0xffff;
	v10 =	vor.u32 s7, v0;
	v11 =	vor.u32 s8, v0;
	v12 =	vor.u32 s10, v0  }
0x325: {  	v2 =	vld.idx.msk [tilespmem:v2+s25+$0x0], $0xffff;
	v13 =	vor.u32 s9, v0;
	s8 =	simm.s32 $0x40;
	s9 =	simm.s32 $0x50;
	s10 =	simm.s32 $0x60;
	v9 =	vmul.u32 $0x3B5D, v8;
	v14 =	vmul.u32 $0x3B5D, v11  }
0x326: {  	v1 =	vld.idx.msk [tilespmem:v1+s25+$0x0], $0xffff;
	v15 =	vor.u32 s8, v0;
	v16 =	vor.u32 s9, v0;
	v17 =	vor.u32 s10, v0  }
0x327: {  	v18 =	vmul.u32 $0x3B5D, v10;
	v19 =	vmul.u32 $0x3B5D, v12;
	v20 =	vmul.u32 $0x3B5D, v15;
	[tilespmem:s5+$0xFFFFFFD0] =	vst v7  }
0x328: {  	v3 =	vld.idx.msk [tilespmem:v3+s25+$0x0], $0xffff;
	v49 =	vmul.u32 $0x3B5D, v16;
	v22 =	vmul.u32 $0x3B5D, v17;
	v14 =	vshrl.u32 v14, $0x16;
	[tilespmem:s5+$0xFFFFFFE0] =	vst v5  }
0x329: {  	v7 =	vmul.u32 $0x3B5D, v13;
	v21 =	vmul.u32 $0xFFFFFEEC, v14;
	v6 =	vld.idx.msk [tilespmem:v6+s25+$0x0], $0xffff;
	v5 =	vshrl.u32 v18, $0x16;
	[tilespmem:s5+$0xFFFFFFF0] =	vst v4  }
0x32a: {  	v4 =	vshrl.u32 v19, $0x16;
	v14 =	vmul.u32 $0x120, v14;
	[tilespmem:s5+$0x10] =	vst v2;
	v2 =	vshrl.u32 v49, $0x16  }
0x32b: {  	[tilespmem:s5+$0x20] =	vst v1;
	v1 =	vshrl.u32 v9, $0x16;
	v9 =	vshrl.u32 v22, $0x16;
	v51 =	vmul.u32 $0xFFFFFEEC, v4  }
0x32c: {  	v54 =	vmul.u32 $0xFFFFFEEC, v2;
	v55 =	vmul.u32 $0xFFFFFEEC, v9;
	v56 =	vmul.u32 $0xFFFFFEEC, v1  }
0x32d: {  	[tilespmem:s5+$0x0] =	vst v3;
	v4 =	vmul.u32 $0x120, v4;
	v1 =	vmul.u32 $0x120, v1;
	v2 =	vmul.u32 $0x120, v2  }
0x32e: {  	v9 =	vmul.u32 $0x120, v9;
	v11 =	vadd.s32 v11, v21;
	v3 =	vshrl.u32 v7, $0x16;
	[tilespmem:s5+$0xFFFFFFC0] =	vst v6  }
0x32f: {  	v7 =	vshrl.u32 v20, $0x16;
	v50 =	vand.u32 $0xFFFFFFF8, v11;
	v11 =	vand.u32 $0x7, v11;
	[hbm4b:s18+s6] =	stream.linear.scatter [tilespmem:s31], [sflag:$0x4], $0x4500, $0x38;
	[tilespmem:$0x11E00] =	vst v63  }
0x330: {  	s10 =	simm.s32 $0x3C0;
	v52 =	vmul.u32 $0xFFFFFEEC, v3;
	v53 =	vmul.u32 $0xFFFFFEEC, v7;
	v59 =	vadd.s32 v16, v54  }
0x331: {  	v8 =	vadd.s32 v8, v56;
	v60 =	vadd.s32 v17, v55;
	v3 =	vmul.u32 $0x120, v3;
	[tilespmem:s25], [sflag:$0x2] =	stream.indirect.gather [hbm4b:s3+s23], $0x120, s10, s23, $0xb8;
	[tilespmem:$0x11E00] =	vst v63  }
0x332: {  	v7 =	vmul.u32 $0x120, v7;
	v14 =	vadd.s32 v14, v50;
	v20 =	vand.u32 $0xFFFFFFF8, v59;
	_ =	swait.ge [sflag:s0], $0x4500  }
0x333: {  	v21 =	vand.u32 $0xFFFFFFF8, v60;
	v22 =	vand.u32 $0xFFFFFFF8, v8;
	v11 =	vor.u32 v11, v14;
	[sflag:s0] =	ssyncset.done $0x0  }
0x334: {  	v8 =	vand.u32 $0x7, v8;
	v6 =	vmul.u32 $0xFFFFFEEC, v5;
	v57 =	vadd.s32 v13, v52;
	[sflag:s0] =	ssyncadd.s32 $0xFFFFBB00  }
0x335: {  	v58 =	vadd.s32 v15, v53;
	v5 =	vmul.u32 $0x120, v5;
	v2 =	vadd.s32 v2, v20;
	_ =	swait.ge [sflag:s26], $0x4800  }
0x336: {  	v9 =	vadd.s32 v9, v21;
	v14 =	vand.u32 $0x7, v59;
	v15 =	vand.u32 $0x7, v60;
	[sflag:s26] =	ssyncset.done $0x0  }
0x337: {  	v18 =	vand.u32 $0xFFFFFFF8, v57;
	v19 =	vand.u32 $0xFFFFFFF8, v58;
	v13 =	vand.u32 $0x7, v58;
	[sflag:s26] =	ssyncadd.s32 $0xFFFFB800  }
0x338: {  	v2 =	vor.u32 v14, v2;
	v6 =	vadd.s32 v10, v6;
	v10 =	vadd.s32 v12, v51;
	v11 =	vld.idx.msk [tilespmem:v11+s24+$0x0], $0xffff  }
0x339: {  	v3 =	vadd.s32 v3, v18;
	v63 =	vadd.s32 v7, v19;
	v7 =	vadd.s32 v1, v22  }
0x33a: {  	v61 =	vand.u32 $0xFFFFFFF8, v6;
	v62 =	vand.u32 $0xFFFFFFF8, v10;
	v1 =	vand.u32 $0x7, v6  }
0x33b: {  	v10 =	vand.u32 $0x7, v10;
	v5 =	vadd.s32 v5, v61;
	v4 =	vadd.s32 v4, v62  }
0x33c: {  	s5 =	simm.s32 $0x9440;
	v12 =	vand.u32 $0x7, v57;
	v6 =	vor.u32 v1, v5;
	v5 =	vor.u32 v10, v4  }
0x33d: {  	s7 =	simm.s32 $0x80;
	s6 =	simm.s32 $0x0;
	v4 =	vor.u32 v12, v3;
	v3 =	vor.u32 v13, v63;
	v1 =	vor.u32 v15, v9;
	[tilespmem:s5+$0x30] =	vst v11  }
.LBB2_30:
0x33e: {  	v9 =	vor.u32 s7, v0;
	s8 =	sadd.s32 $0x10, s7;
	s9 =	sadd.s32 $0x70, s7;
	s6 =	sadd.s32 $0x8, s6;
	v7 =	vor.u32 v8, v7  }
0x33f: {  	s10 =	sadd.s32 $0x30, s7;
	v8 =	vmul.u32 $0x3B5D, v9;
	v10 =	vor.u32 s8, v0;
	s8 =	sadd.s32 $0x20, s7;
	v11 =	vor.u32 s9, v0;
	p0 =	slt.u32 s6, $0x448  }
0x340: {  	v13 =	vor.u32 s10, v0;
	s9 =	sadd.s32 $0x50, s7;
	s10 =	sadd.s32 $0x60, s7;
	v12 =	vor.u32 s8, v0;
	s8 =	sadd.s32 $0x40, s7;
	v14 =	vmul.u32 $0x3B5D, v11  }
0x341: {  	v16 =	vor.u32 s9, v0;
	v17 =	vor.u32 s10, v0;
	v15 =	vor.u32 s8, v0;
	v6 =	vld.idx.msk [tilespmem:v6+s24+$0x0], $0xffff  }
0x342: {  	v18 =	vmul.u32 $0x3B5D, v10;
	v19 =	vmul.u32 $0x3B5D, v12;
	v14 =	vshrl.u32 v14, $0x16;
	v5 =	vld.idx.msk [tilespmem:v5+s24+$0x0], $0xffff  }
0x343: {  	v20 =	vmul.u32 $0x3B5D, v13;
	v21 =	vmul.u32 $0x3B5D, v15;
	v22 =	vmul.u32 $0xFFFFFEEC, v14;
	v4 =	vld.idx.msk [tilespmem:v4+s24+$0x0], $0xffff  }
0x344: {  	v23 =	vmul.u32 $0x3B5D, v16;
	v24 =	vmul.u32 $0x3B5D, v17;
	v18 =	vshrl.u32 v18, $0x16;
	v3 =	vld.idx.msk [tilespmem:v3+s24+$0x0], $0xffff  }
0x345: {  	v19 =	vshrl.u32 v19, $0x16;
	v14 =	vmul.u32 $0x120, v14;
	v11 =	vadd.s32 v11, v22;
	v2 =	vld.idx.msk [tilespmem:v2+s24+$0x0], $0xffff  }
0x346: {  	v20 =	vshrl.u32 v20, $0x16;
	v21 =	vshrl.u32 v21, $0x16;
	v22 =	vand.u32 $0xFFFFFFF8, v11;
	v1 =	vld.idx.msk [tilespmem:v1+s24+$0x0], $0xffff  }
0x347: {  	v23 =	vshrl.u32 v23, $0x16;
	v11 =	vand.u32 $0x7, v11;
	v14 =	vadd.s32 v14, v22;
	v7 =	vld.idx.msk [tilespmem:v7+s24+$0x0], $0xffff;
	[tilespmem:s5+$0xFFFFFFD0] =	vst v6  }
0x348: {  	v6 =	vshrl.u32 v8, $0x16;
	v8 =	vshrl.u32 v24, $0x16;
	v11 =	vor.u32 v11, v14;
	[tilespmem:s5+$0xFFFFFFE0] =	vst v5  }
0x349: {  	v22 =	vmul.u32 $0xFFFFFEEC, v20;
	v5 =	vmul.u32 $0xFFFFFEEC, v18;
	v14 =	vmul.u32 $0xFFFFFEEC, v19;
	[tilespmem:s5+$0xFFFFFFF0] =	vst v4  }
0x34a: {  	v24 =	vmul.u32 $0xFFFFFEEC, v23;
	v25 =	vmul.u32 $0xFFFFFEEC, v8;
	v4 =	vmul.u32 $0xFFFFFEEC, v21;
	[tilespmem:s5+$0x0] =	vst v3  }
0x34b: {  	v3 =	vmul.u32 $0xFFFFFEEC, v6;
	v5 =	vadd.s32 v10, v5;
	v10 =	vadd.s32 v12, v14;
	[tilespmem:s5+$0x10] =	vst v2  }
0x34c: {  	v12 =	vadd.s32 v16, v24;
	v2 =	vadd.s32 v13, v22;
	v4 =	vadd.s32 v15, v4;
	[tilespmem:s5+$0x20] =	vst v1  }
0x34d: {  	v1 =	vadd.s32 v9, v3;
	v3 =	vmul.u32 $0x120, v18;
	v9 =	vadd.s32 v17, v25;
	v11 =	vld.idx.msk [tilespmem:v11+s24+$0x0], $0xffff;
	[tilespmem:s5+$0xFFFFFFC0] =	vst v7  }
0x34e: {  	v14 =	vmul.u32 $0x120, v21;
	v13 =	vmul.u32 $0x120, v20;
	v7 =	vmul.u32 $0x120, v19  }
0x34f: {  	v8 =	vmul.u32 $0x120, v8;
	v6 =	vmul.u32 $0x120, v6;
	v15 =	vmul.u32 $0x120, v23  }
0x350: {  	v16 =	vand.u32 $0xFFFFFFF8, v5;
	v17 =	vand.u32 $0xFFFFFFF8, v10;
	v18 =	vand.u32 $0xFFFFFFF8, v2  }
0x351: {  	v20 =	vand.u32 $0xFFFFFFF8, v12;
	v19 =	vand.u32 $0xFFFFFFF8, v4;
	v21 =	vand.u32 $0xFFFFFFF8, v9  }
0x352: {  	v22 =	vand.u32 $0xFFFFFFF8, v1;
	s5 =	sadd.s32 $0x80, s5;
	v3 =	vadd.s32 v3, v16;
	v16 =	vadd.s32 v7, v17  }
0x353: {  	v13 =	vadd.s32 v13, v18;
	v15 =	vadd.s32 v15, v20;
	v14 =	vadd.s32 v14, v19;
	[tilespmem:s5+$0x30] =	vst v11  }
.Ltmp14:
0x354: {  	v5 =	vand.u32 $0x7, v5;
	v7 =	vadd.s32 v6, v22;
	v11 =	vadd.s32 v8, v21;
	(pc) =	sbr.rel @p0 .LBB2_30-.Ltmp14, $4  }
0x355: {  	v10 =	vand.u32 $0x7, v10;
	v2 =	vand.u32 $0x7, v2;
	v17 =	vand.u32 $0x7, v4  }
0x356: {  	v9 =	vand.u32 $0x7, v9;
	v8 =	vand.u32 $0x7, v1;
	v1 =	vand.u32 $0x7, v12  }
0x357: {  	v6 =	vor.u32 v5, v3;
	v4 =	vor.u32 v2, v13;
	v5 =	vor.u32 v10, v16  }
0x358: {  	s7 =	sadd.s32 $0x80, s7;
	v3 =	vor.u32 v17, v14;
	v2 =	vor.u32 v1, v15;
	v1 =	vor.u32 v9, v11  }
0x359: {  	_ =	sdelay $0x3  }
0x35a: {  	s6 =	simm.s32 $0x0;
	v6 =	vld.idx.msk [tilespmem:v6+s24+$0x0], $0xffff  }
0x35b: {  	s7 =	simm.s32 $0x70;
	v7 =	vor.u32 v8, v7;
	s10 =	simm.s32 $0x10;
	s8 =	simm.s32 $0x20;
	v5 =	vld.idx.msk [tilespmem:v5+s24+$0x0], $0xffff;
	v9 =	vor.u32 s6, v0  }
0x35c: {  	s9 =	simm.s32 $0x30;
	v4 =	vld.idx.msk [tilespmem:v4+s24+$0x0], $0xffff;
	v10 =	vor.u32 s7, v0;
	v12 =	vor.u32 s10, v0;
	v13 =	vor.u32 s8, v0  }
0x35d: {  	v3 =	vld.idx.msk [tilespmem:v3+s24+$0x0], $0xffff;
	v14 =	vor.u32 s9, v0;
	s8 =	simm.s32 $0x40;
	s9 =	simm.s32 $0x50;
	s10 =	simm.s32 $0x60;
	v8 =	vmul.u32 $0x3B5D, v9;
	v11 =	vmul.u32 $0x3B5D, v10  }
0x35e: {  	v2 =	vld.idx.msk [tilespmem:v2+s24+$0x0], $0xffff;
	v15 =	vor.u32 s8, v0;
	v16 =	vor.u32 s9, v0;
	v17 =	vor.u32 s10, v0  }
0x35f: {  	v1 =	vld.idx.msk [tilespmem:v1+s24+$0x0], $0xffff;
	v18 =	vmul.u32 $0x3B5D, v12;
	v20 =	vmul.u32 $0x3B5D, v13;
	v21 =	vmul.u32 $0x3B5D, v14;
	[tilespmem:s5+$0xFFFFFFD0] =	vst v6  }
0x360: {  	v22 =	vmul.u32 $0x3B5D, v15;
	v47 =	vmul.u32 $0x3B5D, v16;
	v11 =	vshrl.u32 v11, $0x16;
	[tilespmem:s5+$0xFFFFFFE0] =	vst v5  }
0x361: {  	v18 =	vshrl.u32 v18, $0x16;
	v20 =	vshrl.u32 v20, $0x16;
	v19 =	vmul.u32 $0xFFFFFEEC, v11;
	[tilespmem:s5+$0xFFFFFFF0] =	vst v4  }
0x362: {  	v6 =	vmul.u32 $0x3B5D, v17;
	v11 =	vmul.u32 $0x120, v11;
	v5 =	vshrl.u32 v21, $0x16;
	[tilespmem:s5+$0x0] =	vst v3  }
0x363: {  	v7 =	vld.idx.msk [tilespmem:v7+s24+$0x0], $0xffff;
	v48 =	vshrl.u32 v22, $0x16;
	v4 =	vshrl.u32 v47, $0x16;
	v3 =	vshrl.u32 v8, $0x16;
	[tilespmem:s5+$0x10] =	vst v2  }
0x364: {  	v2 =	vmul.u32 $0xFFFFFEEC, v18;
	[tilespmem:s5+$0x20] =	vst v1;
	v53 =	vmul.u32 $0x120, v20;
	v1 =	vmul.u32 $0xFFFFFEEC, v48  }
0x365: {  	v54 =	vmul.u32 $0x120, v48;
	v10 =	vadd.s32 v10, v19;
	v6 =	vshrl.u32 v6, $0x16  }
0x366: {  	v19 =	vmul.u32 $0xFFFFFEEC, v4;
	v2 =	vadd.s32 v12, v2;
	v4 =	vmul.u32 $0x120, v4  }
0x367: {  	v49 =	vand.u32 $0xFFFFFFF8, v10;
	v10 =	vand.u32 $0x7, v10;
	v50 =	vmul.u32 $0xFFFFFEEC, v6  }
0x368: {  	v1 =	vadd.s32 v15, v1;
	v55 =	vmul.u32 $0x120, v6;
	v6 =	vand.u32 $0xFFFFFFF8, v2;
	[tilespmem:s5+$0xFFFFFFC0] =	vst v7  }
0x369: {  	v2 =	vand.u32 $0x7, v2;
	v11 =	vadd.s32 v11, v49;
	v51 =	vadd.s32 v16, v19;
	[hbm4b:s19+s6] =	stream.linear.scatter [tilespmem:s28], [sflag:$0x3], $0x4500, $0x38;
	[tilespmem:$0x11E00] =	vst v63  }
0x36a: {  	v58 =	vand.u32 $0xFFFFFFF8, v1;
	v1 =	vand.u32 $0x7, v1;
	v8 =	vor.u32 v10, v11;
	_ =	swait.ge [sflag:s1], $0x4500  }
0x36b: {  	v10 =	vmul.u32 $0xFFFFFEEC, v20;
	v11 =	vmul.u32 $0xFFFFFEEC, v5;
	v7 =	vmul.u32 $0xFFFFFEEC, v3;
	[sflag:s1] =	ssyncset.done $0x0  }
0x36c: {  	v52 =	vadd.s32 v17, v50;
	v5 =	vmul.u32 $0x120, v5;
	v3 =	vmul.u32 $0x120, v3;
	[sflag:s1] =	ssyncadd.s32 $0xFFFFBB00  }
0x36d: {  	v59 =	vand.u32 $0xFFFFFFF8, v51;
	v15 =	vadd.s32 v54, v58;
	v60 =	vand.u32 $0xFFFFFFF8, v52;
	_ =	swait.ge [sflag:s30], $0x4800  }
0x36e: {  	v63 =	vadd.s32 v4, v59;
	v10 =	vadd.s32 v13, v10;
	v11 =	vadd.s32 v14, v11;
	[sflag:s30] =	ssyncset.done $0x0  }
0x36f: {  	v7 =	vadd.s32 v9, v7;
	v9 =	vmul.u32 $0x120, v18;
	v16 =	vadd.s32 v55, v60;
	[sflag:s30] =	ssyncadd.s32 $0xFFFFB800  }
0x370: {  	v56 =	vand.u32 $0xFFFFFFF8, v10;
	v57 =	vand.u32 $0xFFFFFFF8, v11;
	v61 =	vand.u32 $0xFFFFFFF8, v7;
	v62 =	vld.idx.msk [tilespmem:v8+s25+$0x0], $0xffff  }
0x371: {  	v4 =	vand.u32 $0x7, v11;
	v11 =	vand.u32 $0x7, v52;
	v9 =	vadd.s32 v9, v6  }
0x372: {  	v14 =	vadd.s32 v53, v56;
	v6 =	vadd.s32 v3, v61;
	v3 =	vand.u32 $0x7, v10  }
0x373: {  	v18 =	vadd.s32 v5, v57;
	v10 =	vand.u32 $0x7, v51;
	v5 =	vor.u32 v3, v14  }
0x374: {  	s5 =	simm.s32 $0xD940;
	v4 =	vor.u32 v4, v18;
	v8 =	vand.u32 $0x7, v7;
	v7 =	vor.u32 v2, v9  }
0x375: {  	s7 =	simm.s32 $0x80;
	s6 =	simm.s32 $0x0;
	v3 =	vor.u32 v1, v15;
	v1 =	vor.u32 v11, v16;
	v2 =	vor.u32 v10, v63;
	[tilespmem:s5+$0x30] =	vst v62  }
.LBB2_32:
0x376: {  	v9 =	vor.u32 s7, v0;
	s8 =	sadd.s32 $0x10, s7;
	s9 =	sadd.s32 $0x70, s7;
	s6 =	sadd.s32 $0x8, s6;
	v6 =	vor.u32 v8, v6  }
0x377: {  	s10 =	sadd.s32 $0x30, s7;
	v8 =	vmul.u32 $0x3B5D, v9;
	v10 =	vor.u32 s8, v0;
	s8 =	sadd.s32 $0x20, s7;
	v11 =	vor.u32 s9, v0;
	p0 =	slt.u32 s6, $0x448  }
0x378: {  	v13 =	vor.u32 s10, v0;
	s9 =	sadd.s32 $0x50, s7;
	s10 =	sadd.s32 $0x60, s7;
	v12 =	vor.u32 s8, v0;
	s8 =	sadd.s32 $0x40, s7;
	v14 =	vmul.u32 $0x3B5D, v11  }
0x379: {  	v16 =	vor.u32 s9, v0;
	v17 =	vor.u32 s10, v0;
	v15 =	vor.u32 s8, v0;
	v7 =	vld.idx.msk [tilespmem:v7+s25+$0x0], $0xffff  }
0x37a: {  	v18 =	vmul.u32 $0x3B5D, v10;
	v19 =	vmul.u32 $0x3B5D, v12;
	v14 =	vshrl.u32 v14, $0x16;
	v5 =	vld.idx.msk [tilespmem:v5+s25+$0x0], $0xffff  }
0x37b: {  	v20 =	vmul.u32 $0x3B5D, v13;
	v21 =	vmul.u32 $0x3B5D, v15;
	v22 =	vmul.u32 $0xFFFFFEEC, v14;
	v4 =	vld.idx.msk [tilespmem:v4+s25+$0x0], $0xffff  }
0x37c: {  	v23 =	vmul.u32 $0x3B5D, v16;
	v24 =	vmul.u32 $0x3B5D, v17;
	v18 =	vshrl.u32 v18, $0x16;
	v3 =	vld.idx.msk [tilespmem:v3+s25+$0x0], $0xffff  }
0x37d: {  	v19 =	vshrl.u32 v19, $0x16;
	v14 =	vmul.u32 $0x120, v14;
	v11 =	vadd.s32 v11, v22;
	v2 =	vld.idx.msk [tilespmem:v2+s25+$0x0], $0xffff  }
0x37e: {  	v20 =	vshrl.u32 v20, $0x16;
	v21 =	vshrl.u32 v21, $0x16;
	v22 =	vand.u32 $0xFFFFFFF8, v11;
	v1 =	vld.idx.msk [tilespmem:v1+s25+$0x0], $0xffff  }
0x37f: {  	v23 =	vshrl.u32 v23, $0x16;
	v11 =	vand.u32 $0x7, v11;
	v14 =	vadd.s32 v14, v22;
	v6 =	vld.idx.msk [tilespmem:v6+s25+$0x0], $0xffff;
	[tilespmem:s5+$0xFFFFFFD0] =	vst v7  }
0x380: {  	v7 =	vshrl.u32 v8, $0x16;
	v8 =	vshrl.u32 v24, $0x16;
	v11 =	vor.u32 v11, v14;
	[tilespmem:s5+$0xFFFFFFE0] =	vst v5  }
0x381: {  	v22 =	vmul.u32 $0xFFFFFEEC, v20;
	v5 =	vmul.u32 $0xFFFFFEEC, v18;
	v14 =	vmul.u32 $0xFFFFFEEC, v19;
	[tilespmem:s5+$0xFFFFFFF0] =	vst v4  }
0x382: {  	v24 =	vmul.u32 $0xFFFFFEEC, v23;
	v25 =	vmul.u32 $0xFFFFFEEC, v8;
	v4 =	vmul.u32 $0xFFFFFEEC, v21;
	[tilespmem:s5+$0x0] =	vst v3  }
0x383: {  	v3 =	vmul.u32 $0xFFFFFEEC, v7;
	v5 =	vadd.s32 v10, v5;
	v10 =	vadd.s32 v12, v14;
	[tilespmem:s5+$0x10] =	vst v2  }
0x384: {  	v12 =	vadd.s32 v16, v24;
	v2 =	vadd.s32 v13, v22;
	v4 =	vadd.s32 v15, v4;
	[tilespmem:s5+$0x20] =	vst v1  }
0x385: {  	v1 =	vadd.s32 v9, v3;
	v3 =	vmul.u32 $0x120, v18;
	v9 =	vadd.s32 v17, v25;
	v11 =	vld.idx.msk [tilespmem:v11+s25+$0x0], $0xffff;
	[tilespmem:s5+$0xFFFFFFC0] =	vst v6  }
0x386: {  	v14 =	vmul.u32 $0x120, v21;
	v13 =	vmul.u32 $0x120, v20;
	v6 =	vmul.u32 $0x120, v19  }
0x387: {  	v8 =	vmul.u32 $0x120, v8;
	v7 =	vmul.u32 $0x120, v7;
	v15 =	vmul.u32 $0x120, v23  }
0x388: {  	v16 =	vand.u32 $0xFFFFFFF8, v5;
	v17 =	vand.u32 $0xFFFFFFF8, v10;
	v18 =	vand.u32 $0xFFFFFFF8, v2  }
0x389: {  	v20 =	vand.u32 $0xFFFFFFF8, v12;
	v19 =	vand.u32 $0xFFFFFFF8, v4;
	v21 =	vand.u32 $0xFFFFFFF8, v9  }
0x38a: {  	v22 =	vand.u32 $0xFFFFFFF8, v1;
	s5 =	sadd.s32 $0x80, s5;
	v3 =	vadd.s32 v3, v16;
	v16 =	vadd.s32 v6, v17  }
0x38b: {  	v13 =	vadd.s32 v13, v18;
	v15 =	vadd.s32 v15, v20;
	v14 =	vadd.s32 v14, v19;
	[tilespmem:s5+$0x30] =	vst v11  }
.Ltmp15:
0x38c: {  	v5 =	vand.u32 $0x7, v5;
	v6 =	vadd.s32 v7, v22;
	v11 =	vadd.s32 v8, v21;
	(pc) =	sbr.rel @p0 .LBB2_32-.Ltmp15, $4  }
0x38d: {  	v10 =	vand.u32 $0x7, v10;
	v2 =	vand.u32 $0x7, v2;
	v17 =	vand.u32 $0x7, v4  }
0x38e: {  	v9 =	vand.u32 $0x7, v9;
	v8 =	vand.u32 $0x7, v1;
	v1 =	vand.u32 $0x7, v12  }
0x38f: {  	v7 =	vor.u32 v5, v3;
	v4 =	vor.u32 v2, v13;
	v5 =	vor.u32 v10, v16  }
0x390: {  	s7 =	sadd.s32 $0x80, s7;
	v3 =	vor.u32 v17, v14;
	v2 =	vor.u32 v1, v15;
	v1 =	vor.u32 v9, v11  }
0x391: {  	_ =	sdelay $0x3  }
0x392: {  	v7 =	vld.idx.msk [tilespmem:v7+s25+$0x0], $0xffff  }
0x393: {  	v6 =	vor.u32 v8, v6;
	v5 =	vld.idx.msk [tilespmem:v5+s25+$0x0], $0xffff  }
0x394: {  	v4 =	vld.idx.msk [tilespmem:v4+s25+$0x0], $0xffff  }
0x395: {  	v3 =	vld.idx.msk [tilespmem:v3+s25+$0x0], $0xffff  }
0x396: {  	v2 =	vld.idx.msk [tilespmem:v2+s25+$0x0], $0xffff  }
0x397: {  	v1 =	vld.idx.msk [tilespmem:v1+s25+$0x0], $0xffff;
	[tilespmem:s5+$0xFFFFFFD0] =	vst v7  }
0x398: {  	v6 =	vld.idx.msk [tilespmem:v6+s25+$0x0], $0xffff;
	[tilespmem:s5+$0xFFFFFFE0] =	vst v5  }
0x399: {  	[tilespmem:s5+$0xFFFFFFF0] =	vst v4  }
0x39a: {  	[tilespmem:s5+$0x0] =	vst v3  }
0x39b: {  	[tilespmem:s5+$0x10] =	vst v2  }
0x39c: {  	[tilespmem:s5+$0x20] =	vst v1  }
0x39d: {  	s29 =	sadd.s32 $0x1, s29;
	[tilespmem:s5+$0xFFFFFFC0] =	vst v6  }
0x39e: {  	[hbm4b:s20+s2] =	stream.linear.scatter [tilespmem:s31], [sflag:$0x4], $0x4500, $0x38;
	[tilespmem:$0x11E00] =	vst v63  }
0x39f: {  	p0 =	sne.s32 s29, s21;
	_ =	swait.ge [sflag:s0], $0x4500  }
.Ltmp16:
0x3a0: {  	[sflag:s0] =	ssyncset.done $0x0;
	(pc) =	sbr.rel @p0 .LBB2_1-.Ltmp16, $4  }
0x3a1: {  	[sflag:s0] =	ssyncadd.s32 $0xFFFFBB00  }
0x3a2: {  	_ =	swait.ge [sflag:s1], $0x4500  }
0x3a3: {  	[sflag:s1] =	ssyncset.done $0x0  }
0x3a4: {  	[sflag:s1] =	ssyncadd.s32 $0xFFFFBB00  }
0x3a5: {  	_ =	sfence.sel $0x180000  }
0x3a6: {  	[bflag:$0x0] =	sbarrier.arrive $0xFFFF  }
0x3a7: {  	_ =	strace $0x90000047  }
0x3a8: {  	s0 =	stileid.u32;
	[bflag:$0x2] =	sbarrier.arrive $0xFFFF  }
0x3a9: {  	p0 =	sne.s32 s0, $0x0;
	s0 =	rddreg [dreg:$0x2]  }
0x3aa: {  	s0 =	sadd.s32 @!p0 $0x100000, s0  }
0x3ab: {  	[sflag:s0] =	ssyncadd.tile.s32 @!p0 $0x1;
	_ =	shalt  }
.Lfunc_end2:
_tile_overlayer_lowered:
.L_overlay_start_2:
0x3ac: {  	(tag) =	ssettag $0x2  }
0x3ad: {  	s0 =	rddreg [dreg:$0x0];
	s2 =	stileid.u32  }
0x3ae: {  	s1 =	rddreg [dreg:$0x1];
	p0 =	sne.s32 s2, $0x0  }
0x3af: {  	s3 =	rddreg [dreg:$0x2];
	[bflag:$0x3] =	sbarrier.arrive $0xFFFF;
	s2 =	simm.s32 @!p0 $0x1C05  }
0x3b0: {  	[timem:s3], [sflag:s2] =	dma.local @!p0 [hbm:s0], s1  }
0x3b1: {  	s0 =	simm.s32 @!p0 $0x5  }
0x3b2: {  	_ =	swait.ge @!p0 [sflag:s0], s1  }
0x3b3: {  	s1 =	ssub.s32 @!p0 $0x0, s1;
	[sflag:s0] =	ssyncset.done @!p0 $0x0  }
0x3b4: {  	[sflag:s0] =	ssyncadd.s32 @!p0 s1  }
0x3b5: {  	[bflag:$0x3] =	sbarrier.arrive $0xFFFF  }
0x3b6: {  	_ =	shalt  }

// kernel: sparse-core-data-format-call.cloned.1.call-start
scs
called_computation_lowered:
.L_overlay_start_0:
0x0: {  	s2 =	sld [smem:$0x3FD9]  }
0x1: {  	s3 =	sld [smem:$0x3FFE];
	_ =	sdelay $0x1  }
0x2: {  	s1 =	srdreg.scid  }
0x3: {  	s0 =	sand.u32 $0x1, s1  }
0x4: {  	s18 =	sshll.u32 s0, $0xA;
	s2 =	sadd.s32 s3, s2  }
0x5: {  	s2 =	sadd.s32 s2, s18  }
0x6: {  	[smem:$0x3FC6] =	sst s2  }
0x7: {  	_ = 	snop  }
0x8: {  	s2 =	sld [smem:$0x3FD0];
	(tm) =	ssettm $0x1  }
0x9: {  	s19 =	sld [smem:$0x3FFB];
	_ =	sdelay $0x3  }
0xa: {  	_ =	strace s19  }
0xb: {  	s3 =	sld [smem:$0x3FFC];
	_ =	sdelay $0x3  }
0xc: {  	_ =	strace s3  }
0xd: {  	s3 =	sld [smem:$0x3FFD];
	_ =	sdelay $0x3  }
0xe: {  	_ =	strace s3  }
0xf: {  	_ =	strace $0x8FFFFFFF  }
0x10: {  	s20 =	sld [smem:$0x3FDB];
	_ =	sdelay $0x1  }
0x11: {  	s4 =	simm.s32 $_scs_section_size  }
0x12: {  	s5 =	simm.s32 $_size__tile_overlayer_lowered;
	s6 =	simm.s32 $_tile_overlayer_lowered  }
0x13: {  	s23 =	simm.s32 $0x1BFF;
	s22 =	sshll.u32 s6, $0x1;
	s3 =	sadd.s32 s4, s20  }
0x14: {  	s7 =	simm.s32 $0x0;
	s21 =	sshll.u32 s5, $0x1;
	s5 =	sadd.s32 s22, s3  }
0x15: {  	[timem:s7], [sflag:s23] =	dma.local [hbm:s5], s21  }
0x16: {  	_ =	swait.ge [sflag:s23], s21  }
0x17: {  	s4 =	ssub.s32 $0x0, s21;
	[sflag:s23] =	ssyncset.done $0x0  }
0x18: {  	[sflag:s23] =	ssyncadd.s32 s4;
	_ =	sdelay $0x1  }
0x19: {  	s24 =	simm.s32 $0x1B8B  }
0x1a: {  	_ =	swait.ge [sflag:s24], $0x1  }
0x1b: {  	[sflag:s24] =	ssyncset.done $0x0  }
0x1c: {  	s26 =	simm.s32 $0x1B8E;
	s25 =	sld [smem:$0x3FFE];
	[sflag:s24] =	ssyncadd.s32 $0xFFFFFFFF  }
0x1d: {  	s27 =	simm.s32 $execute0_lowered;
	[smem:$0x3FD2] =	sst s26  }
0x1e: {  	s5 =	sshll.u32 s27, $0x1;
	_ =	strace $0x80000049;
	[dreg:$0x1] =	wrdreg $0xFFFFFFFF  }
0x1f: {  	s28 =	simm.s32 $_size_execute0_lowered;
	s3 =	sadd.s32 s3, s5;
	[dreg:$0x0] =	wrdreg $0x0  }
0x20: {  	s5 =	sshll.u32 s28, $0x1;
	[dreg:$0x2] =	wrdreg s3  }
0x21: {  	[dreg:$0x3] =	wrdreg s5  }
0x22: {  	[dreg:$0x4] =	wrdreg $0xC0  }
0x23: {  	_ =	task [dreg:s7], $0x5FFFF  }
0x24: {  	[dreg:$0x1] =	wrdreg $0xFFFFFFFF  }
0x25: {  	[dreg:$0x0] =	wrdreg $0x60  }
0x26: {  	[dreg:$0x2] =	wrdreg s25  }
0x27: {  	[dreg:$0x3] =	wrdreg s2  }
0x28: {  	[dreg:$0x4] =	wrdreg $0x9  }
0x29: {  	_ =	task.clear_ibuf [dreg:s7], $0x5FFFF;
	_ =	strace $0x90000049  }
0x2a: {  	s29 =	simm.s32 $0x9;
	_ =	strace $0x8000004B  }
0x2b: {  	_ =	swait.ge [sflag:s29], $0x1  }
0x2c: {  	[sflag:s29] =	ssyncadd.s32 $0xFFFFFFFF  }
0x2d: {  	_ =	strace $0x9000004B  }
0x2e: {  	_ =	sfence  }
0x2f: {  	s30 =	sld [smem:$0x0];
	_ =	sdelay $0x2  }
0x30: {  	s31 =	sshll.u32 s1, $0xD;
	s1 =	sshrl.u32 s1, $0x2  }
0x31: {  	s3 =	sand.u32 $0x4000, s31;
	s1 =	sadd.s32 s1, s30  }
0x32: {  	s0 =	sor.u32 s3, s0;
	s1 =	sshll.u32 s1, $0x11  }
0x33: {  	s0 =	sor.u32 s1, s0  }
0x34: {  	s0 =	sadd.s32 $0x8F2B, s0  }
0x35: {  	[sflag:s0] =	ssyncadd.remote.s32 $0x1  }
0x36: {  	_ =	sfence.sel $0xFFFF  }
0x37: {  	[dreg:$0x0] =	wrdreg $0xFFFFFFFF;
	(pc) =	sbr.abs _section_cstart, $3  }
0x38: {  	[dreg:$0x1] =	wrdreg $0xFFFFFFFF  }
0x39: {  	_ =	task.clear_ibuf [dreg:s7], $0x2FFFF;
	_ =	strace $0x9FFFFFFF  }
0x3a: {  	(tm) =	ssettm $0x7FFFFFFF  }
0x3b: {  	_ =	shalt  }
tec
execute0_lowered:
.L_overlay_start_1:
0x0: {  	(tag) =	ssettag $0x1  }
0x1: {  	s0 =	srdreg.scid  }
0x2: {  	s1 =	sshll.u32 s0, $0x4  }
0x3: {  	s6 =	rddreg [dreg:$0x0];
	s0 =	stileid.u32;
	s1 =	sand.u32 $0x10, s1  }
0x4: {  	s3 =	rddreg [dreg:$0x1];
	s1 =	sor.u32 s0, s1  }
0x5: {  	s5 =	simm.s32 $0x1;
	s31 =	simm.s32 $0x2;
	s2 =	sshll.u32 s1, $0x7  }
0x6: {  	s15 =	simm.s32 $0x0;
	s8 =	simm.s32 $0x20000;
	s4 =	ssub.s32 $0x4000, s2  }
0x7: {  	s14 =	simm.s32 $0x0;
	s9 =	simm.s32 $0x0;
	s30 =	sand.u32 $0xF80, s4  }
0x8: {  	s10 =	simm.s32 $0x0;
	s11 =	simm.s32 $0x0;
	p0 =	sne.s32 s30, $0x0  }
.Ltmp0:
0x9: {  	s7 =	sshrl.u32 s4, $0xC;
	s5 =	simm.s32 @!p0 $0x0;
	(pc) =	sbr.rel .LBB1_1-.Ltmp0, $4  }
0xa: {  	s13 =	simm.s32 $0x0;
	s1 =	rddreg [dreg:$0x2];
	s5 =	sadd.s32 s5, s7  }
0xb: {  	_ =	strace $0x8000004A;
	s4 =	simm.s32 $0x1;
	s5 =	smul.u32 $0x5, s5  }
0xc: {  	s6 =	sadd.s32 $0xA00, s6;
	s12 =	smov.u32 s2;
	[sflag:s4] =	ssyncpa.u1 $0x0  }
0xd: {  	[sflag:s31] =	ssyncpa.u1 $0x0;
	p0 =	por $0x0, $0x0;
	s7 =	sadd.s32 $0x1, s5  }
.LBB1_4:
0xe: {  	s20 =	sshra.s32 s20, $0x2  }
0xf: {  	s28 =	sand.u32 $0x78, s10;
	s21 =	sshll.u32 s9, $0xE;
	s22 =	sshll.u32 s10, $0x3  }
0x10: {  	s24 =	sshll.u32 s9, $0x7;
	p1 =	sgt.s32 s9, $0x1A8;
	s30 =	sshra.s32 s9, $0x1F  }
0x11: {  	s26 =	sshra.s32 s10, $0x1F;
	s19 =	sadd.s32 s20, s19;
	s21 =	sand.u32 $0xFFFE0000, s21  }
0x12: {  	v5 =	vld [tilespmem:s17+$0xFFFFFFD0];
	[tilespmem:s18+$0x2040 ss:$0x81] =	vst.msk $0xffff, v4;
	s23 =	sand.u32 $0xFFFFFC00, s22;
	s29 =	sand.u32 $0x380, s24;
	s22 =	sand.u32 $0x3C00, s22  }
0x13: {  	v58 =	vld [tilespmem:s17+$0xFFFFFFE0];
	[tilespmem:s18+$0x2850 ss:$0x81] =	vst.msk $0xffff, v3;
	s21 =	sadd.s32 s23, s21;
	s20 =	sor.u32 s28, s22;
	s22 =	smov.u32 s9  }
0x14: {  	v59 =	vld [tilespmem:s17+$0xFFFFFFF0];
	[tilespmem:s18+$0x3060 ss:$0x81] =	vst.msk $0xffff, v2;
	s24 =	sand.u32 s30, s9;
	s21 =	sshrl.u32 s21, $0xE;
	s22 =	simm.s32 @!p1 $0x1A8  }
0x15: {  	v60 =	vld [tilespmem:s17+$0x0];
	[tilespmem:s18+$0x0 ss:$0x81] =	vst.msk $0xffff, v1;
	p1 =	sgt.s32 s10, $0x3F80;
	s31 =	ssub.s32 s22, s24;
	s22 =	smov.u32 s10  }
0x16: {  	v61 =	vld [tilespmem:s17+$0x10];
	[tilespmem:s19+$0x3870 ss:$0x81] =	vst.msk $0xffff, v0;
	s25 =	smulhi.u32 $0x76B982, s21;
	s24 =	sand.u32 s26, s10;
	s22 =	simm.s32 @!p1 $0x3F80  }
0x17: {  	v62 =	vld [tilespmem:s17+$0x20];
	s20 =	sor.u32 s29, s20;
	[tilespmem:s19+$0x810 ss:$0x81] =	vst.msk $0xffff, v5;
	s27 =	sadd.s32 $0xFFFFFE58, s31;
	s22 =	ssub.s32 s22, s24  }
0x18: {  	v63 =	vld [tilespmem:s17+$0xFFFFFFC0];
	[tilespmem:s19+$0x1020 ss:$0x81] =	vst.msk $0xffff, v58;
	s18 =	ssub.s32 $0x228, s31;
	s28 =	smul.u32 $0x228, s25;
	s29 =	sadd.s32 $0xFFFFC080, s22  }
0x19: {  	[tilespmem:s19+$0x1830 ss:$0x81] =	vst.msk $0xffff, v59;
	p1 =	sgt.s32 s27, $0x7F;
	s22 =	ssub.s32 $0x4000, s22;
	p2 =	sgt.s32 s29, $0x7F  }
0x1a: {  	s30 =	sand.u32 $0x7, s10;
	[tilespmem:s19+$0x2040 ss:$0x81] =	vst.msk $0xffff, v60;
	s18 =	simm.s32 @p1 $0x0;
	s22 =	simm.s32 @p2 $0x0  }
0x1b: {  	s20 =	sshrl.u32 s20, $0x3;
	[tilespmem:s19+$0x2850 ss:$0x81] =	vst.msk $0xffff, v61;
	s17 =	ssub.s32 s21, s28;
	s18 =	smul.u32 s22, s18  }
0x1c: {  	[tilespmem:s19+$0x3060 ss:$0x81] =	vst.msk $0xffff, v62;
	s20 =	sadd.s32 s3, s20;
	s21 =	sshll.u32 s30, $0x12;
	s17 =	sshll.u32 s17, $0xB  }
0x1d: {  	[tilespmem:s19+$0x0 ss:$0x81] =	vst.msk $0xffff, v63;
	s31 =	sor.u32 $0x400, s21;
	s17 =	sadd.s32 s17, s20;
	s18 =	sand.u32 $0x3FFFFFFF, s18  }
0x1e: {  	[hbm4b:s17+s31] =	stream.strided.scatter [tilespmem:s16], [sflag:$0x2], s18, s8, s31, $0x20;
	[tilespmem:$0x10100] =	vst v63  }
.LBB1_5:
0x1f: {  	p1 =	slt.u32 s13, $0x2  }
0x20: {  	s17 =	smov.u32 s15;
	p2 =	sgt.s32 @!p1 s15, $0x1A8;
	s16 =	sshra.s32 @!p1 s15, $0x1F  }
0x21: {  	p3 =	sgt.s32 @!p1 s14, $0x3F80;
	s18 =	sshra.s32 @!p1 s14, $0x1F;
	p2 =	por !p2, p1  }
0x22: {  	s15 =	sand.u32 @!p1 s16, s15;
	p3 =	por !p3, p1;
	s16 =	smov.u32 s14  }
0x23: {  	s14 =	sand.u32 @!p1 s18, s14;
	s17 =	simm.s32 @p2 $0x1A8;
	s16 =	simm.s32 @p3 $0x3F80  }
0x24: {  	s15 =	ssub.s32 @!p1 s17, s15;
	s14 =	ssub.s32 @!p1 s16, s14  }
0x25: {  	s18 =	smov.u32 s12;
	s16 =	sadd.s32 @!p1 $0xFFFFFE58, s15;
	s17 =	sadd.s32 @!p1 $0xFFFFC080, s14  }
0x26: {  	s15 =	ssub.s32 @!p1 $0x228, s15;
	p2 =	sgt.s32 @!p1 s16, $0x7F;
	p3 =	sgt.s32 @!p1 s17, $0x7F  }
0x27: {  	s14 =	ssub.s32 @!p1 $0x4000, s14;
	p2 =	por !p2, p1;
	p3 =	por !p3, p1  }
0x28: {  	s16 =	sadd.s32 $0x80, s11;
	s15 =	simm.s32 @!p2 $0x0;
	s14 =	simm.s32 @!p3 $0x0  }
0x29: {  	p2 =	sgt.s32 s16, $0x227;
	s14 =	smul.u32 @!p1 s14, s15;
	s15 =	sadd.s32 $0x1000, s12  }
0x2a: {  	s18 =	smov.u32 @p2 s15  }
0x2b: {  	s16 =	simm.s32 @p2 $0x0;
	p2 =	sgt.s32 s18, $0x3FFF  }
0x2c: {  	s18 =	smov.u32 @p2 s2;
	p2 =	sne.s32 s13, s7  }
.Ltmp1:
0x2d: {  	p0 =	por !p0, !p0;
	s17 =	simm.s32 @!p1 $0x2;
	(pc) =	sbr.rel @!p2 .LBB1_6-.Ltmp1, $4  }
0x2e: {  	s15 =	smov.u32 s9;
	s9 =	smov.u32 s11;
	s14 =	sand.u32 @!p1 $0x3FFFFFFF, s14  }
0x2f: {  	s11 =	smov.u32 s16;
	_ =	swait.ge @!p1 [sflag:s17], s14;
	s19 =	ssub.s32 @!p1 $0x0, s14  }
0x30: {  	s14 =	smov.u32 s10;
	s13 =	sadd.s32 $0x1, s13;
	[sflag:s17] =	ssyncset.done @!p1 $0x0  }
0x31: {  	s10 =	smov.u32 s12;
	s12 =	smov.u32 s18;
	[sflag:s17] =	ssyncadd.s32 @!p1 s19  }
.LBB1_1:
0x32: {  	p1 =	sge.u32 s13, s5  }
0x33: {  	s16 =	sshrl.u32 @!p1 s12, $0x3  }
0x34: {  	s17 =	sshll.u32 @!p1 s11, $0x3;
	s16 =	smul.u32 @!p1 $0x1400, s16  }
0x35: {  	s18 =	sshll.u32 @!p1 s12, $0x7;
	s17 =	sand.u32 @!p1 $0xFFFFFC00, s17  }
0x36: {  	s16 =	sadd.s32 @!p1 s16, s17;
	s17 =	sand.u32 @!p1 $0x380, s18  }
0x37: {  	s18 =	sand.u32 @!p1 $0x7F, s11;
	s16 =	sor.u32 @!p1 s17, s16  }
0x38: {  	s17 =	sor.u32 @!p1 s18, s16  }
0x39: {  	s18 =	smulhi.u32 @!p1 $0xCCCCCCCD, s17;
	_ =	sdelay $0x1  }
0x3a: {  	s16 =	smulhi.u32 @!p1 $0xCCCCCCCD, s16;
	s18 =	sshrl.u32 @!p1 s18, $0x9  }
0x3b: {  	s18 =	smul.u32 @!p1 $0x280, s18  }
0x3c: {  	s31 =	sadd.s32 $0xFFFFFFFF, s13;
	s19 =	sxor.u32 @!p1 $0xFFFFFFFF, s13;
	s16 =	sshrl.u32 @!p1 s16, $0x9  }
0x3d: {  	s19 =	sshll.u32 @!p1 s19, $0xE;
	s16 =	sand.u32 @!p1 $0x3FFF, s16;
	s17 =	ssub.s32 @!p1 s17, s18  }
0x3e: {  	s16 =	smul.u32 @!p1 $0x50, s16;
	s18 =	sshrl.u32 @!p1 s17, $0x3;
	s17 =	sand.u32 @!p1 $0x7, s17  }
0x3f: {  	s19 =	sand.u32 @!p1 $0x4000, s19;
	s18 =	sadd.s32 @!p1 s6, s18;
	s17 =	sshll.u32 @!p1 s17, $0x12  }
0x40: {  	s16 =	sadd.s32 @!p1 s16, s18;
	s17 =	sor.u32 @!p1 $0x400, s17;
	s18 =	simm.s32 @!p1 $0x1400  }
0x41: {  	[tilespmem:s19], [sflag:$0x1] =	stream.strided.gather @!p1 [hbm4b:s16+s17], $0x4000, s18, s17, $0x38;
	[tilespmem:$0x10100] =	vst v63  }
0x42: {  	p1 =	sge.u32 s31, s5  }
.Ltmp2:
0x43: {  	_ = 	snop;
	(pc) =	sbr.rel @p1 .LBB1_5-.Ltmp2, $1  }
0x44: {  	_ =	sdelay $0x3  }
0x45: {  	s16 =	simm.s32 $0x1  }
0x46: {  	_ =	swait.ge [sflag:s4], $0x4000;
	s16 =	simm.s32 @!p0 $0x0  }
0x47: {  	[sflag:s4] =	ssyncset.done $0x0;
	s17 =	sshll.u32 s16, $0xE  }
0x48: {  	[sflag:s4] =	ssyncadd.s32 $0xFFFFC000;
	s17 =	sor.u32 $0x40, s17  }
0x49: {  	s16 =	smul.u32 $0x10200, s16;
	v0 =	vld [tilespmem:s17+$0x30]  }
0x4a: {  	v1 =	vld [tilespmem:s17+$0xFFFFFFD0]  }
0x4b: {  	s16 =	sshrl.u32 s16, $0x2;
	v5 =	vld [tilespmem:s17+$0xFFFFFFE0]  }
0x4c: {  	v6 =	vld [tilespmem:s17+$0xFFFFFFF0];
	s19 =	sor.u32 $0x8000, s16  }
0x4d: {  	s31 =	sand.u32 $0x1, s13;
	v4 =	vld [tilespmem:s17+$0x0];
	s18 =	sadd.s32 $0x0, s19  }
0x4e: {  	v3 =	vld [tilespmem:s17+$0x10];
	s16 =	smul.u32 $0x10200, s31;
	[tilespmem:s18+$0x3870 ss:$0x81] =	vst.msk $0xffff, v0  }
0x4f: {  	v2 =	vld [tilespmem:s17+$0x20];
	[tilespmem:s18+$0x810 ss:$0x81] =	vst.msk $0xffff, v1  }
0x50: {  	s16 =	sshrl.u32 s16, $0x2;
	v1 =	vld [tilespmem:s17+$0xFFFFFFC0];
	[tilespmem:s18+$0x1020 ss:$0x81] =	vst.msk $0xffff, v5;
	s17 =	sadd.s32 $0x80, s17  }
0x51: {  	s20 =	simm.s32 $0x4;
	s21 =	simm.s32 $0x8;
	s16 =	sor.u32 $0x8000, s16;
	[tilespmem:s18+$0x1830 ss:$0x81] =	vst.msk $0xffff, v6;
	v0 =	vld [tilespmem:s17+$0x30]  }
.LBB1_3:
0x52: {  	p1 =	sne.s32 s21, $0x1FC;
	v5 =	vld [tilespmem:s17+$0xFFFFFFD0];
	[tilespmem:s18+$0x2040 ss:$0x81] =	vst.msk $0xffff, v4  }
0x53: {  	v6 =	vld [tilespmem:s17+$0xFFFFFFE0];
	[tilespmem:s18+$0x2850 ss:$0x81] =	vst.msk $0xffff, v3  }
0x54: {  	s22 =	sshra.s32 s20, $0x2;
	s20 =	smov.u32 s21;
	v7 =	vld [tilespmem:s17+$0xFFFFFFF0];
	[tilespmem:s18+$0x3060 ss:$0x81] =	vst.msk $0xffff, v2  }
.Ltmp3:
0x55: {  	v4 =	vld [tilespmem:s17+$0x0];
	[tilespmem:s18+$0x0 ss:$0x81] =	vst.msk $0xffff, v1;
	s18 =	sadd.s32 s22, s19;
	(pc) =	sbr.rel @p1 .LBB1_3-.Ltmp3, $4  }
0x56: {  	v3 =	vld [tilespmem:s17+$0x10];
	[tilespmem:s18+$0x3870 ss:$0x81] =	vst.msk $0xffff, v0  }
0x57: {  	[tilespmem:s18+$0x810 ss:$0x81] =	vst.msk $0xffff, v5;
	v2 =	vld [tilespmem:s17+$0x20]  }
0x58: {  	v1 =	vld [tilespmem:s17+$0xFFFFFFC0];
	[tilespmem:s18+$0x1020 ss:$0x81] =	vst.msk $0xffff, v6;
	s17 =	sadd.s32 $0x80, s17  }
0x59: {  	s21 =	sadd.s32 $0x4, s21;
	v0 =	vld [tilespmem:s17+$0x30];
	[tilespmem:s18+$0x1830 ss:$0x81] =	vst.msk $0xffff, v7  }
.Ltmp4:
0x5a: {  	_ = 	snop;
	(pc) =	sbr.rel .LBB1_4-.Ltmp4, $1  }
0x5b: {  	_ =	sdelay $0x3  }
.LBB1_6:
0x5c: {  	_ =	sfence.sel $0x180000  }
0x5d: {  	s2 =	simm.s32 $0x1;
	[bflag:$0x0] =	sbarrier.arrive $0xFFFF  }
0x5e: {  	s31 =	simm.s32 $0x2;
	[sflag:s2] =	ssyncpa.u1 $0x1  }
0x5f: {  	[sflag:s31] =	ssyncpa.u1 $0x1  }
0x60: {  	p0 =	sne.s32 s0, $0x0;
	_ =	strace $0x9000004A  }
0x61: {  	s0 =	sadd.s32 @!p0 $0x100000, s1;
	[bflag:$0x2] =	sbarrier.arrive $0xFFFF  }
0x62: {  	[sflag:s0] =	ssyncadd.tile.s32 @!p0 $0x1;
	_ =	shalt  }
.Lfunc_end1:
_tile_overlayer_lowered:
.L_overlay_start_2:
0x63: {  	(tag) =	ssettag $0x2  }
0x64: {  	s0 =	rddreg [dreg:$0x0];
	s2 =	stileid.u32  }
0x65: {  	s1 =	rddreg [dreg:$0x1];
	p0 =	sne.s32 s2, $0x0  }
0x66: {  	s3 =	rddreg [dreg:$0x2];
	[bflag:$0x3] =	sbarrier.arrive $0xFFFF;
	s2 =	simm.s32 @!p0 $0x1C01  }
0x67: {  	[timem:s3], [sflag:s2] =	dma.local @!p0 [hbm:s0], s1  }
0x68: {  	s0 =	simm.s32 @!p0 $0x1  }
0x69: {  	_ =	swait.ge @!p0 [sflag:s0], s1  }
0x6a: {  	s1 =	ssub.s32 @!p0 $0x0, s1;
	[sflag:s0] =	ssyncset.done @!p0 $0x0  }
0x6b: {  	[sflag:s0] =	ssyncadd.s32 @!p0 s1  }
0x6c: {  	[bflag:$0x3] =	sbarrier.arrive $0xFFFF  }
0x6d: {  	_ =	shalt  }

</sc_bundles>
